<compile_context>
chip_gen: v7x
topology: tpu7x:2x2x1
jax: 0.10.2.dev20260603
libtpu: 0.0.44.dev20260713+nightly
codegen_flags: <defaults>
</compile_context>

<pallas_src>
import jax
import jax.numpy as jnp
from jax import lax
from jax.experimental import pallas as pl
from jax.experimental.pallas import tpu as pltpu
from jax.experimental.pallas import tpu_sc as plsc

N_NODES = 10000
N_EDGES = 320000
D = 128
N_GRAPHS = 16

NC = 2
NS = 16
NW = NC * NS
EPW = N_EDGES // NW
MCH = 128
NFULL = EPW // MCH
TAIL = EPW - NFULL * MCH
PAD_NODES = 10240
SLICE = PAD_NODES // NS

RA = 624
RB = N_NODES - (NS - 1) * RA

BLK = 2000
NBLK = N_NODES // BLK

_mesh = plsc.VectorSubcoreMesh(core_axis_name="c", subcore_axis_name="s",
                               num_cores=NC, num_subcores=NS)


def _sc_deg_body(dst_hbm, dtail_hbm, zeros_hbm, out_hbm, didx, dtail, ones_v,
                 acc_sh, isem):
    c = lax.axis_index("c")
    s = lax.axis_index("s")
    wid = c * NS + s
    cp0 = pltpu.async_copy(dst_hbm.at[wid], didx, isem)
    cp1 = pltpu.async_copy(dtail_hbm.at[wid], dtail, isem)
    pltpu.sync_copy(zeros_hbm, acc_sh.at[pl.ds(s * SLICE, SLICE)])
    for j in range(MCH // 16):
        ones_v[pl.ds(j * 16, 16)] = jnp.full((16,), 1.0, jnp.float32)
    cp0.wait()
    cp1.wait()
    plsc.subcore_barrier()

    def body(i, carry):
        pltpu.sync_copy(ones_v, acc_sh.at[didx.at[i]], add=True)
        return carry

    lax.fori_loop(0, NFULL, body, 0)
    pltpu.sync_copy(ones_v.at[pl.ds(0, TAIL)], acc_sh.at[dtail], add=True)
    plsc.subcore_barrier()
    pltpu.sync_copy(acc_sh.at[pl.ds(s * SLICE, SLICE)],
                    out_hbm.at[c, pl.ds(s * SLICE, SLICE)])


_deg_call = pl.kernel(
    _sc_deg_body,
    out_type=jax.ShapeDtypeStruct((NC, PAD_NODES), jnp.float32),
    mesh=_mesh,
    scratch_types=[
        pltpu.VMEM((NFULL, MCH), jnp.int32),
        pltpu.VMEM((TAIL,), jnp.int32),
        pltpu.VMEM((MCH,), jnp.float32),
        pltpu.VMEM_SHARED((PAD_NODES,), jnp.float32),
        pltpu.SemaphoreType.DMA,
    ],
)


def _sc_msg_body(tbl_hbm, edges_hbm, zeros_hbm, out_hbm,
                 idx, tidx, rows, trows, acc_sh, gsem, isem, ssem):
    c = lax.axis_index("c")
    s = lax.axis_index("s")
    wid = c * NS + s
    ra, rb = RA, RB

    def load_idx(i, r):
        pltpu.async_copy(edges_hbm.at[0, wid, pl.ds(i * MCH, MCH)],
                         idx.at[r, 0], isem.at[r])
        pltpu.async_copy(edges_hbm.at[1, wid, pl.ds(i * MCH, MCH)],
                         idx.at[r, 1], isem.at[r])

    def wait_idx(i, r):
        pltpu.make_async_copy(edges_hbm.at[0, wid, pl.ds(i * MCH, MCH)],
                              idx.at[r, 0], isem.at[r]).wait()
        pltpu.make_async_copy(edges_hbm.at[1, wid, pl.ds(i * MCH, MCH)],
                              idx.at[r, 1], isem.at[r]).wait()

    load_idx(0, 0)
    load_idx(1, 1)
    load_idx(2, 2)

    @pl.when(s < NS - 1)
    def _():
        pltpu.sync_copy(zeros_hbm.at[pl.ds(0, ra)],
                        acc_sh.at[pl.ds(s * ra, ra)])

    @pl.when(s == NS - 1)
    def _():
        pltpu.sync_copy(zeros_hbm, acc_sh.at[pl.ds((NS - 1) * ra, rb)])

    wait_idx(0, 0)
    plsc.subcore_barrier()

    pltpu.async_copy(tbl_hbm.at[idx.at[0, 0]], rows.at[0], gsem.at[0])

    def body(i, carry):
        p = lax.rem(i, 2)
        r = lax.rem(i, 4)
        pltpu.make_async_copy(tbl_hbm.at[idx.at[r, 0]], rows.at[p],
                              gsem.at[p]).wait()
        pltpu.async_copy(rows.at[p], acc_sh.at[idx.at[r, 1]], ssem.at[p],
                         add=True)

        @pl.when(i + 1 < NFULL)
        def _():
            q = lax.rem(i + 1, 2)
            r1 = lax.rem(i + 1, 4)

            @pl.when(i > 0)
            def _():
                rp = lax.rem(i + 3, 4)
                pltpu.make_async_copy(rows.at[q], acc_sh.at[idx.at[rp, 1]],
                                      ssem.at[q]).wait()

            wait_idx(i + 1, r1)
            pltpu.async_copy(tbl_hbm.at[idx.at[r1, 0]], rows.at[q],
                             gsem.at[q])

            @pl.when(i + 3 < NFULL)
            def _():
                r3 = lax.rem(i + 3, 4)
                load_idx(i + 3, r3)

        return carry

    lax.fori_loop(0, NFULL, body, 0)
    last = NFULL - 1
    pltpu.make_async_copy(rows.at[(last - 1) % 2],
                          acc_sh.at[idx.at[(last - 1) % 4, 1]],
                          ssem.at[(last - 1) % 2]).wait()
    pltpu.make_async_copy(rows.at[last % 2], acc_sh.at[idx.at[last % 4, 1]],
                          ssem.at[last % 2]).wait()

    pltpu.sync_copy(edges_hbm.at[0, wid, pl.ds(NFULL * MCH, TAIL)],
                    tidx.at[0])
    pltpu.sync_copy(edges_hbm.at[1, wid, pl.ds(NFULL * MCH, TAIL)],
                    tidx.at[1])
    pltpu.async_copy(tbl_hbm.at[tidx.at[0]], trows, gsem.at[0]).wait()
    pltpu.sync_copy(trows, acc_sh.at[tidx.at[1]], add=True)

    plsc.subcore_barrier()

    @pl.when(s < NS - 1)
    def _():
        pltpu.sync_copy(acc_sh.at[pl.ds(s * ra, ra)],
                        out_hbm.at[c, pl.ds(s * ra, ra)])

    @pl.when(s == NS - 1)
    def _():
        pltpu.sync_copy(acc_sh.at[pl.ds((NS - 1) * ra, rb)],
                        out_hbm.at[c, pl.ds((NS - 1) * ra, rb)])


_msg_call = pl.kernel(
    _sc_msg_body,
    out_type=jax.ShapeDtypeStruct((NC, N_NODES, D), jnp.float32),
    mesh=_mesh,
    scratch_types=[
        pltpu.VMEM((4, 2, MCH), jnp.int32),
        pltpu.VMEM((2, TAIL), jnp.int32),
        pltpu.VMEM((2, MCH, D), jnp.float32),
        pltpu.VMEM((TAIL, D), jnp.float32),
        pltpu.VMEM_SHARED((N_NODES, D), jnp.float32),
        pltpu.SemaphoreType.DMA((2,)),
        pltpu.SemaphoreType.DMA((4,)),
        pltpu.SemaphoreType.DMA((2,)),
    ],
)


def _dinv_of(c0_ref, c1_ref):
    return lax.rsqrt(c0_ref[0, 0, :] + c1_ref[0, 0, :] + 1.0)


def _tc_mm1_body(x_ref, w_ref, c0_ref, c1_ref, o_ref):
    dinv = _dinv_of(c0_ref, c1_ref)
    xw = jnp.dot(x_ref[...], w_ref[...], preferred_element_type=jnp.float32)
    o_ref[...] = xw * dinv[:, None]


def _tc_mid_body(p0_ref, p1_ref, t1_ref, c0_ref, c1_ref, b1_ref, w2_ref, o_ref):
    dinv = _dinv_of(c0_ref, c1_ref)
    acc = (p0_ref[0].astype(jnp.float32) + p1_ref[0].astype(jnp.float32)
           + t1_ref[...].astype(jnp.float32))
    h = jnp.maximum(acc * dinv[:, None] + b1_ref[...], 0.0)
    hw = jnp.dot(h, w2_ref[...], preferred_element_type=jnp.float32)
    o_ref[...] = hw * dinv[:, None]


def _tc_pool_body(p0_ref, p1_ref, t2_ref, c0_ref, c1_ref, b2_ref, batch_ref,
                  o_ref, sum_s, cnt_s):
    i = pl.program_id(0)

    @pl.when(i == 0)
    def _():
        sum_s[...] = jnp.zeros_like(sum_s)
        cnt_s[...] = jnp.zeros_like(cnt_s)

    dinv = _dinv_of(c0_ref, c1_ref)
    feats = ((p0_ref[0].astype(jnp.float32) + p1_ref[0].astype(jnp.float32)
              + t2_ref[...].astype(jnp.float32)) * dinv[:, None]
             + b2_ref[...])
    b = batch_ref[0, 0, :]
    onehot = (b[:, None] == lax.broadcasted_iota(jnp.int32, (BLK, N_GRAPHS), 1)
              ).astype(jnp.float32)
    sum_s[...] += lax.dot_general(onehot, feats, (((0,), (0,)), ((), ())),
                                  preferred_element_type=jnp.float32)
    cnt_s[...] += jnp.sum(onehot, axis=0)[:, None]

    @pl.when(i == pl.num_programs(0) - 1)
    def _():
        o_ref[...] = sum_s[...] / jnp.maximum(cnt_s[...], 1.0)


def _cnt_spec():
    return pl.BlockSpec((1, 1, BLK), lambda i: (i, 0, 0))


def _row_spec():
    return pl.BlockSpec((BLK, D), lambda i: (i, 0))


def _part_spec():
    return pl.BlockSpec((1, BLK, D), lambda i: (i, 0, 0))


def _full_spec(shape):
    n = len(shape)
    return pl.BlockSpec(shape, lambda i: (0,) * n)


def kernel(x, edge_index, batch, W1, b1, W2, b2):
    ei = edge_index.astype(jnp.int32)
    dstw = ei[1].reshape(NW, EPW)
    dst = dstw[:, :NFULL * MCH].reshape(NW, NFULL, MCH)
    dtail = dstw[:, NFULL * MCH:]
    edges = ei.reshape(2, NW, EPW)
    batch = batch.astype(jnp.int32)
    zeros1 = jnp.zeros((SLICE,), jnp.float32)
    zeros2 = jnp.zeros((RB, D), jnp.float32)
    b1r = b1.reshape(1, D)
    b2r = b2.reshape(1, D)

    cnt = _deg_call(dst, dtail, zeros1)
    c0 = cnt[0, :N_NODES].reshape(NBLK, 1, BLK)
    c1 = cnt[1, :N_NODES].reshape(NBLK, 1, BLK)

    t1 = pl.pallas_call(
        _tc_mm1_body,
        grid=(NBLK,),
        in_specs=[_row_spec(), _full_spec((D, D)), _cnt_spec(), _cnt_spec()],
        out_specs=_row_spec(),
        out_shape=jax.ShapeDtypeStruct((N_NODES, D), jnp.float32),
    )(x, W1, c0, c1)

    parts1 = _msg_call(t1, edges, zeros2)
    p10 = parts1[0].reshape(NBLK, BLK, D)
    p11 = parts1[1].reshape(NBLK, BLK, D)

    t2 = pl.pallas_call(
        _tc_mid_body,
        grid=(NBLK,),
        in_specs=[_part_spec(), _part_spec(), _row_spec(), _cnt_spec(),
                  _cnt_spec(), _full_spec((1, D)), _full_spec((D, D))],
        out_specs=_row_spec(),
        out_shape=jax.ShapeDtypeStruct((N_NODES, D), jnp.float32),
    )(p10, p11, t1, c0, c1, b1r, W2)

    parts2 = _msg_call(t2, edges, zeros2)
    p20 = parts2[0].reshape(NBLK, BLK, D)
    p21 = parts2[1].reshape(NBLK, BLK, D)

    batch3 = batch.reshape(NBLK, 1, BLK)
    pooled = pl.pallas_call(
        _tc_pool_body,
        grid=(NBLK,),
        in_specs=[_part_spec(), _part_spec(), _row_spec(), _cnt_spec(),
                  _cnt_spec(), _full_spec((1, D)), _cnt_spec()],
        out_specs=_full_spec((N_GRAPHS, D)),
        out_shape=jax.ShapeDtypeStruct((N_GRAPHS, D), jnp.float32),
        scratch_shapes=[pltpu.VMEM((N_GRAPHS, D), jnp.float32),
                        pltpu.VMEM((N_GRAPHS, D), jnp.float32)],
    )(p20, p21, t2, c0, c1, b2r, batch3)

    return pooled

# --- scband reference (transcript-rebuilt; emitter-appended) ---
"""Pipeline reference for scband-gcn-57982058496638 (READ-ONLY COPY).

The authoritative reference and input builder live on the scoring server;
editing this copy changes nothing except your own understanding.
"""

import jax, jax.numpy as jnp
import numpy as np

N_NODES = 10000
N_EDGES = 320000
D_FEAT = 128
N_GRAPHS = 16


def gcn_conv(x, edge_index, W, b, num_nodes):
    # GCNConv: out = D_hat^{-1/2} A_hat D_hat^{-1/2} X W + b, with added self loops
    src = edge_index[0]
    dst = edge_index[1]
    loop = jnp.arange(num_nodes, dtype=edge_index.dtype)
    src = jnp.concatenate([src, loop])
    dst = jnp.concatenate([dst, loop])
    ones = jnp.ones(src.shape[0], dtype=x.dtype)
    deg = jnp.zeros((num_nodes,), dtype=x.dtype).at[dst].add(ones)
    dinv = jnp.where(deg > 0, deg ** -0.5, 0.0)
    norm = dinv[src] * dinv[dst]
    xw = x @ W
    msg = jnp.take(xw, src, axis=0) * norm[:, None]
    out = jax.ops.segment_sum(msg, dst, num_segments=num_nodes)
    return out + b


def global_mean_pool(feats, batch, num_graphs):
    sums = jax.ops.segment_sum(feats, batch, num_segments=num_graphs)
    counts = jax.ops.segment_sum(jnp.ones((feats.shape[0],), dtype=feats.dtype), batch, num_segments=num_graphs)
    return sums / jnp.clip(counts, 1.0)[:, None]


def setup_inputs(seed: int = 0) -> dict:
    key = jax.random.key(seed)
    k_x, k_e, k_b, k_w1, k_w2 = jax.random.split(key, 5)
    x = jax.random.normal(k_x, (N_NODES, D_FEAT), dtype=jnp.float32)
    edge_index = jax.random.randint(k_e, (2, N_EDGES), 0, N_NODES, dtype=jnp.int64)
    batch = jnp.sort(jax.random.randint(k_b, (N_NODES,), 0, N_GRAPHS, dtype=jnp.int64))
    W1 = jax.random.normal(k_w1, (D_FEAT, D_FEAT), dtype=jnp.float32) * (1.0 / np.sqrt(D_FEAT))
    b1 = jnp.zeros((D_FEAT,), dtype=jnp.float32)
    W2 = jax.random.normal(k_w2, (D_FEAT, D_FEAT), dtype=jnp.float32) * (1.0 / np.sqrt(D_FEAT))
    b2 = jnp.zeros((D_FEAT,), dtype=jnp.float32)
    return {"x": x, "edge_index": edge_index, "batch": batch, "W1": W1, "b1": b1, "W2": W2, "b2": b2}


def reference(x, edge_index, batch, W1, b1, W2, b2):
    feats = gcn_conv(x, edge_index, W1, b1, N_NODES)
    feats = jax.nn.relu(feats)
    feats = gcn_conv(feats, edge_index, W2, b2, N_NODES)
    pooled = global_mean_pool(feats, batch, N_GRAPHS)
    return pooled

if __name__ == "__main__":
    import jax
    _d = setup_inputs()
    print(jax.jit(kernel)(*tuple(_d.values())))

</pallas_src>

<mosaic_0001>
#map = affine_map<(d0, d1) -> (0, 0)>
#map1 = affine_map<(d0, d1) -> (0, 0, 0)>
module attributes {stable_mosaic.version = 14 : i64} {
  func.func @_sc_msg_body(%arg0: i32, %arg1: i32, %arg2: memref<10000x128xf32, #tpu.memory_space<hbm>>, %arg3: memref<2x32x10000xi32, #tpu.memory_space<hbm>>, %arg4: memref<640x128xf32, #tpu.memory_space<hbm>>, %arg5: memref<2x10000x128xf32, #tpu.memory_space<hbm>>, %arg6: memref<4x2x128xi32, #tpu.memory_space<vmem>>, %arg7: memref<2x16xi32, #tpu.memory_space<vmem>>, %arg8: memref<2x128x128xf32, #tpu.memory_space<vmem>>, %arg9: memref<16x128xf32, #tpu.memory_space<vmem>>, %arg10: memref<10000x128xf32, #tpu.memory_space<vmem_shared>>, %arg11: memref<2x!tpu.dma_semaphore, #tpu.memory_space<semaphore_mem>>, %arg12: memref<4x!tpu.dma_semaphore, #tpu.memory_space<semaphore_mem>>, %arg13: memref<2x!tpu.dma_semaphore, #tpu.memory_space<semaphore_mem>>) attributes {dimension_semantics = [#tpu.dimension_semantics<core_parallel>, #tpu.dimension_semantics<subcore_parallel>], iteration_bounds = array<i64: 2, 16>, scalar_prefetch = 0 : i64, scratch_operands = 8 : i64, tpu.core_type = #tpu.core_type<sc_vector_subcore>, window_params = [{transform_indices = #map}, {transform_indices = #map1}, {transform_indices = #map}, {transform_indices = #map1}]} {
    %mul3A = arith.constant 16 : i32
    %mul3A_0 = arith.muli %arg0, %mul3A : i32
    %add3A = arith.addi %mul3A_0, %arg1 : i32
    %dma_start3A = arith.constant 0 : i32
    %dma_start3A_1 = arith.constant 0 : i32
    %dma_start3A_2 = arith.constant 0 : i32
    %dma_start3A_3 = arith.constant 0 : i32
    %dma_start3A_4 = arith.constant 0 : i32
    %dma_start3A_5 = tpu.memref_slice %arg6[%dma_start3A_1, %dma_start3A_2, %dma_start3A_4] : memref<4x2x128xi32, #tpu.memory_space<vmem>> -> memref<1x1x128xi32, #tpu.memory_space<vmem>>
    %dma_start3A_6 = tpu.memref_squeeze %dma_start3A_5 : memref<1x1x128xi32, #tpu.memory_space<vmem>> -> memref<128xi32, #tpu.memory_space<vmem>>
    %dma_start3A_7 = arith.constant 0 : i32
    %dma_start3A_8 = tpu.memref_slice %arg3[%dma_start3A, %add3A, %dma_start3A_7] : memref<2x32x10000xi32, #tpu.memory_space<hbm>> -> memref<1x1x128xi32, #tpu.memory_space<hbm>>
    %dma_start3A_9 = tpu.memref_squeeze %dma_start3A_8 : memref<1x1x128xi32, #tpu.memory_space<hbm>> -> memref<128xi32, #tpu.memory_space<hbm>>
    %dma_start3A_10 = tpu.memref_slice %arg12[%dma_start3A_3] : memref<4x!tpu.dma_semaphore, #tpu.memory_space<semaphore_mem>> -> memref<1x!tpu.dma_semaphore, #tpu.memory_space<semaphore_mem>>
    %dma_start3A_11 = tpu.memref_squeeze %dma_start3A_10 : memref<1x!tpu.dma_semaphore, #tpu.memory_space<semaphore_mem>> -> memref<!tpu.dma_semaphore, #tpu.memory_space<semaphore_mem>>
    %dma_start3A_12 = arith.constant 0 : i32
    %dma_start3A_13 = tpu.memref_slice %arg6[%dma_start3A_1, %dma_start3A_2, %dma_start3A_12] : memref<4x2x128xi32, #tpu.memory_space<vmem>> -> memref<1x1x128xi32, #tpu.memory_space<vmem>>
    %dma_start3A_14 = tpu.memref_squeeze %dma_start3A_13 : memref<1x1x128xi32, #tpu.memory_space<vmem>> -> memref<128xi32, #tpu.memory_space<vmem>>
    %dma_start3A_15 = arith.constant 0 : i32
    %dma_start3A_16 = tpu.memref_slice %arg3[%dma_start3A, %add3A, %dma_start3A_15] : memref<2x32x10000xi32, #tpu.memory_space<hbm>> -> memref<1x1x128xi32, #tpu.memory_space<hbm>>
    %dma_start3A_17 = tpu.memref_squeeze %dma_start3A_16 : memref<1x1x128xi32, #tpu.memory_space<hbm>> -> memref<128xi32, #tpu.memory_space<hbm>>
    tpu.enqueue_dma source(%dma_start3A_17 : memref<128xi32, #tpu.memory_space<hbm>>) target(%dma_start3A_14 : memref<128xi32, #tpu.memory_space<vmem>>) target_semaphore(%dma_start3A_11 : memref<!tpu.dma_semaphore, #tpu.memory_space<semaphore_mem>>)
    %dma_start3A_18 = arith.constant 1 : i32
    %dma_start3A_19 = arith.constant 0 : i32
    %dma_start3A_20 = arith.constant 1 : i32
    %dma_start3A_21 = arith.constant 0 : i32
    %dma_start3A_22 = arith.constant 0 : i32
    %dma_start3A_23 = tpu.memref_slice %arg6[%dma_start3A_19, %dma_start3A_20, %dma_start3A_22] : memref<4x2x128xi32, #tpu.memory_space<vmem>> -> memref<1x1x128xi32, #tpu.memory_space<vmem>>
    %dma_start3A_24 = tpu.memref_squeeze %dma_start3A_23 : memref<1x1x128xi32, #tpu.memory_space<vmem>> -> memref<128xi32, #tpu.memory_space<vmem>>
    %dma_start3A_25 = arith.constant 0 : i32
    %dma_start3A_26 = tpu.memref_slice %arg3[%dma_start3A_18, %add3A, %dma_start3A_25] : memref<2x32x10000xi32, #tpu.memory_space<hbm>> -> memref<1x1x128xi32, #tpu.memory_space<hbm>>
    %dma_start3A_27 = tpu.memref_squeeze %dma_start3A_26 : memref<1x1x128xi32, #tpu.memory_space<hbm>> -> memref<128xi32, #tpu.memory_space<hbm>>
    %dma_start3A_28 = tpu.memref_slice %arg12[%dma_start3A_21] : memref<4x!tpu.dma_semaphore, #tpu.memory_space<semaphore_mem>> -> memref<1x!tpu.dma_semaphore, #tpu.memory_space<semaphore_mem>>
    %dma_start3A_29 = tpu.memref_squeeze %dma_start3A_28 : memref<1x!tpu.dma_semaphore, #tpu.memory_space<semaphore_mem>> -> memref<!tpu.dma_semaphore, #tpu.memory_space<semaphore_mem>>
    %dma_start3A_30 = arith.constant 0 : i32
    %dma_start3A_31 = tpu.memref_slice %arg6[%dma_start3A_19, %dma_start3A_20, %dma_start3A_30] : memref<4x2x128xi32, #tpu.memory_space<vmem>> -> memref<1x1x128xi32, #tpu.memory_space<vmem>>
    %dma_start3A_32 = tpu.memref_squeeze %dma_start3A_31 : memref<1x1x128xi32, #tpu.memory_space<vmem>> -> memref<128xi32, #tpu.memory_space<vmem>>
    %dma_start3A_33 = arith.constant 0 : i32
    %dma_start3A_34 = tpu.memref_slice %arg3[%dma_start3A_18, %add3A, %dma_start3A_33] : memref<2x32x10000xi32, #tpu.memory_space<hbm>> -> memref<1x1x128xi32, #tpu.memory_space<hbm>>
    %dma_start3A_35 = tpu.memref_squeeze %dma_start3A_34 : memref<1x1x128xi32, #tpu.memory_space<hbm>> -> memref<128xi32, #tpu.memory_space<hbm>>
    tpu.enqueue_dma source(%dma_start3A_35 : memref<128xi32, #tpu.memory_space<hbm>>) target(%dma_start3A_32 : memref<128xi32, #tpu.memory_space<vmem>>) target_semaphore(%dma_start3A_29 : memref<!tpu.dma_semaphore, #tpu.memory_space<semaphore_mem>>)
    %dma_start3A_36 = arith.constant 0 : i32
    %dma_start3A_37 = arith.constant 1 : i32
    %dma_start3A_38 = arith.constant 0 : i32
    %dma_start3A_39 = arith.constant 1 : i32
    %dma_start3A_40 = arith.constant 0 : i32
    %dma_start3A_41 = tpu.memref_slice %arg6[%dma_start3A_37, %dma_start3A_38, %dma_start3A_40] : memref<4x2x128xi32, #tpu.memory_space<vmem>> -> memref<1x1x128xi32, #tpu.memory_space<vmem>>
    %dma_start3A_42 = tpu.memref_squeeze %dma_start3A_41 : memref<1x1x128xi32, #tpu.memory_space<vmem>> -> memref<128xi32, #tpu.memory_space<vmem>>
    %dma_start3A_43 = arith.constant 128 : i32
    %dma_start3A_44 = tpu.memref_slice %arg3[%dma_start3A_36, %add3A, %dma_start3A_43] : memref<2x32x10000xi32, #tpu.memory_space<hbm>> -> memref<1x1x128xi32, #tpu.memory_space<hbm>>
    %dma_start3A_45 = tpu.memref_squeeze %dma_start3A_44 : memref<1x1x128xi32, #tpu.memory_space<hbm>> -> memref<128xi32, #tpu.memory_space<hbm>>
    %dma_start3A_46 = tpu.memref_slice %arg12[%dma_start3A_39] : memref<4x!tpu.dma_semaphore, #tpu.memory_space<semaphore_mem>> -> memref<1x!tpu.dma_semaphore, #tpu.memory_space<semaphore_mem>>
    %dma_start3A_47 = tpu.memref_squeeze %dma_start3A_46 : memref<1x!tpu.dma_semaphore, #tpu.memory_space<semaphore_mem>> -> memref<!tpu.dma_semaphore, #tpu.memory_space<semaphore_mem>>
    %dma_start3A_48 = arith.constant 0 : i32
    %dma_start3A_49 = tpu.memref_slice %arg6[%dma_start3A_37, %dma_start3A_38, %dma_start3A_48] : memref<4x2x128xi32, #tpu.memory_space<vmem>> -> memref<1x1x128xi32, #tpu.memory_space<vmem>>
    %dma_start3A_50 = tpu.memref_squeeze %dma_start3A_49 : memref<1x1x128xi32, #tpu.memory_space<vmem>> -> memref<128xi32, #tpu.memory_space<vmem>>
    %dma_start3A_51 = arith.constant 128 : i32
    %dma_start3A_52 = tpu.memref_slice %arg3[%dma_start3A_36, %add3A, %dma_start3A_51] : memref<2x32x10000xi32, #tpu.memory_space<hbm>> -> memref<1x1x128xi32, #tpu.memory_space<hbm>>
    %dma_start3A_53 = tpu.memref_squeeze %dma_start3A_52 : memref<1x1x128xi32, #tpu.memory_space<hbm>> -> memref<128xi32, #tpu.memory_space<hbm>>
    tpu.enqueue_dma source(%dma_start3A_53 : memref<128xi32, #tpu.memory_space<hbm>>) target(%dma_start3A_50 : memref<128xi32, #tpu.memory_space<vmem>>) target_semaphore(%dma_start3A_47 : memref<!tpu.dma_semaphore, #tpu.memory_space<semaphore_mem>>)
    %dma_start3A_54 = arith.constant 1 : i32
    %dma_start3A_55 = arith.constant 1 : i32
    %dma_start3A_56 = arith.constant 1 : i32
    %dma_start3A_57 = arith.constant 1 : i32
    %dma_start3A_58 = arith.constant 0 : i32
    %dma_start3A_59 = tpu.memref_slice %arg6[%dma_start3A_55, %dma_start3A_56, %dma_start3A_58] : memref<4x2x128xi32, #tpu.memory_space<vmem>> -> memref<1x1x128xi32, #tpu.memory_space<vmem>>
    %dma_start3A_60 = tpu.memref_squeeze %dma_start3A_59 : memref<1x1x128xi32, #tpu.memory_space<vmem>> -> memref<128xi32, #tpu.memory_space<vmem>>
    %dma_start3A_61 = arith.constant 128 : i32
    %dma_start3A_62 = tpu.memref_slice %arg3[%dma_start3A_54, %add3A, %dma_start3A_61] : memref<2x32x10000xi32, #tpu.memory_space<hbm>> -> memref<1x1x128xi32, #tpu.memory_space<hbm>>
    %dma_start3A_63 = tpu.memref_squeeze %dma_start3A_62 : memref<1x1x128xi32, #tpu.memory_space<hbm>> -> memref<128xi32, #tpu.memory_space<hbm>>
    %dma_start3A_64 = tpu.memref_slice %arg12[%dma_start3A_57] : memref<4x!tpu.dma_semaphore, #tpu.memory_space<semaphore_mem>> -> memref<1x!tpu.dma_semaphore, #tpu.memory_space<semaphore_mem>>
    %dma_start3A_65 = tpu.memref_squeeze %dma_start3A_64 : memref<1x!tpu.dma_semaphore, #tpu.memory_space<semaphore_mem>> -> memref<!tpu.dma_semaphore, #tpu.memory_space<semaphore_mem>>
    %dma_start3A_66 = arith.constant 0 : i32
    %dma_start3A_67 = tpu.memref_slice %arg6[%dma_start3A_55, %dma_start3A_56, %dma_start3A_66] : memref<4x2x128xi32, #tpu.memory_space<vmem>> -> memref<1x1x128xi32, #tpu.memory_space<vmem>>
    %dma_start3A_68 = tpu.memref_squeeze %dma_start3A_67 : memref<1x1x128xi32, #tpu.memory_space<vmem>> -> memref<128xi32, #tpu.memory_space<vmem>>
    %dma_start3A_69 = arith.constant 128 : i32
    %dma_start3A_70 = tpu.memref_slice %arg3[%dma_start3A_54, %add3A, %dma_start3A_69] : memref<2x32x10000xi32, #tpu.memory_space<hbm>> -> memref<1x1x128xi32, #tpu.memory_space<hbm>>
    %dma_start3A_71 = tpu.memref_squeeze %dma_start3A_70 : memref<1x1x128xi32, #tpu.memory_space<hbm>> -> memref<128xi32, #tpu.memory_space<hbm>>
    tpu.enqueue_dma source(%dma_start3A_71 : memref<128xi32, #tpu.memory_space<hbm>>) target(%dma_start3A_68 : memref<128xi32, #tpu.memory_space<vmem>>) target_semaphore(%dma_start3A_65 : memref<!tpu.dma_semaphore, #tpu.memory_space<semaphore_mem>>)
    %dma_start3A_72 = arith.constant 0 : i32
    %dma_start3A_73 = arith.constant 2 : i32
    %dma_start3A_74 = arith.constant 0 : i32
    %dma_start3A_75 = arith.constant 2 : i32
    %dma_start3A_76 = arith.constant 0 : i32
    %dma_start3A_77 = tpu.memref_slice %arg6[%dma_start3A_73, %dma_start3A_74, %dma_start3A_76] : memref<4x2x128xi32, #tpu.memory_space<vmem>> -> memref<1x1x128xi32, #tpu.memory_space<vmem>>
    %dma_start3A_78 = tpu.memref_squeeze %dma_start3A_77 : memref<1x1x128xi32, #tpu.memory_space<vmem>> -> memref<128xi32, #tpu.memory_space<vmem>>
    %dma_start3A_79 = arith.constant 256 : i32
    %dma_start3A_80 = tpu.memref_slice %arg3[%dma_start3A_72, %add3A, %dma_start3A_79] : memref<2x32x10000xi32, #tpu.memory_space<hbm>> -> memref<1x1x128xi32, #tpu.memory_space<hbm>>
    %dma_start3A_81 = tpu.memref_squeeze %dma_start3A_80 : memref<1x1x128xi32, #tpu.memory_space<hbm>> -> memref<128xi32, #tpu.memory_space<hbm>>
    %dma_start3A_82 = tpu.memref_slice %arg12[%dma_start3A_75] : memref<4x!tpu.dma_semaphore, #tpu.memory_space<semaphore_mem>> -> memref<1x!tpu.dma_semaphore, #tpu.memory_space<semaphore_mem>>
    %dma_start3A_83 = tpu.memref_squeeze %dma_start3A_82 : memref<1x!tpu.dma_semaphore, #tpu.memory_space<semaphore_mem>> -> memref<!tpu.dma_semaphore, #tpu.memory_space<semaphore_mem>>
    %dma_start3A_84 = arith.constant 0 : i32
    %dma_start3A_85 = tpu.memref_slice %arg6[%dma_start3A_73, %dma_start3A_74, %dma_start3A_84] : memref<4x2x128xi32, #tpu.memory_space<vmem>> -> memref<1x1x128xi32, #tpu.memory_space<vmem>>
    %dma_start3A_86 = tpu.memref_squeeze %dma_start3A_85 : memref<1x1x128xi32, #tpu.memory_space<vmem>> -> memref<128xi32, #tpu.memory_space<vmem>>
    %dma_start3A_87 = arith.constant 256 : i32
    %dma_start3A_88 = tpu.memref_slice %arg3[%dma_start3A_72, %add3A, %dma_start3A_87] : memref<2x32x10000xi32, #tpu.memory_space<hbm>> -> memref<1x1x128xi32, #tpu.memory_space<hbm>>
    %dma_start3A_89 = tpu.memref_squeeze %dma_start3A_88 : memref<1x1x128xi32, #tpu.memory_space<hbm>> -> memref<128xi32, #tpu.memory_space<hbm>>
    tpu.enqueue_dma source(%dma_start3A_89 : memref<128xi32, #tpu.memory_space<hbm>>) target(%dma_start3A_86 : memref<128xi32, #tpu.memory_space<vmem>>) target_semaphore(%dma_start3A_83 : memref<!tpu.dma_semaphore, #tpu.memory_space<semaphore_mem>>)
    %dma_start3A_90 = arith.constant 1 : i32
    %dma_start3A_91 = arith.constant 2 : i32
    %dma_start3A_92 = arith.constant 1 : i32
    %dma_start3A_93 = arith.constant 2 : i32
    %dma_start3A_94 = arith.constant 0 : i32
    %dma_start3A_95 = tpu.memref_slice %arg6[%dma_start3A_91, %dma_start3A_92, %dma_start3A_94] : memref<4x2x128xi32, #tpu.memory_space<vmem>> -> memref<1x1x128xi32, #tpu.memory_space<vmem>>
    %dma_start3A_96 = tpu.memref_squeeze %dma_start3A_95 : memref<1x1x128xi32, #tpu.memory_space<vmem>> -> memref<128xi32, #tpu.memory_space<vmem>>
    %dma_start3A_97 = arith.constant 256 : i32
    %dma_start3A_98 = tpu.memref_slice %arg3[%dma_start3A_90, %add3A, %dma_start3A_97] : memref<2x32x10000xi32, #tpu.memory_space<hbm>> -> memref<1x1x128xi32, #tpu.memory_space<hbm>>
    %dma_start3A_99 = tpu.memref_squeeze %dma_start3A_98 : memref<1x1x128xi32, #tpu.memory_space<hbm>> -> memref<128xi32, #tpu.memory_space<hbm>>
    %dma_start3A_100 = tpu.memref_slice %arg12[%dma_start3A_93] : memref<4x!tpu.dma_semaphore, #tpu.memory_space<semaphore_mem>> -> memref<1x!tpu.dma_semaphore, #tpu.memory_space<semaphore_mem>>
    %dma_start3A_101 = tpu.memref_squeeze %dma_start3A_100 : memref<1x!tpu.dma_semaphore, #tpu.memory_space<semaphore_mem>> -> memref<!tpu.dma_semaphore, #tpu.memory_space<semaphore_mem>>
    %dma_start3A_102 = arith.constant 0 : i32
    %dma_start3A_103 = tpu.memref_slice %arg6[%dma_start3A_91, %dma_start3A_92, %dma_start3A_102] : memref<4x2x128xi32, #tpu.memory_space<vmem>> -> memref<1x1x128xi32, #tpu.memory_space<vmem>>
    %dma_start3A_104 = tpu.memref_squeeze %dma_start3A_103 : memref<1x1x128xi32, #tpu.memory_space<vmem>> -> memref<128xi32, #tpu.memory_space<vmem>>
    %dma_start3A_105 = arith.constant 256 : i32
    %dma_start3A_106 = tpu.memref_slice %arg3[%dma_start3A_90, %add3A, %dma_start3A_105] : memref<2x32x10000xi32, #tpu.memory_space<hbm>> -> memref<1x1x128xi32, #tpu.memory_space<hbm>>
    %dma_start3A_107 = tpu.memref_squeeze %dma_start3A_106 : memref<1x1x128xi32, #tpu.memory_space<hbm>> -> memref<128xi32, #tpu.memory_space<hbm>>
    tpu.enqueue_dma source(%dma_start3A_107 : memref<128xi32, #tpu.memory_space<hbm>>) target(%dma_start3A_104 : memref<128xi32, #tpu.memory_space<vmem>>) target_semaphore(%dma_start3A_101 : memref<!tpu.dma_semaphore, #tpu.memory_space<semaphore_mem>>)
    %lt3A = arith.constant 15 : i32
    %lt3A_108 = arith.cmpi slt, %arg1, %lt3A : i32
    %convert_element_type3A = arith.extui %lt3A_108 : i1 to i32
    %cond3A = arith.constant 0 : i32
    %cond3A_109 = arith.cmpi ne, %convert_element_type3A, %cond3A : i32
    scf.if %cond3A_109 {
      %mul3A_237 = arith.constant 624 : i32
      %mul3A_238 = arith.muli %arg1, %mul3A_237 : i32
      "tpu.region"() ({
        %run_scoped3A_239 = tpu.sem_alloc : memref<!tpu.dma_semaphore, #tpu.memory_space<semaphore_mem>>
        %dma_start3A_240 = arith.constant 0 : i32
        %dma_start3A_241 = tpu.memref_slice %arg10[%mul3A_238, %dma_start3A_240] : memref<10000x128xf32, #tpu.memory_space<vmem_shared>> -> memref<624x128xf32, #tpu.memory_space<vmem_shared>>
        %dma_start3A_242 = arith.constant 0 : i32
        %dma_start3A_243 = arith.constant 0 : i32
        %dma_start3A_244 = tpu.memref_slice %arg4[%dma_start3A_242, %dma_start3A_243] : memref<640x128xf32, #tpu.memory_space<hbm>> -> memref<624x128xf32, #tpu.memory_space<hbm>>
        tpu.enqueue_dma source(%dma_start3A_244 : memref<624x128xf32, #tpu.memory_space<hbm>>) target(%dma_start3A_241 : memref<624x128xf32, #tpu.memory_space<vmem_shared>>) target_semaphore(%run_scoped3A_239 : memref<!tpu.dma_semaphore, #tpu.memory_space<semaphore_mem>>)
        %dma_wait3A_245 = arith.constant 0 : i32
        %dma_wait3A_246 = tpu.memref_slice %arg10[%mul3A_238, %dma_wait3A_245] : memref<10000x128xf32, #tpu.memory_space<vmem_shared>> -> memref<624x128xf32, #tpu.memory_space<vmem_shared>>
        %dma_wait3A_247 = arith.constant 0 : i32
        %dma_wait3A_248 = arith.constant 0 : i32
        %dma_wait3A_249 = tpu.memref_slice %arg4[%dma_wait3A_247, %dma_wait3A_248] : memref<640x128xf32, #tpu.memory_space<hbm>> -> memref<624x128xf32, #tpu.memory_space<hbm>>
        tpu.wait_dma2 semaphore(%run_scoped3A_239 : memref<!tpu.dma_semaphore, #tpu.memory_space<semaphore_mem>>) src(%dma_wait3A_249 : memref<624x128xf32, #tpu.memory_space<hbm>>) dst(%dma_wait3A_246 : memref<624x128xf32, #tpu.memory_space<vmem_shared>>)
        tpu.yield
      }) : () -> ()
    } else {
    }
    %eq3A = arith.constant 15 : i32
    %eq3A_110 = arith.cmpi eq, %arg1, %eq3A : i32
    %convert_element_type3A_111 = arith.extui %eq3A_110 : i1 to i32
    %cond3A_112 = arith.constant 0 : i32
    %cond3A_113 = arith.cmpi ne, %convert_element_type3A_111, %cond3A_112 : i32
    scf.if %cond3A_113 {
      "tpu.region"() ({
        %run_scoped3A_237 = tpu.sem_alloc : memref<!tpu.dma_semaphore, #tpu.memory_space<semaphore_mem>>
        %dma_start3A_238 = arith.constant 9360 : i32
        %dma_start3A_239 = arith.constant 0 : i32
        %dma_start3A_240 = tpu.memref_slice %arg10[%dma_start3A_238, %dma_start3A_239] : memref<10000x128xf32, #tpu.memory_space<vmem_shared>> -> memref<640x128xf32, #tpu.memory_space<vmem_shared>>
        tpu.enqueue_dma source(%arg4 : memref<640x128xf32, #tpu.memory_space<hbm>>) target(%dma_start3A_240 : memref<640x128xf32, #tpu.memory_space<vmem_shared>>) target_semaphore(%run_scoped3A_237 : memref<!tpu.dma_semaphore, #tpu.memory_space<semaphore_mem>>)
        %dma_wait3A_241 = arith.constant 9360 : i32
        %dma_wait3A_242 = arith.constant 0 : i32
        %dma_wait3A_243 = tpu.memref_slice %arg10[%dma_wait3A_241, %dma_wait3A_242] : memref<10000x128xf32, #tpu.memory_space<vmem_shared>> -> memref<640x128xf32, #tpu.memory_space<vmem_shared>>
        tpu.wait_dma2 semaphore(%run_scoped3A_237 : memref<!tpu.dma_semaphore, #tpu.memory_space<semaphore_mem>>) src(%arg4 : memref<640x128xf32, #tpu.memory_space<hbm>>) dst(%dma_wait3A_243 : memref<640x128xf32, #tpu.memory_space<vmem_shared>>)
        tpu.yield
      }) : () -> ()
    } else {
    }
    %dma_wait3A = arith.constant 0 : i32
    %dma_wait3A_114 = arith.constant 0 : i32
    %dma_wait3A_115 = arith.constant 0 : i32
    %dma_wait3A_116 = arith.constant 0 : i32
    %dma_wait3A_117 = arith.constant 0 : i32
    %dma_wait3A_118 = tpu.memref_slice %arg6[%dma_wait3A_114, %dma_wait3A_115, %dma_wait3A_117] : memref<4x2x128xi32, #tpu.memory_space<vmem>> -> memref<1x1x128xi32, #tpu.memory_space<vmem>>
    %dma_wait3A_119 = tpu.memref_squeeze %dma_wait3A_118 : memref<1x1x128xi32, #tpu.memory_space<vmem>> -> memref<128xi32, #tpu.memory_space<vmem>>
    %dma_wait3A_120 = arith.constant 0 : i32
    %dma_wait3A_121 = tpu.memref_slice %arg3[%dma_wait3A, %add3A, %dma_wait3A_120] : memref<2x32x10000xi32, #tpu.memory_space<hbm>> -> memref<1x1x128xi32, #tpu.memory_space<hbm>>
    %dma_wait3A_122 = tpu.memref_squeeze %dma_wait3A_121 : memref<1x1x128xi32, #tpu.memory_space<hbm>> -> memref<128xi32, #tpu.memory_space<hbm>>
    %dma_wait3A_123 = tpu.memref_slice %arg12[%dma_wait3A_116] : memref<4x!tpu.dma_semaphore, #tpu.memory_space<semaphore_mem>> -> memref<1x!tpu.dma_semaphore, #tpu.memory_space<semaphore_mem>>
    %dma_wait3A_124 = tpu.memref_squeeze %dma_wait3A_123 : memref<1x!tpu.dma_semaphore, #tpu.memory_space<semaphore_mem>> -> memref<!tpu.dma_semaphore, #tpu.memory_space<semaphore_mem>>
    %dma_wait3A_125 = arith.constant 0 : i32
    %dma_wait3A_126 = tpu.memref_slice %arg6[%dma_wait3A_114, %dma_wait3A_115, %dma_wait3A_125] : memref<4x2x128xi32, #tpu.memory_space<vmem>> -> memref<1x1x128xi32, #tpu.memory_space<vmem>>
    %dma_wait3A_127 = tpu.memref_squeeze %dma_wait3A_126 : memref<1x1x128xi32, #tpu.memory_space<vmem>> -> memref<128xi32, #tpu.memory_space<vmem>>
    %dma_wait3A_128 = arith.constant 0 : i32
    %dma_wait3A_129 = tpu.memref_slice %arg3[%dma_wait3A, %add3A, %dma_wait3A_128] : memref<2x32x10000xi32, #tpu.memory_space<hbm>> -> memref<1x1x128xi32, #tpu.memory_space<hbm>>
    %dma_wait3A_130 = tpu.memref_squeeze %dma_wait3A_129 : memref<1x1x128xi32, #tpu.memory_space<hbm>> -> memref<128xi32, #tpu.memory_space<hbm>>
    tpu.wait_dma2 semaphore(%dma_wait3A_124 : memref<!tpu.dma_semaphore, #tpu.memory_space<semaphore_mem>>) src(%dma_wait3A_130 : memref<128xi32, #tpu.memory_space<hbm>>) dst(%dma_wait3A_127 : memref<128xi32, #tpu.memory_space<vmem>>)
    %dma_wait3A_131 = arith.constant 1 : i32
    %dma_wait3A_132 = arith.constant 0 : i32
    %dma_wait3A_133 = arith.constant 1 : i32
    %dma_wait3A_134 = arith.constant 0 : i32
    %dma_wait3A_135 = arith.constant 0 : i32
    %dma_wait3A_136 = tpu.memref_slice %arg6[%dma_wait3A_132, %dma_wait3A_133, %dma_wait3A_135] : memref<4x2x128xi32, #tpu.memory_space<vmem>> -> memref<1x1x128xi32, #tpu.memory_space<vmem>>
    %dma_wait3A_137 = tpu.memref_squeeze %dma_wait3A_136 : memref<1x1x128xi32, #tpu.memory_space<vmem>> -> memref<128xi32, #tpu.memory_space<vmem>>
    %dma_wait3A_138 = arith.constant 0 : i32
    %dma_wait3A_139 = tpu.memref_slice %arg3[%dma_wait3A_131, %add3A, %dma_wait3A_138] : memref<2x32x10000xi32, #tpu.memory_space<hbm>> -> memref<1x1x128xi32, #tpu.memory_space<hbm>>
    %dma_wait3A_140 = tpu.memref_squeeze %dma_wait3A_139 : memref<1x1x128xi32, #tpu.memory_space<hbm>> -> memref<128xi32, #tpu.memory_space<hbm>>
    %dma_wait3A_141 = tpu.memref_slice %arg12[%dma_wait3A_134] : memref<4x!tpu.dma_semaphore, #tpu.memory_space<semaphore_mem>> -> memref<1x!tpu.dma_semaphore, #tpu.memory_space<semaphore_mem>>
    %dma_wait3A_142 = tpu.memref_squeeze %dma_wait3A_141 : memref<1x!tpu.dma_semaphore, #tpu.memory_space<semaphore_mem>> -> memref<!tpu.dma_semaphore, #tpu.memory_space<semaphore_mem>>
    %dma_wait3A_143 = arith.constant 0 : i32
    %dma_wait3A_144 = tpu.memref_slice %arg6[%dma_wait3A_132, %dma_wait3A_133, %dma_wait3A_143] : memref<4x2x128xi32, #tpu.memory_space<vmem>> -> memref<1x1x128xi32, #tpu.memory_space<vmem>>
    %dma_wait3A_145 = tpu.memref_squeeze %dma_wait3A_144 : memref<1x1x128xi32, #tpu.memory_space<vmem>> -> memref<128xi32, #tpu.memory_space<vmem>>
    %dma_wait3A_146 = arith.constant 0 : i32
    %dma_wait3A_147 = tpu.memref_slice %arg3[%dma_wait3A_131, %add3A, %dma_wait3A_146] : memref<2x32x10000xi32, #tpu.memory_space<hbm>> -> memref<1x1x128xi32, #tpu.memory_space<hbm>>
    %dma_wait3A_148 = tpu.memref_squeeze %dma_wait3A_147 : memref<1x1x128xi32, #tpu.memory_space<hbm>> -> memref<128xi32, #tpu.memory_space<hbm>>
    tpu.wait_dma2 semaphore(%dma_wait3A_142 : memref<!tpu.dma_semaphore, #tpu.memory_space<semaphore_mem>>) src(%dma_wait3A_148 : memref<128xi32, #tpu.memory_space<hbm>>) dst(%dma_wait3A_145 : memref<128xi32, #tpu.memory_space<vmem>>)
    %barrier3A = arith.constant 0 : index
    tpu.barrier barrier_id(%barrier3A)
    %dma_start3A_149 = arith.constant 0 : i32
    %dma_start3A_150 = arith.constant 0 : i32
    %dma_start3A_151 = arith.constant 0 : i32
    %dma_start3A_152 = arith.constant 0 : i32
    %dma_start3A_153 = arith.constant 0 : i32
    %dma_start3A_154 = arith.constant 0 : i32
    %dma_start3A_155 = tpu.memref_slice %arg8[%dma_start3A_151, %dma_start3A_153, %dma_start3A_154] : memref<2x128x128xf32, #tpu.memory_space<vmem>> -> memref<1x128x128xf32, #tpu.memory_space<vmem>>
    %dma_start3A_156 = tpu.memref_squeeze %dma_start3A_155 : memref<1x128x128xf32, #tpu.memory_space<vmem>> -> memref<128x128xf32, #tpu.memory_space<vmem>>
    %dma_start3A_157 = arith.constant 0 : i32
    %dma_start3A_158 = tpu.memref_slice %arg6[%dma_start3A_149, %dma_start3A_150, %dma_start3A_157] : memref<4x2x128xi32, #tpu.memory_space<vmem>> -> memref<1x1x128xi32, #tpu.memory_space<vmem>>
    %dma_start3A_159 = tpu.memref_squeeze %dma_start3A_158 : memref<1x1x128xi32, #tpu.memory_space<vmem>> -> memref<128xi32, #tpu.memory_space<vmem>>
    %dma_start3A_160 = arith.constant 0 : i32
    %dma_start3A_161 = arith.constant 0 : i32
    %dma_start3A_162 = tpu.memref_slice %arg2[%dma_start3A_160, %dma_start3A_161] : memref<10000x128xf32, #tpu.memory_space<hbm>> -> memref<10000x128xf32, #tpu.memory_space<hbm>>
    %dma_start3A_163 = tpu.memref_slice %arg11[%dma_start3A_152] : memref<2x!tpu.dma_semaphore, #tpu.memory_space<semaphore_mem>> -> memref<1x!tpu.dma_semaphore, #tpu.memory_space<semaphore_mem>>
    %dma_start3A_164 = tpu.memref_squeeze %dma_start3A_163 : memref<1x!tpu.dma_semaphore, #tpu.memory_space<semaphore_mem>> -> memref<!tpu.dma_semaphore, #tpu.memory_space<semaphore_mem>>
    tpu.enqueue_indirect_dma source(%dma_start3A_162 : memref<10000x128xf32, #tpu.memory_space<hbm>>) target(%dma_start3A_156 : memref<128x128xf32, #tpu.memory_space<vmem>>) offsets(%dma_start3A_159 : memref<128xi32, #tpu.memory_space<vmem>>) semaphore(%dma_start3A_164 : memref<!tpu.dma_semaphore, #tpu.memory_space<semaphore_mem>>)
    %scan3A = arith.constant 0 : i32
    %scan3A_165 = arith.constant 0 : i32
    %scan3A_166 = arith.constant 78 : i32
    %scan3A_167 = arith.addi %scan3A_165, %scan3A_166 : i32
    %scan3A_168 = arith.constant 1 : i32
    scf.for %scan3A_237 = %scan3A_165 to %scan3A_167 step %scan3A_168  : i32 {
      %rem3A = arith.constant 2 : i32
      %rem3A_238 = arith.remsi %scan3A_237, %rem3A : i32
      %rem3A_239 = arith.constant 4 : i32
      %rem3A_240 = arith.remsi %scan3A_237, %rem3A_239 : i32
      %dma_wait3A_241 = arith.constant 0 : i32
      %dma_wait3A_242 = arith.constant 0 : i32
      %dma_wait3A_243 = arith.constant 0 : i32
      %dma_wait3A_244 = tpu.memref_slice %arg8[%rem3A_238, %dma_wait3A_242, %dma_wait3A_243] : memref<2x128x128xf32, #tpu.memory_space<vmem>> -> memref<1x128x128xf32, #tpu.memory_space<vmem>>
      %dma_wait3A_245 = tpu.memref_squeeze %dma_wait3A_244 : memref<1x128x128xf32, #tpu.memory_space<vmem>> -> memref<128x128xf32, #tpu.memory_space<vmem>>
      %dma_wait3A_246 = arith.constant 0 : i32
      %dma_wait3A_247 = tpu.memref_slice %arg6[%rem3A_240, %dma_wait3A_241, %dma_wait3A_246] : memref<4x2x128xi32, #tpu.memory_space<vmem>> -> memref<1x1x128xi32, #tpu.memory_space<vmem>>
      %dma_wait3A_248 = tpu.memref_squeeze %dma_wait3A_247 : memref<1x1x128xi32, #tpu.memory_space<vmem>> -> memref<128xi32, #tpu.memory_space<vmem>>
      %dma_wait3A_249 = arith.constant 0 : i32
      %dma_wait3A_250 = arith.constant 0 : i32
      %dma_wait3A_251 = tpu.memref_slice %arg2[%dma_wait3A_249, %dma_wait3A_250] : memref<10000x128xf32, #tpu.memory_space<hbm>> -> memref<10000x128xf32, #tpu.memory_space<hbm>>
      %dma_wait3A_252 = tpu.memref_slice %arg11[%rem3A_238] : memref<2x!tpu.dma_semaphore, #tpu.memory_space<semaphore_mem>> -> memref<1x!tpu.dma_semaphore, #tpu.memory_space<semaphore_mem>>
      %dma_wait3A_253 = tpu.memref_squeeze %dma_wait3A_252 : memref<1x!tpu.dma_semaphore, #tpu.memory_space<semaphore_mem>> -> memref<!tpu.dma_semaphore, #tpu.memory_space<semaphore_mem>>
      tpu.wait_indirect_dma semaphore(%dma_wait3A_253 : memref<!tpu.dma_semaphore, #tpu.memory_space<semaphore_mem>>) src(%dma_wait3A_251 : memref<10000x128xf32, #tpu.memory_space<hbm>>) dst(%dma_wait3A_245 : memref<128x128xf32, #tpu.memory_space<vmem>>)
      %dma_start3A_254 = arith.constant 1 : i32
      %dma_start3A_255 = arith.constant 0 : i32
      %dma_start3A_256 = arith.constant 0 : i32
      %dma_start3A_257 = tpu.memref_slice %arg8[%rem3A_238, %dma_start3A_255, %dma_start3A_256] : memref<2x128x128xf32, #tpu.memory_space<vmem>> -> memref<1x128x128xf32, #tpu.memory_space<vmem>>
      %dma_start3A_258 = tpu.memref_squeeze %dma_start3A_257 : memref<1x128x128xf32, #tpu.memory_space<vmem>> -> memref<128x128xf32, #tpu.memory_space<vmem>>
      %dma_start3A_259 = arith.constant 0 : i32
      %dma_start3A_260 = tpu.memref_slice %arg6[%rem3A_240, %dma_start3A_254, %dma_start3A_259] : memref<4x2x128xi32, #tpu.memory_space<vmem>> -> memref<1x1x128xi32, #tpu.memory_space<vmem>>
      %dma_start3A_261 = tpu.memref_squeeze %dma_start3A_260 : memref<1x1x128xi32, #tpu.memory_space<vmem>> -> memref<128xi32, #tpu.memory_space<vmem>>
      %dma_start3A_262 = arith.constant 0 : i32
      %dma_start3A_263 = arith.constant 0 : i32
      %dma_start3A_264 = tpu.memref_slice %arg10[%dma_start3A_262, %dma_start3A_263] : memref<10000x128xf32, #tpu.memory_space<vmem_shared>> -> memref<10000x128xf32, #tpu.memory_space<vmem_shared>>
      %dma_start3A_265 = tpu.memref_slice %arg13[%rem3A_238] : memref<2x!tpu.dma_semaphore, #tpu.memory_space<semaphore_mem>> -> memref<1x!tpu.dma_semaphore, #tpu.memory_space<semaphore_mem>>
      %dma_start3A_266 = tpu.memref_squeeze %dma_start3A_265 : memref<1x!tpu.dma_semaphore, #tpu.memory_space<semaphore_mem>> -> memref<!tpu.dma_semaphore, #tpu.memory_space<semaphore_mem>>
      tpu.enqueue_indirect_dma source(%dma_start3A_258 : memref<128x128xf32, #tpu.memory_space<vmem>>) target(%dma_start3A_264 : memref<10000x128xf32, #tpu.memory_space<vmem_shared>>) offsets(%dma_start3A_261 : memref<128xi32, #tpu.memory_space<vmem>>) semaphore(%dma_start3A_266 : memref<!tpu.dma_semaphore, #tpu.memory_space<semaphore_mem>>) {add = true}
      %add3A_267 = arith.constant 1 : i32
      %add3A_268 = arith.addi %scan3A_237, %add3A_267 : i32
      %lt3A_269 = arith.constant 78 : i32
      %lt3A_270 = arith.cmpi slt, %add3A_268, %lt3A_269 : i32
      %convert_element_type3A_271 = arith.extui %lt3A_270 : i1 to i32
      %cond3A_272 = arith.constant 0 : i32
      %cond3A_273 = arith.cmpi ne, %convert_element_type3A_271, %cond3A_272 : i32
      scf.if %cond3A_273 {
        %add3A_274 = arith.constant 1 : i32
        %add3A_275 = arith.addi %scan3A_237, %add3A_274 : i32
        %rem3A_276 = arith.constant 2 : i32
        %rem3A_277 = arith.remsi %add3A_275, %rem3A_276 : i32
        %add3A_278 = arith.constant 1 : i32
        %add3A_279 = arith.addi %scan3A_237, %add3A_278 : i32
        %rem3A_280 = arith.constant 4 : i32
        %rem3A_281 = arith.remsi %add3A_279, %rem3A_280 : i32
        %gt3A = arith.constant 0 : i32
        %gt3A_282 = arith.cmpi sgt, %scan3A_237, %gt3A : i32
        %convert_element_type3A_283 = arith.extui %gt3A_282 : i1 to i32
        %cond3A_284 = arith.constant 0 : i32
        %cond3A_285 = arith.cmpi ne, %convert_element_type3A_283, %cond3A_284 : i32
        scf.if %cond3A_285 {
          %add3A_340 = arith.constant 3 : i32
          %add3A_341 = arith.addi %scan3A_237, %add3A_340 : i32
          %rem3A_342 = arith.constant 4 : i32
          %rem3A_343 = arith.remsi %add3A_341, %rem3A_342 : i32
          %dma_wait3A_344 = arith.constant 1 : i32
          %dma_wait3A_345 = arith.constant 0 : i32
          %dma_wait3A_346 = arith.constant 0 : i32
          %dma_wait3A_347 = tpu.memref_slice %arg8[%rem3A_277, %dma_wait3A_345, %dma_wait3A_346] : memref<2x128x128xf32, #tpu.memory_space<vmem>> -> memref<1x128x128xf32, #tpu.memory_space<vmem>>
          %dma_wait3A_348 = tpu.memref_squeeze %dma_wait3A_347 : memref<1x128x128xf32, #tpu.memory_space<vmem>> -> memref<128x128xf32, #tpu.memory_space<vmem>>
          %dma_wait3A_349 = arith.constant 0 : i32
          %dma_wait3A_350 = tpu.memref_slice %arg6[%rem3A_343, %dma_wait3A_344, %dma_wait3A_349] : memref<4x2x128xi32, #tpu.memory_space<vmem>> -> memref<1x1x128xi32, #tpu.memory_space<vmem>>
          %dma_wait3A_351 = tpu.memref_squeeze %dma_wait3A_350 : memref<1x1x128xi32, #tpu.memory_space<vmem>> -> memref<128xi32, #tpu.memory_space<vmem>>
          %dma_wait3A_352 = arith.constant 0 : i32
          %dma_wait3A_353 = arith.constant 0 : i32
          %dma_wait3A_354 = tpu.memref_slice %arg10[%dma_wait3A_352, %dma_wait3A_353] : memref<10000x128xf32, #tpu.memory_space<vmem_shared>> -> memref<10000x128xf32, #tpu.memory_space<vmem_shared>>
          %dma_wait3A_355 = tpu.memref_slice %arg13[%rem3A_277] : memref<2x!tpu.dma_semaphore, #tpu.memory_space<semaphore_mem>> -> memref<1x!tpu.dma_semaphore, #tpu.memory_space<semaphore_mem>>
          %dma_wait3A_356 = tpu.memref_squeeze %dma_wait3A_355 : memref<1x!tpu.dma_semaphore, #tpu.memory_space<semaphore_mem>> -> memref<!tpu.dma_semaphore, #tpu.memory_space<semaphore_mem>>
          tpu.wait_indirect_dma semaphore(%dma_wait3A_356 : memref<!tpu.dma_semaphore, #tpu.memory_space<semaphore_mem>>) src(%dma_wait3A_348 : memref<128x128xf32, #tpu.memory_space<vmem>>) dst(%dma_wait3A_354 : memref<10000x128xf32, #tpu.memory_space<vmem_shared>>)
        } else {
        }
        %add3A_286 = arith.constant 1 : i32
        %add3A_287 = arith.addi %scan3A_237, %add3A_286 : i32
        %mul3A_288 = arith.constant 128 : i32
        %mul3A_289 = arith.muli %add3A_287, %mul3A_288 : i32
        %dma_wait3A_290 = arith.constant 0 : i32
        %dma_wait3A_291 = arith.constant 0 : i32
        %dma_wait3A_292 = arith.constant 0 : i32
        %dma_wait3A_293 = tpu.memref_slice %arg6[%rem3A_281, %dma_wait3A_291, %dma_wait3A_292] : memref<4x2x128xi32, #tpu.memory_space<vmem>> -> memref<1x1x128xi32, #tpu.memory_space<vmem>>
        %dma_wait3A_294 = tpu.memref_squeeze %dma_wait3A_293 : memref<1x1x128xi32, #tpu.memory_space<vmem>> -> memref<128xi32, #tpu.memory_space<vmem>>
        %dma_wait3A_295 = tpu.memref_slice %arg3[%dma_wait3A_290, %add3A, %mul3A_289] : memref<2x32x10000xi32, #tpu.memory_space<hbm>> -> memref<1x1x128xi32, #tpu.memory_space<hbm>>
        %dma_wait3A_296 = tpu.memref_squeeze %dma_wait3A_295 : memref<1x1x128xi32, #tpu.memory_space<hbm>> -> memref<128xi32, #tpu.memory_space<hbm>>
        %dma_wait3A_297 = tpu.memref_slice %arg12[%rem3A_281] : memref<4x!tpu.dma_semaphore, #tpu.memory_space<semaphore_mem>> -> memref<1x!tpu.dma_semaphore, #tpu.memory_space<semaphore_mem>>
        %dma_wait3A_298 = tpu.memref_squeeze %dma_wait3A_297 : memref<1x!tpu.dma_semaphore, #tpu.memory_space<semaphore_mem>> -> memref<!tpu.dma_semaphore, #tpu.memory_space<semaphore_mem>>
        %dma_wait3A_299 = arith.constant 0 : i32
        %dma_wait3A_300 = tpu.memref_slice %arg6[%rem3A_281, %dma_wait3A_291, %dma_wait3A_299] : memref<4x2x128xi32, #tpu.memory_space<vmem>> -> memref<1x1x128xi32, #tpu.memory_space<vmem>>
        %dma_wait3A_301 = tpu.memref_squeeze %dma_wait3A_300 : memref<1x1x128xi32, #tpu.memory_space<vmem>> -> memref<128xi32, #tpu.memory_space<vmem>>
        %dma_wait3A_302 = tpu.memref_slice %arg3[%dma_wait3A_290, %add3A, %mul3A_289] : memref<2x32x10000xi32, #tpu.memory_space<hbm>> -> memref<1x1x128xi32, #tpu.memory_space<hbm>>
        %dma_wait3A_303 = tpu.memref_squeeze %dma_wait3A_302 : memref<1x1x128xi32, #tpu.memory_space<hbm>> -> memref<128xi32, #tpu.memory_space<hbm>>
        tpu.wait_dma2 semaphore(%dma_wait3A_298 : memref<!tpu.dma_semaphore, #tpu.memory_space<semaphore_mem>>) src(%dma_wait3A_303 : memref<128xi32, #tpu.memory_space<hbm>>) dst(%dma_wait3A_301 : memref<128xi32, #tpu.memory_space<vmem>>)
        %mul3A_304 = arith.constant 128 : i32
        %mul3A_305 = arith.muli %add3A_287, %mul3A_304 : i32
        %dma_wait3A_306 = arith.constant 1 : i32
        %dma_wait3A_307 = arith.constant 1 : i32
        %dma_wait3A_308 = arith.constant 0 : i32
        %dma_wait3A_309 = tpu.memref_slice %arg6[%rem3A_281, %dma_wait3A_307, %dma_wait3A_308] : memref<4x2x128xi32, #tpu.memory_space<vmem>> -> memref<1x1x128xi32, #tpu.memory_space<vmem>>
        %dma_wait3A_310 = tpu.memref_squeeze %dma_wait3A_309 : memref<1x1x128xi32, #tpu.memory_space<vmem>> -> memref<128xi32, #tpu.memory_space<vmem>>
        %dma_wait3A_311 = tpu.memref_slice %arg3[%dma_wait3A_306, %add3A, %mul3A_305] : memref<2x32x10000xi32, #tpu.memory_space<hbm>> -> memref<1x1x128xi32, #tpu.memory_space<hbm>>
        %dma_wait3A_312 = tpu.memref_squeeze %dma_wait3A_311 : memref<1x1x128xi32, #tpu.memory_space<hbm>> -> memref<128xi32, #tpu.memory_space<hbm>>
        %dma_wait3A_313 = tpu.memref_slice %arg12[%rem3A_281] : memref<4x!tpu.dma_semaphore, #tpu.memory_space<semaphore_mem>> -> memref<1x!tpu.dma_semaphore, #tpu.memory_space<semaphore_mem>>
        %dma_wait3A_314 = tpu.memref_squeeze %dma_wait3A_313 : memref<1x!tpu.dma_semaphore, #tpu.memory_space<semaphore_mem>> -> memref<!tpu.dma_semaphore, #tpu.memory_space<semaphore_mem>>
        %dma_wait3A_315 = arith.constant 0 : i32
        %dma_wait3A_316 = tpu.memref_slice %arg6[%rem3A_281, %dma_wait3A_307, %dma_wait3A_315] : memref<4x2x128xi32, #tpu.memory_space<vmem>> -> memref<1x1x128xi32, #tpu.memory_space<vmem>>
        %dma_wait3A_317 = tpu.memref_squeeze %dma_wait3A_316 : memref<1x1x128xi32, #tpu.memory_space<vmem>> -> memref<128xi32, #tpu.memory_space<vmem>>
        %dma_wait3A_318 = tpu.memref_slice %arg3[%dma_wait3A_306, %add3A, %mul3A_305] : memref<2x32x10000xi32, #tpu.memory_space<hbm>> -> memref<1x1x128xi32, #tpu.memory_space<hbm>>
        %dma_wait3A_319 = tpu.memref_squeeze %dma_wait3A_318 : memref<1x1x128xi32, #tpu.memory_space<hbm>> -> memref<128xi32, #tpu.memory_space<hbm>>
        tpu.wait_dma2 semaphore(%dma_wait3A_314 : memref<!tpu.dma_semaphore, #tpu.memory_space<semaphore_mem>>) src(%dma_wait3A_319 : memref<128xi32, #tpu.memory_space<hbm>>) dst(%dma_wait3A_317 : memref<128xi32, #tpu.memory_space<vmem>>)
        %dma_start3A_320 = arith.constant 0 : i32
        %dma_start3A_321 = arith.constant 0 : i32
        %dma_start3A_322 = arith.constant 0 : i32
        %dma_start3A_323 = tpu.memref_slice %arg8[%rem3A_277, %dma_start3A_321, %dma_start3A_322] : memref<2x128x128xf32, #tpu.memory_space<vmem>> -> memref<1x128x128xf32, #tpu.memory_space<vmem>>
        %dma_start3A_324 = tpu.memref_squeeze %dma_start3A_323 : memref<1x128x128xf32, #tpu.memory_space<vmem>> -> memref<128x128xf32, #tpu.memory_space<vmem>>
        %dma_start3A_325 = arith.constant 0 : i32
        %dma_start3A_326 = tpu.memref_slice %arg6[%rem3A_281, %dma_start3A_320, %dma_start3A_325] : memref<4x2x128xi32, #tpu.memory_space<vmem>> -> memref<1x1x128xi32, #tpu.memory_space<vmem>>
        %dma_start3A_327 = tpu.memref_squeeze %dma_start3A_326 : memref<1x1x128xi32, #tpu.memory_space<vmem>> -> memref<128xi32, #tpu.memory_space<vmem>>
        %dma_start3A_328 = arith.constant 0 : i32
        %dma_start3A_329 = arith.constant 0 : i32
        %dma_start3A_330 = tpu.memref_slice %arg2[%dma_start3A_328, %dma_start3A_329] : memref<10000x128xf32, #tpu.memory_space<hbm>> -> memref<10000x128xf32, #tpu.memory_space<hbm>>
        %dma_start3A_331 = tpu.memref_slice %arg11[%rem3A_277] : memref<2x!tpu.dma_semaphore, #tpu.memory_space<semaphore_mem>> -> memref<1x!tpu.dma_semaphore, #tpu.memory_space<semaphore_mem>>
        %dma_start3A_332 = tpu.memref_squeeze %dma_start3A_331 : memref<1x!tpu.dma_semaphore, #tpu.memory_space<semaphore_mem>> -> memref<!tpu.dma_semaphore, #tpu.memory_space<semaphore_mem>>
        tpu.enqueue_indirect_dma source(%dma_start3A_330 : memref<10000x128xf32, #tpu.memory_space<hbm>>) target(%dma_start3A_324 : memref<128x128xf32, #tpu.memory_space<vmem>>) offsets(%dma_start3A_327 : memref<128xi32, #tpu.memory_space<vmem>>) semaphore(%dma_start3A_332 : memref<!tpu.dma_semaphore, #tpu.memory_space<semaphore_mem>>)
        %add3A_333 = arith.constant 3 : i32
        %add3A_334 = arith.addi %scan3A_237, %add3A_333 : i32
        %lt3A_335 = arith.constant 78 : i32
        %lt3A_336 = arith.cmpi slt, %add3A_334, %lt3A_335 : i32
        %convert_element_type3A_337 = arith.extui %lt3A_336 : i1 to i32
        %cond3A_338 = arith.constant 0 : i32
        %cond3A_339 = arith.cmpi ne, %convert_element_type3A_337, %cond3A_338 : i32
        scf.if %cond3A_339 {
          %add3A_340 = arith.constant 3 : i32
          %add3A_341 = arith.addi %scan3A_237, %add3A_340 : i32
          %rem3A_342 = arith.constant 4 : i32
          %rem3A_343 = arith.remsi %add3A_341, %rem3A_342 : i32
          %add3A_344 = arith.constant 3 : i32
          %add3A_345 = arith.addi %scan3A_237, %add3A_344 : i32
          %mul3A_346 = arith.constant 128 : i32
          %mul3A_347 = arith.muli %add3A_345, %mul3A_346 : i32
          %dma_start3A_348 = arith.constant 0 : i32
          %dma_start3A_349 = arith.constant 0 : i32
          %dma_start3A_350 = arith.constant 0 : i32
          %dma_start3A_351 = tpu.memref_slice %arg6[%rem3A_343, %dma_start3A_349, %dma_start3A_350] : memref<4x2x128xi32, #tpu.memory_space<vmem>> -> memref<1x1x128xi32, #tpu.memory_space<vmem>>
          %dma_start3A_352 = tpu.memref_squeeze %dma_start3A_351 : memref<1x1x128xi32, #tpu.memory_space<vmem>> -> memref<128xi32, #tpu.memory_space<vmem>>
          %dma_start3A_353 = tpu.memref_slice %arg3[%dma_start3A_348, %add3A, %mul3A_347] : memref<2x32x10000xi32, #tpu.memory_space<hbm>> -> memref<1x1x128xi32, #tpu.memory_space<hbm>>
          %dma_start3A_354 = tpu.memref_squeeze %dma_start3A_353 : memref<1x1x128xi32, #tpu.memory_space<hbm>> -> memref<128xi32, #tpu.memory_space<hbm>>
          %dma_start3A_355 = tpu.memref_slice %arg12[%rem3A_343] : memref<4x!tpu.dma_semaphore, #tpu.memory_space<semaphore_mem>> -> memref<1x!tpu.dma_semaphore, #tpu.memory_space<semaphore_mem>>
          %dma_start3A_356 = tpu.memref_squeeze %dma_start3A_355 : memref<1x!tpu.dma_semaphore, #tpu.memory_space<semaphore_mem>> -> memref<!tpu.dma_semaphore, #tpu.memory_space<semaphore_mem>>
          %dma_start3A_357 = arith.constant 0 : i32
          %dma_start3A_358 = tpu.memref_slice %arg6[%rem3A_343, %dma_start3A_349, %dma_start3A_357] : memref<4x2x128xi32, #tpu.memory_space<vmem>> -> memref<1x1x128xi32, #tpu.memory_space<vmem>>
          %dma_start3A_359 = tpu.memref_squeeze %dma_start3A_358 : memref<1x1x128xi32, #tpu.memory_space<vmem>> -> memref<128xi32, #tpu.memory_space<vmem>>
          %dma_start3A_360 = tpu.memref_slice %arg3[%dma_start3A_348, %add3A, %mul3A_347] : memref<2x32x10000xi32, #tpu.memory_space<hbm>> -> memref<1x1x128xi32, #tpu.memory_space<hbm>>
          %dma_start3A_361 = tpu.memref_squeeze %dma_start3A_360 : memref<1x1x128xi32, #tpu.memory_space<hbm>> -> memref<128xi32, #tpu.memory_space<hbm>>
          tpu.enqueue_dma source(%dma_start3A_361 : memref<128xi32, #tpu.memory_space<hbm>>) target(%dma_start3A_359 : memref<128xi32, #tpu.memory_space<vmem>>) target_semaphore(%dma_start3A_356 : memref<!tpu.dma_semaphore, #tpu.memory_space<semaphore_mem>>)
          %mul3A_362 = arith.constant 128 : i32
          %mul3A_363 = arith.muli %add3A_345, %mul3A_362 : i32
          %dma_start3A_364 = arith.constant 1 : i32
          %dma_start3A_365 = arith.constant 1 : i32
          %dma_start3A_366 = arith.constant 0 : i32
          %dma_start3A_367 = tpu.memref_slice %arg6[%rem3A_343, %dma_start3A_365, %dma_start3A_366] : memref<4x2x128xi32, #tpu.memory_space<vmem>> -> memref<1x1x128xi32, #tpu.memory_space<vmem>>
          %dma_start3A_368 = tpu.memref_squeeze %dma_start3A_367 : memref<1x1x128xi32, #tpu.memory_space<vmem>> -> memref<128xi32, #tpu.memory_space<vmem>>
          %dma_start3A_369 = tpu.memref_slice %arg3[%dma_start3A_364, %add3A, %mul3A_363] : memref<2x32x10000xi32, #tpu.memory_space<hbm>> -> memref<1x1x128xi32, #tpu.memory_space<hbm>>
          %dma_start3A_370 = tpu.memref_squeeze %dma_start3A_369 : memref<1x1x128xi32, #tpu.memory_space<hbm>> -> memref<128xi32, #tpu.memory_space<hbm>>
          %dma_start3A_371 = tpu.memref_slice %arg12[%rem3A_343] : memref<4x!tpu.dma_semaphore, #tpu.memory_space<semaphore_mem>> -> memref<1x!tpu.dma_semaphore, #tpu.memory_space<semaphore_mem>>
          %dma_start3A_372 = tpu.memref_squeeze %dma_start3A_371 : memref<1x!tpu.dma_semaphore, #tpu.memory_space<semaphore_mem>> -> memref<!tpu.dma_semaphore, #tpu.memory_space<semaphore_mem>>
          %dma_start3A_373 = arith.constant 0 : i32
          %dma_start3A_374 = tpu.memref_slice %arg6[%rem3A_343, %dma_start3A_365, %dma_start3A_373] : memref<4x2x128xi32, #tpu.memory_space<vmem>> -> memref<1x1x128xi32, #tpu.memory_space<vmem>>
          %dma_start3A_375 = tpu.memref_squeeze %dma_start3A_374 : memref<1x1x128xi32, #tpu.memory_space<vmem>> -> memref<128xi32, #tpu.memory_space<vmem>>
          %dma_start3A_376 = tpu.memref_slice %arg3[%dma_start3A_364, %add3A, %mul3A_363] : memref<2x32x10000xi32, #tpu.memory_space<hbm>> -> memref<1x1x128xi32, #tpu.memory_space<hbm>>
          %dma_start3A_377 = tpu.memref_squeeze %dma_start3A_376 : memref<1x1x128xi32, #tpu.memory_space<hbm>> -> memref<128xi32, #tpu.memory_space<hbm>>
          tpu.enqueue_dma source(%dma_start3A_377 : memref<128xi32, #tpu.memory_space<hbm>>) target(%dma_start3A_375 : memref<128xi32, #tpu.memory_space<vmem>>) target_semaphore(%dma_start3A_372 : memref<!tpu.dma_semaphore, #tpu.memory_space<semaphore_mem>>)
        } else {
        }
      } else {
      }
    }
    %scan3A_169 = arith.constant 78 : i32
    %dma_wait3A_170 = arith.constant 0 : i32
    %dma_wait3A_171 = arith.constant 0 : i32
    %dma_wait3A_172 = arith.constant 1 : i32
    %dma_wait3A_173 = arith.constant 0 : i32
    %dma_wait3A_174 = arith.constant 0 : i32
    %dma_wait3A_175 = arith.constant 0 : i32
    %dma_wait3A_176 = tpu.memref_slice %arg8[%dma_wait3A_170, %dma_wait3A_174, %dma_wait3A_175] : memref<2x128x128xf32, #tpu.memory_space<vmem>> -> memref<1x128x128xf32, #tpu.memory_space<vmem>>
    %dma_wait3A_177 = tpu.memref_squeeze %dma_wait3A_176 : memref<1x128x128xf32, #tpu.memory_space<vmem>> -> memref<128x128xf32, #tpu.memory_space<vmem>>
    %dma_wait3A_178 = arith.constant 0 : i32
    %dma_wait3A_179 = tpu.memref_slice %arg6[%dma_wait3A_171, %dma_wait3A_172, %dma_wait3A_178] : memref<4x2x128xi32, #tpu.memory_space<vmem>> -> memref<1x1x128xi32, #tpu.memory_space<vmem>>
    %dma_wait3A_180 = tpu.memref_squeeze %dma_wait3A_179 : memref<1x1x128xi32, #tpu.memory_space<vmem>> -> memref<128xi32, #tpu.memory_space<vmem>>
    %dma_wait3A_181 = arith.constant 0 : i32
    %dma_wait3A_182 = arith.constant 0 : i32
    %dma_wait3A_183 = tpu.memref_slice %arg10[%dma_wait3A_181, %dma_wait3A_182] : memref<10000x128xf32, #tpu.memory_space<vmem_shared>> -> memref<10000x128xf32, #tpu.memory_space<vmem_shared>>
    %dma_wait3A_184 = tpu.memref_slice %arg13[%dma_wait3A_173] : memref<2x!tpu.dma_semaphore, #tpu.memory_space<semaphore_mem>> -> memref<1x!tpu.dma_semaphore, #tpu.memory_space<semaphore_mem>>
    %dma_wait3A_185 = tpu.memref_squeeze %dma_wait3A_184 : memref<1x!tpu.dma_semaphore, #tpu.memory_space<semaphore_mem>> -> memref<!tpu.dma_semaphore, #tpu.memory_space<semaphore_mem>>
    tpu.wait_indirect_dma semaphore(%dma_wait3A_185 : memref<!tpu.dma_semaphore, #tpu.memory_space<semaphore_mem>>) src(%dma_wait3A_177 : memref<128x128xf32, #tpu.memory_space<vmem>>) dst(%dma_wait3A_183 : memref<10000x128xf32, #tpu.memory_space<vmem_shared>>)
    %dma_wait3A_186 = arith.constant 1 : i32
    %dma_wait3A_187 = arith.constant 1 : i32
    %dma_wait3A_188 = arith.constant 1 : i32
    %dma_wait3A_189 = arith.constant 1 : i32
    %dma_wait3A_190 = arith.constant 0 : i32
    %dma_wait3A_191 = arith.constant 0 : i32
    %dma_wait3A_192 = tpu.memref_slice %arg8[%dma_wait3A_186, %dma_wait3A_190, %dma_wait3A_191] : memref<2x128x128xf32, #tpu.memory_space<vmem>> -> memref<1x128x128xf32, #tpu.memory_space<vmem>>
    %dma_wait3A_193 = tpu.memref_squeeze %dma_wait3A_192 : memref<1x128x128xf32, #tpu.memory_space<vmem>> -> memref<128x128xf32, #tpu.memory_space<vmem>>
    %dma_wait3A_194 = arith.constant 0 : i32
    %dma_wait3A_195 = tpu.memref_slice %arg6[%dma_wait3A_187, %dma_wait3A_188, %dma_wait3A_194] : memref<4x2x128xi32, #tpu.memory_space<vmem>> -> memref<1x1x128xi32, #tpu.memory_space<vmem>>
    %dma_wait3A_196 = tpu.memref_squeeze %dma_wait3A_195 : memref<1x1x128xi32, #tpu.memory_space<vmem>> -> memref<128xi32, #tpu.memory_space<vmem>>
    %dma_wait3A_197 = arith.constant 0 : i32
    %dma_wait3A_198 = arith.constant 0 : i32
    %dma_wait3A_199 = tpu.memref_slice %arg10[%dma_wait3A_197, %dma_wait3A_198] : memref<10000x128xf32, #tpu.memory_space<vmem_shared>> -> memref<10000x128xf32, #tpu.memory_space<vmem_shared>>
    %dma_wait3A_200 = tpu.memref_slice %arg13[%dma_wait3A_189] : memref<2x!tpu.dma_semaphore, #tpu.memory_space<semaphore_mem>> -> memref<1x!tpu.dma_semaphore, #tpu.memory_space<semaphore_mem>>
    %dma_wait3A_201 = tpu.memref_squeeze %dma_wait3A_200 : memref<1x!tpu.dma_semaphore, #tpu.memory_space<semaphore_mem>> -> memref<!tpu.dma_semaphore, #tpu.memory_space<semaphore_mem>>
    tpu.wait_indirect_dma semaphore(%dma_wait3A_201 : memref<!tpu.dma_semaphore, #tpu.memory_space<semaphore_mem>>) src(%dma_wait3A_193 : memref<128x128xf32, #tpu.memory_space<vmem>>) dst(%dma_wait3A_199 : memref<10000x128xf32, #tpu.memory_space<vmem_shared>>)
    %run_scoped3A = arith.constant 0 : i32
    %run_scoped3A_202 = arith.constant 0 : i32
    "tpu.region"() ({
      %run_scoped3A_237 = tpu.sem_alloc : memref<!tpu.dma_semaphore, #tpu.memory_space<semaphore_mem>>
      %dma_start3A_238 = arith.constant 0 : i32
      %dma_start3A_239 = tpu.memref_slice %arg7[%run_scoped3A_202, %dma_start3A_238] : memref<2x16xi32, #tpu.memory_space<vmem>> -> memref<1x16xi32, #tpu.memory_space<vmem>>
      %dma_start3A_240 = tpu.memref_squeeze %dma_start3A_239 : memref<1x16xi32, #tpu.memory_space<vmem>> -> memref<16xi32, #tpu.memory_space<vmem>>
      %dma_start3A_241 = arith.constant 9984 : i32
      %dma_start3A_242 = tpu.memref_slice %arg3[%run_scoped3A, %add3A, %dma_start3A_241] : memref<2x32x10000xi32, #tpu.memory_space<hbm>> -> memref<1x1x16xi32, #tpu.memory_space<hbm>>
      %dma_start3A_243 = tpu.memref_squeeze %dma_start3A_242 : memref<1x1x16xi32, #tpu.memory_space<hbm>> -> memref<16xi32, #tpu.memory_space<hbm>>
      %dma_start3A_244 = arith.constant 0 : i32
      %dma_start3A_245 = tpu.memref_slice %arg7[%run_scoped3A_202, %dma_start3A_244] : memref<2x16xi32, #tpu.memory_space<vmem>> -> memref<1x16xi32, #tpu.memory_space<vmem>>
      %dma_start3A_246 = tpu.memref_squeeze %dma_start3A_245 : memref<1x16xi32, #tpu.memory_space<vmem>> -> memref<16xi32, #tpu.memory_space<vmem>>
      %dma_start3A_247 = arith.constant 9984 : i32
      %dma_start3A_248 = tpu.memref_slice %arg3[%run_scoped3A, %add3A, %dma_start3A_247] : memref<2x32x10000xi32, #tpu.memory_space<hbm>> -> memref<1x1x16xi32, #tpu.memory_space<hbm>>
      %dma_start3A_249 = tpu.memref_squeeze %dma_start3A_248 : memref<1x1x16xi32, #tpu.memory_space<hbm>> -> memref<16xi32, #tpu.memory_space<hbm>>
      tpu.enqueue_dma source(%dma_start3A_249 : memref<16xi32, #tpu.memory_space<hbm>>) target(%dma_start3A_246 : memref<16xi32, #tpu.memory_space<vmem>>) target_semaphore(%run_scoped3A_237 : memref<!tpu.dma_semaphore, #tpu.memory_space<semaphore_mem>>)
      %dma_wait3A_250 = arith.constant 0 : i32
      %dma_wait3A_251 = tpu.memref_slice %arg7[%run_scoped3A_202, %dma_wait3A_250] : memref<2x16xi32, #tpu.memory_space<vmem>> -> memref<1x16xi32, #tpu.memory_space<vmem>>
      %dma_wait3A_252 = tpu.memref_squeeze %dma_wait3A_251 : memref<1x16xi32, #tpu.memory_space<vmem>> -> memref<16xi32, #tpu.memory_space<vmem>>
      %dma_wait3A_253 = arith.constant 9984 : i32
      %dma_wait3A_254 = tpu.memref_slice %arg3[%run_scoped3A, %add3A, %dma_wait3A_253] : memref<2x32x10000xi32, #tpu.memory_space<hbm>> -> memref<1x1x16xi32, #tpu.memory_space<hbm>>
      %dma_wait3A_255 = tpu.memref_squeeze %dma_wait3A_254 : memref<1x1x16xi32, #tpu.memory_space<hbm>> -> memref<16xi32, #tpu.memory_space<hbm>>
      %dma_wait3A_256 = arith.constant 0 : i32
      %dma_wait3A_257 = tpu.memref_slice %arg7[%run_scoped3A_202, %dma_wait3A_256] : memref<2x16xi32, #tpu.memory_space<vmem>> -> memref<1x16xi32, #tpu.memory_space<vmem>>
      %dma_wait3A_258 = tpu.memref_squeeze %dma_wait3A_257 : memref<1x16xi32, #tpu.memory_space<vmem>> -> memref<16xi32, #tpu.memory_space<vmem>>
      %dma_wait3A_259 = arith.constant 9984 : i32
      %dma_wait3A_260 = tpu.memref_slice %arg3[%run_scoped3A, %add3A, %dma_wait3A_259] : memref<2x32x10000xi32, #tpu.memory_space<hbm>> -> memref<1x1x16xi32, #tpu.memory_space<hbm>>
      %dma_wait3A_261 = tpu.memref_squeeze %dma_wait3A_260 : memref<1x1x16xi32, #tpu.memory_space<hbm>> -> memref<16xi32, #tpu.memory_space<hbm>>
      tpu.wait_dma2 semaphore(%run_scoped3A_237 : memref<!tpu.dma_semaphore, #tpu.memory_space<semaphore_mem>>) src(%dma_wait3A_261 : memref<16xi32, #tpu.memory_space<hbm>>) dst(%dma_wait3A_258 : memref<16xi32, #tpu.memory_space<vmem>>)
      tpu.yield
    }) : () -> ()
    %run_scoped3A_203 = arith.constant 1 : i32
    %run_scoped3A_204 = arith.constant 1 : i32
    "tpu.region"() ({
      %run_scoped3A_237 = tpu.sem_alloc : memref<!tpu.dma_semaphore, #tpu.memory_space<semaphore_mem>>
      %dma_start3A_238 = arith.constant 0 : i32
      %dma_start3A_239 = tpu.memref_slice %arg7[%run_scoped3A_204, %dma_start3A_238] : memref<2x16xi32, #tpu.memory_space<vmem>> -> memref<1x16xi32, #tpu.memory_space<vmem>>
      %dma_start3A_240 = tpu.memref_squeeze %dma_start3A_239 : memref<1x16xi32, #tpu.memory_space<vmem>> -> memref<16xi32, #tpu.memory_space<vmem>>
      %dma_start3A_241 = arith.constant 9984 : i32
      %dma_start3A_242 = tpu.memref_slice %arg3[%run_scoped3A_203, %add3A, %dma_start3A_241] : memref<2x32x10000xi32, #tpu.memory_space<hbm>> -> memref<1x1x16xi32, #tpu.memory_space<hbm>>
      %dma_start3A_243 = tpu.memref_squeeze %dma_start3A_242 : memref<1x1x16xi32, #tpu.memory_space<hbm>> -> memref<16xi32, #tpu.memory_space<hbm>>
      %dma_start3A_244 = arith.constant 0 : i32
      %dma_start3A_245 = tpu.memref_slice %arg7[%run_scoped3A_204, %dma_start3A_244] : memref<2x16xi32, #tpu.memory_space<vmem>> -> memref<1x16xi32, #tpu.memory_space<vmem>>
      %dma_start3A_246 = tpu.memref_squeeze %dma_start3A_245 : memref<1x16xi32, #tpu.memory_space<vmem>> -> memref<16xi32, #tpu.memory_space<vmem>>
      %dma_start3A_247 = arith.constant 9984 : i32
      %dma_start3A_248 = tpu.memref_slice %arg3[%run_scoped3A_203, %add3A, %dma_start3A_247] : memref<2x32x10000xi32, #tpu.memory_space<hbm>> -> memref<1x1x16xi32, #tpu.memory_space<hbm>>
      %dma_start3A_249 = tpu.memref_squeeze %dma_start3A_248 : memref<1x1x16xi32, #tpu.memory_space<hbm>> -> memref<16xi32, #tpu.memory_space<hbm>>
      tpu.enqueue_dma source(%dma_start3A_249 : memref<16xi32, #tpu.memory_space<hbm>>) target(%dma_start3A_246 : memref<16xi32, #tpu.memory_space<vmem>>) target_semaphore(%run_scoped3A_237 : memref<!tpu.dma_semaphore, #tpu.memory_space<semaphore_mem>>)
      %dma_wait3A_250 = arith.constant 0 : i32
      %dma_wait3A_251 = tpu.memref_slice %arg7[%run_scoped3A_204, %dma_wait3A_250] : memref<2x16xi32, #tpu.memory_space<vmem>> -> memref<1x16xi32, #tpu.memory_space<vmem>>
      %dma_wait3A_252 = tpu.memref_squeeze %dma_wait3A_251 : memref<1x16xi32, #tpu.memory_space<vmem>> -> memref<16xi32, #tpu.memory_space<vmem>>
      %dma_wait3A_253 = arith.constant 9984 : i32
      %dma_wait3A_254 = tpu.memref_slice %arg3[%run_scoped3A_203, %add3A, %dma_wait3A_253] : memref<2x32x10000xi32, #tpu.memory_space<hbm>> -> memref<1x1x16xi32, #tpu.memory_space<hbm>>
      %dma_wait3A_255 = tpu.memref_squeeze %dma_wait3A_254 : memref<1x1x16xi32, #tpu.memory_space<hbm>> -> memref<16xi32, #tpu.memory_space<hbm>>
      %dma_wait3A_256 = arith.constant 0 : i32
      %dma_wait3A_257 = tpu.memref_slice %arg7[%run_scoped3A_204, %dma_wait3A_256] : memref<2x16xi32, #tpu.memory_space<vmem>> -> memref<1x16xi32, #tpu.memory_space<vmem>>
      %dma_wait3A_258 = tpu.memref_squeeze %dma_wait3A_257 : memref<1x16xi32, #tpu.memory_space<vmem>> -> memref<16xi32, #tpu.memory_space<vmem>>
      %dma_wait3A_259 = arith.constant 9984 : i32
      %dma_wait3A_260 = tpu.memref_slice %arg3[%run_scoped3A_203, %add3A, %dma_wait3A_259] : memref<2x32x10000xi32, #tpu.memory_space<hbm>> -> memref<1x1x16xi32, #tpu.memory_space<hbm>>
      %dma_wait3A_261 = tpu.memref_squeeze %dma_wait3A_260 : memref<1x1x16xi32, #tpu.memory_space<hbm>> -> memref<16xi32, #tpu.memory_space<hbm>>
      tpu.wait_dma2 semaphore(%run_scoped3A_237 : memref<!tpu.dma_semaphore, #tpu.memory_space<semaphore_mem>>) src(%dma_wait3A_261 : memref<16xi32, #tpu.memory_space<hbm>>) dst(%dma_wait3A_258 : memref<16xi32, #tpu.memory_space<vmem>>)
      tpu.yield
    }) : () -> ()
    %dma_start3A_205 = arith.constant 0 : i32
    %dma_start3A_206 = arith.constant 0 : i32
    %dma_start3A_207 = arith.constant 0 : i32
    %dma_start3A_208 = tpu.memref_slice %arg7[%dma_start3A_205, %dma_start3A_207] : memref<2x16xi32, #tpu.memory_space<vmem>> -> memref<1x16xi32, #tpu.memory_space<vmem>>
    %dma_start3A_209 = tpu.memref_squeeze %dma_start3A_208 : memref<1x16xi32, #tpu.memory_space<vmem>> -> memref<16xi32, #tpu.memory_space<vmem>>
    %dma_start3A_210 = arith.constant 0 : i32
    %dma_start3A_211 = arith.constant 0 : i32
    %dma_start3A_212 = tpu.memref_slice %arg2[%dma_start3A_210, %dma_start3A_211] : memref<10000x128xf32, #tpu.memory_space<hbm>> -> memref<10000x128xf32, #tpu.memory_space<hbm>>
    %dma_start3A_213 = tpu.memref_slice %arg11[%dma_start3A_206] : memref<2x!tpu.dma_semaphore, #tpu.memory_space<semaphore_mem>> -> memref<1x!tpu.dma_semaphore, #tpu.memory_space<semaphore_mem>>
    %dma_start3A_214 = tpu.memref_squeeze %dma_start3A_213 : memref<1x!tpu.dma_semaphore, #tpu.memory_space<semaphore_mem>> -> memref<!tpu.dma_semaphore, #tpu.memory_space<semaphore_mem>>
    tpu.enqueue_indirect_dma source(%dma_start3A_212 : memref<10000x128xf32, #tpu.memory_space<hbm>>) target(%arg9 : memref<16x128xf32, #tpu.memory_space<vmem>>) offsets(%dma_start3A_209 : memref<16xi32, #tpu.memory_space<vmem>>) semaphore(%dma_start3A_214 : memref<!tpu.dma_semaphore, #tpu.memory_space<semaphore_mem>>)
    %dma_wait3A_215 = arith.constant 0 : i32
    %dma_wait3A_216 = arith.constant 0 : i32
    %dma_wait3A_217 = arith.constant 0 : i32
    %dma_wait3A_218 = tpu.memref_slice %arg7[%dma_wait3A_215, %dma_wait3A_217] : memref<2x16xi32, #tpu.memory_space<vmem>> -> memref<1x16xi32, #tpu.memory_space<vmem>>
    %dma_wait3A_219 = tpu.memref_squeeze %dma_wait3A_218 : memref<1x16xi32, #tpu.memory_space<vmem>> -> memref<16xi32, #tpu.memory_space<vmem>>
    %dma_wait3A_220 = arith.constant 0 : i32
    %dma_wait3A_221 = arith.constant 0 : i32
    %dma_wait3A_222 = tpu.memref_slice %arg2[%dma_wait3A_220, %dma_wait3A_221] : memref<10000x128xf32, #tpu.memory_space<hbm>> -> memref<10000x128xf32, #tpu.memory_space<hbm>>
    %dma_wait3A_223 = tpu.memref_slice %arg11[%dma_wait3A_216] : memref<2x!tpu.dma_semaphore, #tpu.memory_space<semaphore_mem>> -> memref<1x!tpu.dma_semaphore, #tpu.memory_space<semaphore_mem>>
    %dma_wait3A_224 = tpu.memref_squeeze %dma_wait3A_223 : memref<1x!tpu.dma_semaphore, #tpu.memory_space<semaphore_mem>> -> memref<!tpu.dma_semaphore, #tpu.memory_space<semaphore_mem>>
    tpu.wait_indirect_dma semaphore(%dma_wait3A_224 : memref<!tpu.dma_semaphore, #tpu.memory_space<semaphore_mem>>) src(%dma_wait3A_222 : memref<10000x128xf32, #tpu.memory_space<hbm>>) dst(%arg9 : memref<16x128xf32, #tpu.memory_space<vmem>>)
    %run_scoped3A_225 = arith.constant 1 : i32
    "tpu.region"() ({
      %run_scoped3A_237 = tpu.sem_alloc : memref<!tpu.dma_semaphore, #tpu.memory_space<semaphore_mem>>
      %dma_start3A_238 = arith.constant 0 : i32
      %dma_start3A_239 = tpu.memref_slice %arg7[%run_scoped3A_225, %dma_start3A_238] : memref<2x16xi32, #tpu.memory_space<vmem>> -> memref<1x16xi32, #tpu.memory_space<vmem>>
      %dma_start3A_240 = tpu.memref_squeeze %dma_start3A_239 : memref<1x16xi32, #tpu.memory_space<vmem>> -> memref<16xi32, #tpu.memory_space<vmem>>
      %dma_start3A_241 = arith.constant 0 : i32
      %dma_start3A_242 = arith.constant 0 : i32
      %dma_start3A_243 = tpu.memref_slice %arg10[%dma_start3A_241, %dma_start3A_242] : memref<10000x128xf32, #tpu.memory_space<vmem_shared>> -> memref<10000x128xf32, #tpu.memory_space<vmem_shared>>
      tpu.enqueue_indirect_dma source(%arg9 : memref<16x128xf32, #tpu.memory_space<vmem>>) target(%dma_start3A_243 : memref<10000x128xf32, #tpu.memory_space<vmem_shared>>) offsets(%dma_start3A_240 : memref<16xi32, #tpu.memory_space<vmem>>) semaphore(%run_scoped3A_237 : memref<!tpu.dma_semaphore, #tpu.memory_space<semaphore_mem>>) {add = true}
      %dma_wait3A_244 = arith.constant 0 : i32
      %dma_wait3A_245 = tpu.memref_slice %arg7[%run_scoped3A_225, %dma_wait3A_244] : memref<2x16xi32, #tpu.memory_space<vmem>> -> memref<1x16xi32, #tpu.memory_space<vmem>>
      %dma_wait3A_246 = tpu.memref_squeeze %dma_wait3A_245 : memref<1x16xi32, #tpu.memory_space<vmem>> -> memref<16xi32, #tpu.memory_space<vmem>>
      %dma_wait3A_247 = arith.constant 0 : i32
      %dma_wait3A_248 = arith.constant 0 : i32
      %dma_wait3A_249 = tpu.memref_slice %arg10[%dma_wait3A_247, %dma_wait3A_248] : memref<10000x128xf32, #tpu.memory_space<vmem_shared>> -> memref<10000x128xf32, #tpu.memory_space<vmem_shared>>
      tpu.wait_indirect_dma semaphore(%run_scoped3A_237 : memref<!tpu.dma_semaphore, #tpu.memory_space<semaphore_mem>>) src(%arg9 : memref<16x128xf32, #tpu.memory_space<vmem>>) dst(%dma_wait3A_249 : memref<10000x128xf32, #tpu.memory_space<vmem_shared>>)
      tpu.yield
    }) : () -> ()
    %barrier3A_226 = arith.constant 0 : index
    tpu.barrier barrier_id(%barrier3A_226)
    %lt3A_227 = arith.constant 15 : i32
    %lt3A_228 = arith.cmpi slt, %arg1, %lt3A_227 : i32
    %convert_element_type3A_229 = arith.extui %lt3A_228 : i1 to i32
    %cond3A_230 = arith.constant 0 : i32
    %cond3A_231 = arith.cmpi ne, %convert_element_type3A_229, %cond3A_230 : i32
    scf.if %cond3A_231 {
      %mul3A_237 = arith.constant 624 : i32
      %mul3A_238 = arith.muli %arg1, %mul3A_237 : i32
      %mul3A_239 = arith.constant 624 : i32
      %mul3A_240 = arith.muli %arg1, %mul3A_239 : i32
      "tpu.region"() ({
        %run_scoped3A_241 = tpu.sem_alloc : memref<!tpu.dma_semaphore, #tpu.memory_space<semaphore_mem>>
        %dma_start3A_242 = arith.constant 0 : i32
        %dma_start3A_243 = tpu.memref_slice %arg5[%arg0, %mul3A_240, %dma_start3A_242] : memref<2x10000x128xf32, #tpu.memory_space<hbm>> -> memref<1x624x128xf32, #tpu.memory_space<hbm>>
        %dma_start3A_244 = tpu.memref_squeeze %dma_start3A_243 : memref<1x624x128xf32, #tpu.memory_space<hbm>> -> memref<624x128xf32, #tpu.memory_space<hbm>>
        %dma_start3A_245 = arith.constant 0 : i32
        %dma_start3A_246 = tpu.memref_slice %arg10[%mul3A_238, %dma_start3A_245] : memref<10000x128xf32, #tpu.memory_space<vmem_shared>> -> memref<624x128xf32, #tpu.memory_space<vmem_shared>>
        tpu.enqueue_dma source(%dma_start3A_246 : memref<624x128xf32, #tpu.memory_space<vmem_shared>>) target(%dma_start3A_244 : memref<624x128xf32, #tpu.memory_space<hbm>>) target_semaphore(%run_scoped3A_241 : memref<!tpu.dma_semaphore, #tpu.memory_space<semaphore_mem>>)
        %dma_wait3A_247 = arith.constant 0 : i32
        %dma_wait3A_248 = tpu.memref_slice %arg5[%arg0, %mul3A_240, %dma_wait3A_247] : memref<2x10000x128xf32, #tpu.memory_space<hbm>> -> memref<1x624x128xf32, #tpu.memory_space<hbm>>
        %dma_wait3A_249 = tpu.memref_squeeze %dma_wait3A_248 : memref<1x624x128xf32, #tpu.memory_space<hbm>> -> memref<624x128xf32, #tpu.memory_space<hbm>>
        %dma_wait3A_250 = arith.constant 0 : i32
        %dma_wait3A_251 = tpu.memref_slice %arg10[%mul3A_238, %dma_wait3A_250] : memref<10000x128xf32, #tpu.memory_space<vmem_shared>> -> memref<624x128xf32, #tpu.memory_space<vmem_shared>>
        tpu.wait_dma2 semaphore(%run_scoped3A_241 : memref<!tpu.dma_semaphore, #tpu.memory_space<semaphore_mem>>) src(%dma_wait3A_251 : memref<624x128xf32, #tpu.memory_space<vmem_shared>>) dst(%dma_wait3A_249 : memref<624x128xf32, #tpu.memory_space<hbm>>)
        tpu.yield
      }) : () -> ()
    } else {
    }
    %eq3A_232 = arith.constant 15 : i32
    %eq3A_233 = arith.cmpi eq, %arg1, %eq3A_232 : i32
    %convert_element_type3A_234 = arith.extui %eq3A_233 : i1 to i32
    %cond3A_235 = arith.constant 0 : i32
    %cond3A_236 = arith.cmpi ne, %convert_element_type3A_234, %cond3A_235 : i32
    scf.if %cond3A_236 {
      "tpu.region"() ({
        %run_scoped3A_237 = tpu.sem_alloc : memref<!tpu.dma_semaphore, #tpu.memory_space<semaphore_mem>>
        %dma_start3A_238 = arith.constant 9360 : i32
        %dma_start3A_239 = arith.constant 0 : i32
        %dma_start3A_240 = tpu.memref_slice %arg5[%arg0, %dma_start3A_238, %dma_start3A_239] : memref<2x10000x128xf32, #tpu.memory_space<hbm>> -> memref<1x640x128xf32, #tpu.memory_space<hbm>>
        %dma_start3A_241 = tpu.memref_squeeze %dma_start3A_240 : memref<1x640x128xf32, #tpu.memory_space<hbm>> -> memref<640x128xf32, #tpu.memory_space<hbm>>
        %dma_start3A_242 = arith.constant 9360 : i32
        %dma_start3A_243 = arith.constant 0 : i32
        %dma_start3A_244 = tpu.memref_slice %arg10[%dma_start3A_242, %dma_start3A_243] : memref<10000x128xf32, #tpu.memory_space<vmem_shared>> -> memref<640x128xf32, #tpu.memory_space<vmem_shared>>
        tpu.enqueue_dma source(%dma_start3A_244 : memref<640x128xf32, #tpu.memory_space<vmem_shared>>) target(%dma_start3A_241 : memref<640x128xf32, #tpu.memory_space<hbm>>) target_semaphore(%run_scoped3A_237 : memref<!tpu.dma_semaphore, #tpu.memory_space<semaphore_mem>>)
        %dma_wait3A_245 = arith.constant 9360 : i32
        %dma_wait3A_246 = arith.constant 0 : i32
        %dma_wait3A_247 = tpu.memref_slice %arg5[%arg0, %dma_wait3A_245, %dma_wait3A_246] : memref<2x10000x128xf32, #tpu.memory_space<hbm>> -> memref<1x640x128xf32, #tpu.memory_space<hbm>>
        %dma_wait3A_248 = tpu.memref_squeeze %dma_wait3A_247 : memref<1x640x128xf32, #tpu.memory_space<hbm>> -> memref<640x128xf32, #tpu.memory_space<hbm>>
        %dma_wait3A_249 = arith.constant 9360 : i32
        %dma_wait3A_250 = arith.constant 0 : i32
        %dma_wait3A_251 = tpu.memref_slice %arg10[%dma_wait3A_249, %dma_wait3A_250] : memref<10000x128xf32, #tpu.memory_space<vmem_shared>> -> memref<640x128xf32, #tpu.memory_space<vmem_shared>>
        tpu.wait_dma2 semaphore(%run_scoped3A_237 : memref<!tpu.dma_semaphore, #tpu.memory_space<semaphore_mem>>) src(%dma_wait3A_251 : memref<640x128xf32, #tpu.memory_space<vmem_shared>>) dst(%dma_wait3A_248 : memref<640x128xf32, #tpu.memory_space<hbm>>)
        tpu.yield
      }) : () -> ()
    } else {
    }
    return
  }
}

#map = affine_map<(d0, d1) -> (0, 0, 0)>
#map1 = affine_map<(d0, d1) -> (0, 0)>
#map2 = affine_map<(d0, d1) -> (0)>
module attributes {stable_mosaic.version = 14 : i64} {
  func.func @_sc_deg_body(%arg0: i32, %arg1: i32, %arg2: memref<32x78x128xi32, #tpu.memory_space<hbm>>, %arg3: memref<32x16xi32, #tpu.memory_space<hbm>>, %arg4: memref<640xf32, #tpu.memory_space<hbm>>, %arg5: memref<2x10240xf32, #tpu.memory_space<hbm>>, %arg6: memref<78x128xi32, #tpu.memory_space<vmem>>, %arg7: memref<16xi32, #tpu.memory_space<vmem>>, %arg8: memref<128xf32, #tpu.memory_space<vmem>>, %arg9: memref<10240xf32, #tpu.memory_space<vmem_shared>>, %arg10: memref<!tpu.dma_semaphore, #tpu.memory_space<semaphore_mem>>) attributes {dimension_semantics = [#tpu.dimension_semantics<core_parallel>, #tpu.dimension_semantics<subcore_parallel>], iteration_bounds = array<i64: 2, 16>, scalar_prefetch = 0 : i64, scratch_operands = 5 : i64, tpu.core_type = #tpu.core_type<sc_vector_subcore>, window_params = [{transform_indices = #map}, {transform_indices = #map1}, {transform_indices = #map2}, {transform_indices = #map1}]} {
    %mul3A = arith.constant 16 : i32
    %mul3A_0 = arith.muli %arg0, %mul3A : i32
    %add3A = arith.addi %mul3A_0, %arg1 : i32
    %dma_start3A = arith.constant 0 : i32
    %dma_start3A_1 = arith.constant 0 : i32
    %dma_start3A_2 = tpu.memref_slice %arg2[%add3A, %dma_start3A, %dma_start3A_1] : memref<32x78x128xi32, #tpu.memory_space<hbm>> -> memref<1x78x128xi32, #tpu.memory_space<hbm>>
    %dma_start3A_3 = tpu.memref_squeeze %dma_start3A_2 : memref<1x78x128xi32, #tpu.memory_space<hbm>> -> memref<78x128xi32, #tpu.memory_space<hbm>>
    %dma_start3A_4 = arith.constant 0 : i32
    %dma_start3A_5 = arith.constant 0 : i32
    %dma_start3A_6 = tpu.memref_slice %arg2[%add3A, %dma_start3A_4, %dma_start3A_5] : memref<32x78x128xi32, #tpu.memory_space<hbm>> -> memref<1x78x128xi32, #tpu.memory_space<hbm>>
    %dma_start3A_7 = tpu.memref_squeeze %dma_start3A_6 : memref<1x78x128xi32, #tpu.memory_space<hbm>> -> memref<78x128xi32, #tpu.memory_space<hbm>>
    tpu.enqueue_dma source(%dma_start3A_7 : memref<78x128xi32, #tpu.memory_space<hbm>>) target(%arg6 : memref<78x128xi32, #tpu.memory_space<vmem>>) target_semaphore(%arg10 : memref<!tpu.dma_semaphore, #tpu.memory_space<semaphore_mem>>)
    %dma_start3A_8 = arith.constant 0 : i32
    %dma_start3A_9 = tpu.memref_slice %arg3[%add3A, %dma_start3A_8] : memref<32x16xi32, #tpu.memory_space<hbm>> -> memref<1x16xi32, #tpu.memory_space<hbm>>
    %dma_start3A_10 = tpu.memref_squeeze %dma_start3A_9 : memref<1x16xi32, #tpu.memory_space<hbm>> -> memref<16xi32, #tpu.memory_space<hbm>>
    %dma_start3A_11 = arith.constant 0 : i32
    %dma_start3A_12 = tpu.memref_slice %arg3[%add3A, %dma_start3A_11] : memref<32x16xi32, #tpu.memory_space<hbm>> -> memref<1x16xi32, #tpu.memory_space<hbm>>
    %dma_start3A_13 = tpu.memref_squeeze %dma_start3A_12 : memref<1x16xi32, #tpu.memory_space<hbm>> -> memref<16xi32, #tpu.memory_space<hbm>>
    tpu.enqueue_dma source(%dma_start3A_13 : memref<16xi32, #tpu.memory_space<hbm>>) target(%arg7 : memref<16xi32, #tpu.memory_space<vmem>>) target_semaphore(%arg10 : memref<!tpu.dma_semaphore, #tpu.memory_space<semaphore_mem>>)
    %mul3A_14 = arith.constant 640 : i32
    %mul3A_15 = arith.muli %arg1, %mul3A_14 : i32
    "tpu.region"() ({
      %run_scoped3A = tpu.sem_alloc : memref<!tpu.dma_semaphore, #tpu.memory_space<semaphore_mem>>
      %dma_start3A_85 = tpu.memref_slice %arg9[%mul3A_15] : memref<10240xf32, #tpu.memory_space<vmem_shared>> -> memref<640xf32, #tpu.memory_space<vmem_shared>>
      tpu.enqueue_dma source(%arg4 : memref<640xf32, #tpu.memory_space<hbm>>) target(%dma_start3A_85 : memref<640xf32, #tpu.memory_space<vmem_shared>>) target_semaphore(%run_scoped3A : memref<!tpu.dma_semaphore, #tpu.memory_space<semaphore_mem>>)
      %dma_wait3A_86 = tpu.memref_slice %arg9[%mul3A_15] : memref<10240xf32, #tpu.memory_space<vmem_shared>> -> memref<640xf32, #tpu.memory_space<vmem_shared>>
      tpu.wait_dma2 semaphore(%run_scoped3A : memref<!tpu.dma_semaphore, #tpu.memory_space<semaphore_mem>>) src(%arg4 : memref<640xf32, #tpu.memory_space<hbm>>) dst(%dma_wait3A_86 : memref<640xf32, #tpu.memory_space<vmem_shared>>)
      tpu.yield
    }) : () -> ()
    %broadcast_in_dim3A = arith.constant 1.000000e+00 : f32
    %broadcast_in_dim3A_16 = vector.broadcast %broadcast_in_dim3A : f32 to vector<16xf32>
    %swap3A = arith.constant 0 : index
    %swap3A_17 = tpu.vector_load %arg8[%swap3A] {strides = array<i32>} : memref<128xf32, #tpu.memory_space<vmem>>, vector<16xf32>,
    %swap3A_18 = vector.shape_cast %swap3A_17 : vector<16xf32> to vector<16xf32>
    %swap3A_19 = vector.shape_cast %broadcast_in_dim3A_16 : vector<16xf32> to vector<16xf32>
    tpu.vector_store %arg8[%swap3A], %swap3A_19 {strides = array<i32>} : memref<128xf32, #tpu.memory_space<vmem>>, vector<16xf32>,
    %broadcast_in_dim3A_20 = arith.constant 1.000000e+00 : f32
    %broadcast_in_dim3A_21 = vector.broadcast %broadcast_in_dim3A_20 : f32 to vector<16xf32>
    %swap3A_22 = arith.constant 16 : index
    %swap3A_23 = tpu.vector_load %arg8[%swap3A_22] {strides = array<i32>} : memref<128xf32, #tpu.memory_space<vmem>>, vector<16xf32>,
    %swap3A_24 = vector.shape_cast %swap3A_23 : vector<16xf32> to vector<16xf32>
    %swap3A_25 = vector.shape_cast %broadcast_in_dim3A_21 : vector<16xf32> to vector<16xf32>
    tpu.vector_store %arg8[%swap3A_22], %swap3A_25 {strides = array<i32>} : memref<128xf32, #tpu.memory_space<vmem>>, vector<16xf32>,
    %broadcast_in_dim3A_26 = arith.constant 1.000000e+00 : f32
    %broadcast_in_dim3A_27 = vector.broadcast %broadcast_in_dim3A_26 : f32 to vector<16xf32>
    %swap3A_28 = arith.constant 32 : index
    %swap3A_29 = tpu.vector_load %arg8[%swap3A_28] {strides = array<i32>} : memref<128xf32, #tpu.memory_space<vmem>>, vector<16xf32>,
    %swap3A_30 = vector.shape_cast %swap3A_29 : vector<16xf32> to vector<16xf32>
    %swap3A_31 = vector.shape_cast %broadcast_in_dim3A_27 : vector<16xf32> to vector<16xf32>
    tpu.vector_store %arg8[%swap3A_28], %swap3A_31 {strides = array<i32>} : memref<128xf32, #tpu.memory_space<vmem>>, vector<16xf32>,
    %broadcast_in_dim3A_32 = arith.constant 1.000000e+00 : f32
    %broadcast_in_dim3A_33 = vector.broadcast %broadcast_in_dim3A_32 : f32 to vector<16xf32>
    %swap3A_34 = arith.constant 48 : index
    %swap3A_35 = tpu.vector_load %arg8[%swap3A_34] {strides = array<i32>} : memref<128xf32, #tpu.memory_space<vmem>>, vector<16xf32>,
    %swap3A_36 = vector.shape_cast %swap3A_35 : vector<16xf32> to vector<16xf32>
    %swap3A_37 = vector.shape_cast %broadcast_in_dim3A_33 : vector<16xf32> to vector<16xf32>
    tpu.vector_store %arg8[%swap3A_34], %swap3A_37 {strides = array<i32>} : memref<128xf32, #tpu.memory_space<vmem>>, vector<16xf32>,
    %broadcast_in_dim3A_38 = arith.constant 1.000000e+00 : f32
    %broadcast_in_dim3A_39 = vector.broadcast %broadcast_in_dim3A_38 : f32 to vector<16xf32>
    %swap3A_40 = arith.constant 64 : index
    %swap3A_41 = tpu.vector_load %arg8[%swap3A_40] {strides = array<i32>} : memref<128xf32, #tpu.memory_space<vmem>>, vector<16xf32>,
    %swap3A_42 = vector.shape_cast %swap3A_41 : vector<16xf32> to vector<16xf32>
    %swap3A_43 = vector.shape_cast %broadcast_in_dim3A_39 : vector<16xf32> to vector<16xf32>
    tpu.vector_store %arg8[%swap3A_40], %swap3A_43 {strides = array<i32>} : memref<128xf32, #tpu.memory_space<vmem>>, vector<16xf32>,
    %broadcast_in_dim3A_44 = arith.constant 1.000000e+00 : f32
    %broadcast_in_dim3A_45 = vector.broadcast %broadcast_in_dim3A_44 : f32 to vector<16xf32>
    %swap3A_46 = arith.constant 80 : index
    %swap3A_47 = tpu.vector_load %arg8[%swap3A_46] {strides = array<i32>} : memref<128xf32, #tpu.memory_space<vmem>>, vector<16xf32>,
    %swap3A_48 = vector.shape_cast %swap3A_47 : vector<16xf32> to vector<16xf32>
    %swap3A_49 = vector.shape_cast %broadcast_in_dim3A_45 : vector<16xf32> to vector<16xf32>
    tpu.vector_store %arg8[%swap3A_46], %swap3A_49 {strides = array<i32>} : memref<128xf32, #tpu.memory_space<vmem>>, vector<16xf32>,
    %broadcast_in_dim3A_50 = arith.constant 1.000000e+00 : f32
    %broadcast_in_dim3A_51 = vector.broadcast %broadcast_in_dim3A_50 : f32 to vector<16xf32>
    %swap3A_52 = arith.constant 96 : index
    %swap3A_53 = tpu.vector_load %arg8[%swap3A_52] {strides = array<i32>} : memref<128xf32, #tpu.memory_space<vmem>>, vector<16xf32>,
    %swap3A_54 = vector.shape_cast %swap3A_53 : vector<16xf32> to vector<16xf32>
    %swap3A_55 = vector.shape_cast %broadcast_in_dim3A_51 : vector<16xf32> to vector<16xf32>
    tpu.vector_store %arg8[%swap3A_52], %swap3A_55 {strides = array<i32>} : memref<128xf32, #tpu.memory_space<vmem>>, vector<16xf32>,
    %broadcast_in_dim3A_56 = arith.constant 1.000000e+00 : f32
    %broadcast_in_dim3A_57 = vector.broadcast %broadcast_in_dim3A_56 : f32 to vector<16xf32>
    %swap3A_58 = arith.constant 112 : index
    %swap3A_59 = tpu.vector_load %arg8[%swap3A_58] {strides = array<i32>} : memref<128xf32, #tpu.memory_space<vmem>>, vector<16xf32>,
    %swap3A_60 = vector.shape_cast %swap3A_59 : vector<16xf32> to vector<16xf32>
    %swap3A_61 = vector.shape_cast %broadcast_in_dim3A_57 : vector<16xf32> to vector<16xf32>
    tpu.vector_store %arg8[%swap3A_58], %swap3A_61 {strides = array<i32>} : memref<128xf32, #tpu.memory_space<vmem>>, vector<16xf32>,
    %dma_wait3A = arith.constant 0 : i32
    %dma_wait3A_62 = arith.constant 0 : i32
    %dma_wait3A_63 = tpu.memref_slice %arg2[%add3A, %dma_wait3A, %dma_wait3A_62] : memref<32x78x128xi32, #tpu.memory_space<hbm>> -> memref<1x78x128xi32, #tpu.memory_space<hbm>>
    %dma_wait3A_64 = tpu.memref_squeeze %dma_wait3A_63 : memref<1x78x128xi32, #tpu.memory_space<hbm>> -> memref<78x128xi32, #tpu.memory_space<hbm>>
    %dma_wait3A_65 = arith.constant 0 : i32
    %dma_wait3A_66 = arith.constant 0 : i32
    %dma_wait3A_67 = tpu.memref_slice %arg2[%add3A, %dma_wait3A_65, %dma_wait3A_66] : memref<32x78x128xi32, #tpu.memory_space<hbm>> -> memref<1x78x128xi32, #tpu.memory_space<hbm>>
    %dma_wait3A_68 = tpu.memref_squeeze %dma_wait3A_67 : memref<1x78x128xi32, #tpu.memory_space<hbm>> -> memref<78x128xi32, #tpu.memory_space<hbm>>
    tpu.wait_dma2 semaphore(%arg10 : memref<!tpu.dma_semaphore, #tpu.memory_space<semaphore_mem>>) src(%dma_wait3A_68 : memref<78x128xi32, #tpu.memory_space<hbm>>) dst(%arg6 : memref<78x128xi32, #tpu.memory_space<vmem>>)
    %dma_wait3A_69 = arith.constant 0 : i32
    %dma_wait3A_70 = tpu.memref_slice %arg3[%add3A, %dma_wait3A_69] : memref<32x16xi32, #tpu.memory_space<hbm>> -> memref<1x16xi32, #tpu.memory_space<hbm>>
    %dma_wait3A_71 = tpu.memref_squeeze %dma_wait3A_70 : memref<1x16xi32, #tpu.memory_space<hbm>> -> memref<16xi32, #tpu.memory_space<hbm>>
    %dma_wait3A_72 = arith.constant 0 : i32
    %dma_wait3A_73 = tpu.memref_slice %arg3[%add3A, %dma_wait3A_72] : memref<32x16xi32, #tpu.memory_space<hbm>> -> memref<1x16xi32, #tpu.memory_space<hbm>>
    %dma_wait3A_74 = tpu.memref_squeeze %dma_wait3A_73 : memref<1x16xi32, #tpu.memory_space<hbm>> -> memref<16xi32, #tpu.memory_space<hbm>>
    tpu.wait_dma2 semaphore(%arg10 : memref<!tpu.dma_semaphore, #tpu.memory_space<semaphore_mem>>) src(%dma_wait3A_74 : memref<16xi32, #tpu.memory_space<hbm>>) dst(%arg7 : memref<16xi32, #tpu.memory_space<vmem>>)
    %barrier3A = arith.constant 0 : index
    tpu.barrier barrier_id(%barrier3A)
    %scan3A = arith.constant 0 : i32
    %scan3A_75 = arith.constant 0 : i32
    %scan3A_76 = arith.constant 78 : i32
    %scan3A_77 = arith.addi %scan3A_75, %scan3A_76 : i32
    %scan3A_78 = arith.constant 1 : i32
    scf.for %scan3A_85 = %scan3A_75 to %scan3A_77 step %scan3A_78  : i32 {
      "tpu.region"() ({
        %run_scoped3A = tpu.sem_alloc : memref<!tpu.dma_semaphore, #tpu.memory_space<semaphore_mem>>
        %dma_start3A_86 = arith.constant 0 : i32
        %dma_start3A_87 = tpu.memref_slice %arg6[%scan3A_85, %dma_start3A_86] : memref<78x128xi32, #tpu.memory_space<vmem>> -> memref<1x128xi32, #tpu.memory_space<vmem>>
        %dma_start3A_88 = tpu.memref_squeeze %dma_start3A_87 : memref<1x128xi32, #tpu.memory_space<vmem>> -> memref<128xi32, #tpu.memory_space<vmem>>
        %dma_start3A_89 = arith.constant 0 : i32
        %dma_start3A_90 = tpu.memref_slice %arg9[%dma_start3A_89] : memref<10240xf32, #tpu.memory_space<vmem_shared>> -> memref<10240xf32, #tpu.memory_space<vmem_shared>>
        tpu.enqueue_indirect_dma source(%arg8 : memref<128xf32, #tpu.memory_space<vmem>>) target(%dma_start3A_90 : memref<10240xf32, #tpu.memory_space<vmem_shared>>) offsets(%dma_start3A_88 : memref<128xi32, #tpu.memory_space<vmem>>) semaphore(%run_scoped3A : memref<!tpu.dma_semaphore, #tpu.memory_space<semaphore_mem>>) {add = true}
        %dma_wait3A_91 = arith.constant 0 : i32
        %dma_wait3A_92 = tpu.memref_slice %arg6[%scan3A_85, %dma_wait3A_91] : memref<78x128xi32, #tpu.memory_space<vmem>> -> memref<1x128xi32, #tpu.memory_space<vmem>>
        %dma_wait3A_93 = tpu.memref_squeeze %dma_wait3A_92 : memref<1x128xi32, #tpu.memory_space<vmem>> -> memref<128xi32, #tpu.memory_space<vmem>>
        %dma_wait3A_94 = arith.constant 0 : i32
        %dma_wait3A_95 = tpu.memref_slice %arg9[%dma_wait3A_94] : memref<10240xf32, #tpu.memory_space<vmem_shared>> -> memref<10240xf32, #tpu.memory_space<vmem_shared>>
        tpu.wait_indirect_dma semaphore(%run_scoped3A : memref<!tpu.dma_semaphore, #tpu.memory_space<semaphore_mem>>) src(%arg8 : memref<128xf32, #tpu.memory_space<vmem>>) dst(%dma_wait3A_95 : memref<10240xf32, #tpu.memory_space<vmem_shared>>)
        tpu.yield
      }) : () -> ()
    }
    %scan3A_79 = arith.constant 78 : i32
    "tpu.region"() ({
      %run_scoped3A = tpu.sem_alloc : memref<!tpu.dma_semaphore, #tpu.memory_space<semaphore_mem>>
      %dma_start3A_85 = arith.constant 0 : i32
      %dma_start3A_86 = tpu.memref_slice %arg8[%dma_start3A_85] : memref<128xf32, #tpu.memory_space<vmem>> -> memref<16xf32, #tpu.memory_space<vmem>>
      %dma_start3A_87 = arith.constant 0 : i32
      %dma_start3A_88 = tpu.memref_slice %arg9[%dma_start3A_87] : memref<10240xf32, #tpu.memory_space<vmem_shared>> -> memref<10240xf32, #tpu.memory_space<vmem_shared>>
      tpu.enqueue_indirect_dma source(%dma_start3A_86 : memref<16xf32, #tpu.memory_space<vmem>>) target(%dma_start3A_88 : memref<10240xf32, #tpu.memory_space<vmem_shared>>) offsets(%arg7 : memref<16xi32, #tpu.memory_space<vmem>>) semaphore(%run_scoped3A : memref<!tpu.dma_semaphore, #tpu.memory_space<semaphore_mem>>) {add = true}
      %dma_wait3A_89 = arith.constant 0 : i32
      %dma_wait3A_90 = tpu.memref_slice %arg8[%dma_wait3A_89] : memref<128xf32, #tpu.memory_space<vmem>> -> memref<16xf32, #tpu.memory_space<vmem>>
      %dma_wait3A_91 = arith.constant 0 : i32
      %dma_wait3A_92 = tpu.memref_slice %arg9[%dma_wait3A_91] : memref<10240xf32, #tpu.memory_space<vmem_shared>> -> memref<10240xf32, #tpu.memory_space<vmem_shared>>
      tpu.wait_indirect_dma semaphore(%run_scoped3A : memref<!tpu.dma_semaphore, #tpu.memory_space<semaphore_mem>>) src(%dma_wait3A_90 : memref<16xf32, #tpu.memory_space<vmem>>) dst(%dma_wait3A_92 : memref<10240xf32, #tpu.memory_space<vmem_shared>>)
      tpu.yield
    }) : () -> ()
    %barrier3A_80 = arith.constant 0 : index
    tpu.barrier barrier_id(%barrier3A_80)
    %mul3A_81 = arith.constant 640 : i32
    %mul3A_82 = arith.muli %arg1, %mul3A_81 : i32
    %mul3A_83 = arith.constant 640 : i32
    %mul3A_84 = arith.muli %arg1, %mul3A_83 : i32
    "tpu.region"() ({
      %run_scoped3A = tpu.sem_alloc : memref<!tpu.dma_semaphore, #tpu.memory_space<semaphore_mem>>
      %dma_start3A_85 = tpu.memref_slice %arg5[%arg0, %mul3A_84] : memref<2x10240xf32, #tpu.memory_space<hbm>> -> memref<1x640xf32, #tpu.memory_space<hbm>>
      %dma_start3A_86 = tpu.memref_squeeze %dma_start3A_85 : memref<1x640xf32, #tpu.memory_space<hbm>> -> memref<640xf32, #tpu.memory_space<hbm>>
      %dma_start3A_87 = tpu.memref_slice %arg9[%mul3A_82] : memref<10240xf32, #tpu.memory_space<vmem_shared>> -> memref<640xf32, #tpu.memory_space<vmem_shared>>
      tpu.enqueue_dma source(%dma_start3A_87 : memref<640xf32, #tpu.memory_space<vmem_shared>>) target(%dma_start3A_86 : memref<640xf32, #tpu.memory_space<hbm>>) target_semaphore(%run_scoped3A : memref<!tpu.dma_semaphore, #tpu.memory_space<semaphore_mem>>)
      %dma_wait3A_88 = tpu.memref_slice %arg5[%arg0, %mul3A_84] : memref<2x10240xf32, #tpu.memory_space<hbm>> -> memref<1x640xf32, #tpu.memory_space<hbm>>
      %dma_wait3A_89 = tpu.memref_squeeze %dma_wait3A_88 : memref<1x640xf32, #tpu.memory_space<hbm>> -> memref<640xf32, #tpu.memory_space<hbm>>
      %dma_wait3A_90 = tpu.memref_slice %arg9[%mul3A_82] : memref<10240xf32, #tpu.memory_space<vmem_shared>> -> memref<640xf32, #tpu.memory_space<vmem_shared>>
      tpu.wait_dma2 semaphore(%run_scoped3A : memref<!tpu.dma_semaphore, #tpu.memory_space<semaphore_mem>>) src(%dma_wait3A_90 : memref<640xf32, #tpu.memory_space<vmem_shared>>) dst(%dma_wait3A_89 : memref<640xf32, #tpu.memory_space<hbm>>)
      tpu.yield
    }) : () -> ()
    return
  }
}

#map = affine_map<(d0, d1) -> (0, 0)>
#map1 = affine_map<(d0, d1) -> (0, 0, 0)>
module attributes {stable_mosaic.version = 14 : i64} {
  func.func @_sc_msg_body(%arg0: i32, %arg1: i32, %arg2: memref<10000x128xf32, #tpu.memory_space<hbm>>, %arg3: memref<2x32x10000xi32, #tpu.memory_space<hbm>>, %arg4: memref<640x128xf32, #tpu.memory_space<hbm>>, %arg5: memref<2x10000x128xf32, #tpu.memory_space<hbm>>, %arg6: memref<4x2x128xi32, #tpu.memory_space<vmem>>, %arg7: memref<2x16xi32, #tpu.memory_space<vmem>>, %arg8: memref<2x128x128xf32, #tpu.memory_space<vmem>>, %arg9: memref<16x128xf32, #tpu.memory_space<vmem>>, %arg10: memref<10000x128xf32, #tpu.memory_space<vmem_shared>>, %arg11: memref<2x!tpu.dma_semaphore, #tpu.memory_space<semaphore_mem>>, %arg12: memref<4x!tpu.dma_semaphore, #tpu.memory_space<semaphore_mem>>, %arg13: memref<2x!tpu.dma_semaphore, #tpu.memory_space<semaphore_mem>>) attributes {dimension_semantics = [#tpu.dimension_semantics<core_parallel>, #tpu.dimension_semantics<subcore_parallel>], iteration_bounds = array<i64: 2, 16>, scalar_prefetch = 0 : i64, scratch_operands = 8 : i64, tpu.core_type = #tpu.core_type<sc_vector_subcore>, window_params = [{transform_indices = #map}, {transform_indices = #map1}, {transform_indices = #map}, {transform_indices = #map1}]} {
    %mul3A = arith.constant 16 : i32
    %mul3A_0 = arith.muli %arg0, %mul3A : i32
    %add3A = arith.addi %mul3A_0, %arg1 : i32
    %dma_start3A = arith.constant 0 : i32
    %dma_start3A_1 = arith.constant 0 : i32
    %dma_start3A_2 = arith.constant 0 : i32
    %dma_start3A_3 = arith.constant 0 : i32
    %dma_start3A_4 = arith.constant 0 : i32
    %dma_start3A_5 = tpu.memref_slice %arg6[%dma_start3A_1, %dma_start3A_2, %dma_start3A_4] : memref<4x2x128xi32, #tpu.memory_space<vmem>> -> memref<1x1x128xi32, #tpu.memory_space<vmem>>
    %dma_start3A_6 = tpu.memref_squeeze %dma_start3A_5 : memref<1x1x128xi32, #tpu.memory_space<vmem>> -> memref<128xi32, #tpu.memory_space<vmem>>
    %dma_start3A_7 = arith.constant 0 : i32
    %dma_start3A_8 = tpu.memref_slice %arg3[%dma_start3A, %add3A, %dma_start3A_7] : memref<2x32x10000xi32, #tpu.memory_space<hbm>> -> memref<1x1x128xi32, #tpu.memory_space<hbm>>
    %dma_start3A_9 = tpu.memref_squeeze %dma_start3A_8 : memref<1x1x128xi32, #tpu.memory_space<hbm>> -> memref<128xi32, #tpu.memory_space<hbm>>
    %dma_start3A_10 = tpu.memref_slice %arg12[%dma_start3A_3] : memref<4x!tpu.dma_semaphore, #tpu.memory_space<semaphore_mem>> -> memref<1x!tpu.dma_semaphore, #tpu.memory_space<semaphore_mem>>
    %dma_start3A_11 = tpu.memref_squeeze %dma_start3A_10 : memref<1x!tpu.dma_semaphore, #tpu.memory_space<semaphore_mem>> -> memref<!tpu.dma_semaphore, #tpu.memory_space<semaphore_mem>>
    %dma_start3A_12 = arith.constant 0 : i32
    %dma_start3A_13 = tpu.memref_slice %arg6[%dma_start3A_1, %dma_start3A_2, %dma_start3A_12] : memref<4x2x128xi32, #tpu.memory_space<vmem>> -> memref<1x1x128xi32, #tpu.memory_space<vmem>>
    %dma_start3A_14 = tpu.memref_squeeze %dma_start3A_13 : memref<1x1x128xi32, #tpu.memory_space<vmem>> -> memref<128xi32, #tpu.memory_space<vmem>>
    %dma_start3A_15 = arith.constant 0 : i32
    %dma_start3A_16 = tpu.memref_slice %arg3[%dma_start3A, %add3A, %dma_start3A_15] : memref<2x32x10000xi32, #tpu.memory_space<hbm>> -> memref<1x1x128xi32, #tpu.memory_space<hbm>>
    %dma_start3A_17 = tpu.memref_squeeze %dma_start3A_16 : memref<1x1x128xi32, #tpu.memory_space<hbm>> -> memref<128xi32, #tpu.memory_space<hbm>>
    tpu.enqueue_dma source(%dma_start3A_17 : memref<128xi32, #tpu.memory_space<hbm>>) target(%dma_start3A_14 : memref<128xi32, #tpu.memory_space<vmem>>) target_semaphore(%dma_start3A_11 : memref<!tpu.dma_semaphore, #tpu.memory_space<semaphore_mem>>)
    %dma_start3A_18 = arith.constant 1 : i32
    %dma_start3A_19 = arith.constant 0 : i32
    %dma_start3A_20 = arith.constant 1 : i32
    %dma_start3A_21 = arith.constant 0 : i32
    %dma_start3A_22 = arith.constant 0 : i32
    %dma_start3A_23 = tpu.memref_slice %arg6[%dma_start3A_19, %dma_start3A_20, %dma_start3A_22] : memref<4x2x128xi32, #tpu.memory_space<vmem>> -> memref<1x1x128xi32, #tpu.memory_space<vmem>>
    %dma_start3A_24 = tpu.memref_squeeze %dma_start3A_23 : memref<1x1x128xi32, #tpu.memory_space<vmem>> -> memref<128xi32, #tpu.memory_space<vmem>>
    %dma_start3A_25 = arith.constant 0 : i32
    %dma_start3A_26 = tpu.memref_slice %arg3[%dma_start3A_18, %add3A, %dma_start3A_25] : memref<2x32x10000xi32, #tpu.memory_space<hbm>> -> memref<1x1x128xi32, #tpu.memory_space<hbm>>
    %dma_start3A_27 = tpu.memref_squeeze %dma_start3A_26 : memref<1x1x128xi32, #tpu.memory_space<hbm>> -> memref<128xi32, #tpu.memory_space<hbm>>
    %dma_start3A_28 = tpu.memref_slice %arg12[%dma_start3A_21] : memref<4x!tpu.dma_semaphore, #tpu.memory_space<semaphore_mem>> -> memref<1x!tpu.dma_semaphore, #tpu.memory_space<semaphore_mem>>
    %dma_start3A_29 = tpu.memref_squeeze %dma_start3A_28 : memref<1x!tpu.dma_semaphore, #tpu.memory_space<semaphore_mem>> -> memref<!tpu.dma_semaphore, #tpu.memory_space<semaphore_mem>>
    %dma_start3A_30 = arith.constant 0 : i32
    %dma_start3A_31 = tpu.memref_slice %arg6[%dma_start3A_19, %dma_start3A_20, %dma_start3A_30] : memref<4x2x128xi32, #tpu.memory_space<vmem>> -> memref<1x1x128xi32, #tpu.memory_space<vmem>>
    %dma_start3A_32 = tpu.memref_squeeze %dma_start3A_31 : memref<1x1x128xi32, #tpu.memory_space<vmem>> -> memref<128xi32, #tpu.memory_space<vmem>>
    %dma_start3A_33 = arith.constant 0 : i32
    %dma_start3A_34 = tpu.memref_slice %arg3[%dma_start3A_18, %add3A, %dma_start3A_33] : memref<2x32x10000xi32, #tpu.memory_space<hbm>> -> memref<1x1x128xi32, #tpu.memory_space<hbm>>
    %dma_start3A_35 = tpu.memref_squeeze %dma_start3A_34 : memref<1x1x128xi32, #tpu.memory_space<hbm>> -> memref<128xi32, #tpu.memory_space<hbm>>
    tpu.enqueue_dma source(%dma_start3A_35 : memref<128xi32, #tpu.memory_space<hbm>>) target(%dma_start3A_32 : memref<128xi32, #tpu.memory_space<vmem>>) target_semaphore(%dma_start3A_29 : memref<!tpu.dma_semaphore, #tpu.memory_space<semaphore_mem>>)
    %dma_start3A_36 = arith.constant 0 : i32
    %dma_start3A_37 = arith.constant 1 : i32
    %dma_start3A_38 = arith.constant 0 : i32
    %dma_start3A_39 = arith.constant 1 : i32
    %dma_start3A_40 = arith.constant 0 : i32
    %dma_start3A_41 = tpu.memref_slice %arg6[%dma_start3A_37, %dma_start3A_38, %dma_start3A_40] : memref<4x2x128xi32, #tpu.memory_space<vmem>> -> memref<1x1x128xi32, #tpu.memory_space<vmem>>
    %dma_start3A_42 = tpu.memref_squeeze %dma_start3A_41 : memref<1x1x128xi32, #tpu.memory_space<vmem>> -> memref<128xi32, #tpu.memory_space<vmem>>
    %dma_start3A_43 = arith.constant 128 : i32
    %dma_start3A_44 = tpu.memref_slice %arg3[%dma_start3A_36, %add3A, %dma_start3A_43] : memref<2x32x10000xi32, #tpu.memory_space<hbm>> -> memref<1x1x128xi32, #tpu.memory_space<hbm>>
    %dma_start3A_45 = tpu.memref_squeeze %dma_start3A_44 : memref<1x1x128xi32, #tpu.memory_space<hbm>> -> memref<128xi32, #tpu.memory_space<hbm>>
    %dma_start3A_46 = tpu.memref_slice %arg12[%dma_start3A_39] : memref<4x!tpu.dma_semaphore, #tpu.memory_space<semaphore_mem>> -> memref<1x!tpu.dma_semaphore, #tpu.memory_space<semaphore_mem>>
    %dma_start3A_47 = tpu.memref_squeeze %dma_start3A_46 : memref<1x!tpu.dma_semaphore, #tpu.memory_space<semaphore_mem>> -> memref<!tpu.dma_semaphore, #tpu.memory_space<semaphore_mem>>
    %dma_start3A_48 = arith.constant 0 : i32
    %dma_start3A_49 = tpu.memref_slice %arg6[%dma_start3A_37, %dma_start3A_38, %dma_start3A_48] : memref<4x2x128xi32, #tpu.memory_space<vmem>> -> memref<1x1x128xi32, #tpu.memory_space<vmem>>
    %dma_start3A_50 = tpu.memref_squeeze %dma_start3A_49 : memref<1x1x128xi32, #tpu.memory_space<vmem>> -> memref<128xi32, #tpu.memory_space<vmem>>
    %dma_start3A_51 = arith.constant 128 : i32
    %dma_start3A_52 = tpu.memref_slice %arg3[%dma_start3A_36, %add3A, %dma_start3A_51] : memref<2x32x10000xi32, #tpu.memory_space<hbm>> -> memref<1x1x128xi32, #tpu.memory_space<hbm>>
    %dma_start3A_53 = tpu.memref_squeeze %dma_start3A_52 : memref<1x1x128xi32, #tpu.memory_space<hbm>> -> memref<128xi32, #tpu.memory_space<hbm>>
    tpu.enqueue_dma source(%dma_start3A_53 : memref<128xi32, #tpu.memory_space<hbm>>) target(%dma_start3A_50 : memref<128xi32, #tpu.memory_space<vmem>>) target_semaphore(%dma_start3A_47 : memref<!tpu.dma_semaphore, #tpu.memory_space<semaphore_mem>>)
    %dma_start3A_54 = arith.constant 1 : i32
    %dma_start3A_55 = arith.constant 1 : i32
    %dma_start3A_56 = arith.constant 1 : i32
    %dma_start3A_57 = arith.constant 1 : i32
    %dma_start3A_58 = arith.constant 0 : i32
    %dma_start3A_59 = tpu.memref_slice %arg6[%dma_start3A_55, %dma_start3A_56, %dma_start3A_58] : memref<4x2x128xi32, #tpu.memory_space<vmem>> -> memref<1x1x128xi32, #tpu.memory_space<vmem>>
    %dma_start3A_60 = tpu.memref_squeeze %dma_start3A_59 : memref<1x1x128xi32, #tpu.memory_space<vmem>> -> memref<128xi32, #tpu.memory_space<vmem>>
    %dma_start3A_61 = arith.constant 128 : i32
    %dma_start3A_62 = tpu.memref_slice %arg3[%dma_start3A_54, %add3A, %dma_start3A_61] : memref<2x32x10000xi32, #tpu.memory_space<hbm>> -> memref<1x1x128xi32, #tpu.memory_space<hbm>>
    %dma_start3A_63 = tpu.memref_squeeze %dma_start3A_62 : memref<1x1x128xi32, #tpu.memory_space<hbm>> -> memref<128xi32, #tpu.memory_space<hbm>>
    %dma_start3A_64 = tpu.memref_slice %arg12[%dma_start3A_57] : memref<4x!tpu.dma_semaphore, #tpu.memory_space<semaphore_mem>> -> memref<1x!tpu.dma_semaphore, #tpu.memory_space<semaphore_mem>>
    %dma_start3A_65 = tpu.memref_squeeze %dma_start3A_64 : memref<1x!tpu.dma_semaphore, #tpu.memory_space<semaphore_mem>> -> memref<!tpu.dma_semaphore, #tpu.memory_space<semaphore_mem>>
    %dma_start3A_66 = arith.constant 0 : i32
    %dma_start3A_67 = tpu.memref_slice %arg6[%dma_start3A_55, %dma_start3A_56, %dma_start3A_66] : memref<4x2x128xi32, #tpu.memory_space<vmem>> -> memref<1x1x128xi32, #tpu.memory_space<vmem>>
    %dma_start3A_68 = tpu.memref_squeeze %dma_start3A_67 : memref<1x1x128xi32, #tpu.memory_space<vmem>> -> memref<128xi32, #tpu.memory_space<vmem>>
    %dma_start3A_69 = arith.constant 128 : i32
    %dma_start3A_70 = tpu.memref_slice %arg3[%dma_start3A_54, %add3A, %dma_start3A_69] : memref<2x32x10000xi32, #tpu.memory_space<hbm>> -> memref<1x1x128xi32, #tpu.memory_space<hbm>>
    %dma_start3A_71 = tpu.memref_squeeze %dma_start3A_70 : memref<1x1x128xi32, #tpu.memory_space<hbm>> -> memref<128xi32, #tpu.memory_space<hbm>>
    tpu.enqueue_dma source(%dma_start3A_71 : memref<128xi32, #tpu.memory_space<hbm>>) target(%dma_start3A_68 : memref<128xi32, #tpu.memory_space<vmem>>) target_semaphore(%dma_start3A_65 : memref<!tpu.dma_semaphore, #tpu.memory_space<semaphore_mem>>)
    %dma_start3A_72 = arith.constant 0 : i32
    %dma_start3A_73 = arith.constant 2 : i32
    %dma_start3A_74 = arith.constant 0 : i32
    %dma_start3A_75 = arith.constant 2 : i32
    %dma_start3A_76 = arith.constant 0 : i32
    %dma_start3A_77 = tpu.memref_slice %arg6[%dma_start3A_73, %dma_start3A_74, %dma_start3A_76] : memref<4x2x128xi32, #tpu.memory_space<vmem>> -> memref<1x1x128xi32, #tpu.memory_space<vmem>>
    %dma_start3A_78 = tpu.memref_squeeze %dma_start3A_77 : memref<1x1x128xi32, #tpu.memory_space<vmem>> -> memref<128xi32, #tpu.memory_space<vmem>>
    %dma_start3A_79 = arith.constant 256 : i32
    %dma_start3A_80 = tpu.memref_slice %arg3[%dma_start3A_72, %add3A, %dma_start3A_79] : memref<2x32x10000xi32, #tpu.memory_space<hbm>> -> memref<1x1x128xi32, #tpu.memory_space<hbm>>
    %dma_start3A_81 = tpu.memref_squeeze %dma_start3A_80 : memref<1x1x128xi32, #tpu.memory_space<hbm>> -> memref<128xi32, #tpu.memory_space<hbm>>
    %dma_start3A_82 = tpu.memref_slice %arg12[%dma_start3A_75] : memref<4x!tpu.dma_semaphore, #tpu.memory_space<semaphore_mem>> -> memref<1x!tpu.dma_semaphore, #tpu.memory_space<semaphore_mem>>
    %dma_start3A_83 = tpu.memref_squeeze %dma_start3A_82 : memref<1x!tpu.dma_semaphore, #tpu.memory_space<semaphore_mem>> -> memref<!tpu.dma_semaphore, #tpu.memory_space<semaphore_mem>>
    %dma_start3A_84 = arith.constant 0 : i32
    %dma_start3A_85 = tpu.memref_slice %arg6[%dma_start3A_73, %dma_start3A_74, %dma_start3A_84] : memref<4x2x128xi32, #tpu.memory_space<vmem>> -> memref<1x1x128xi32, #tpu.memory_space<vmem>>
    %dma_start3A_86 = tpu.memref_squeeze %dma_start3A_85 : memref<1x1x128xi32, #tpu.memory_space<vmem>> -> memref<128xi32, #tpu.memory_space<vmem>>
    %dma_start3A_87 = arith.constant 256 : i32
    %dma_start3A_88 = tpu.memref_slice %arg3[%dma_start3A_72, %add3A, %dma_start3A_87] : memref<2x32x10000xi32, #tpu.memory_space<hbm>> -> memref<1x1x128xi32, #tpu.memory_space<hbm>>
    %dma_start3A_89 = tpu.memref_squeeze %dma_start3A_88 : memref<1x1x128xi32, #tpu.memory_space<hbm>> -> memref<128xi32, #tpu.memory_space<hbm>>
    tpu.enqueue_dma source(%dma_start3A_89 : memref<128xi32, #tpu.memory_space<hbm>>) target(%dma_start3A_86 : memref<128xi32, #tpu.memory_space<vmem>>) target_semaphore(%dma_start3A_83 : memref<!tpu.dma_semaphore, #tpu.memory_space<semaphore_mem>>)
    %dma_start3A_90 = arith.constant 1 : i32
    %dma_start3A_91 = arith.constant 2 : i32
    %dma_start3A_92 = arith.constant 1 : i32
    %dma_start3A_93 = arith.constant 2 : i32
    %dma_start3A_94 = arith.constant 0 : i32
    %dma_start3A_95 = tpu.memref_slice %arg6[%dma_start3A_91, %dma_start3A_92, %dma_start3A_94] : memref<4x2x128xi32, #tpu.memory_space<vmem>> -> memref<1x1x128xi32, #tpu.memory_space<vmem>>
    %dma_start3A_96 = tpu.memref_squeeze %dma_start3A_95 : memref<1x1x128xi32, #tpu.memory_space<vmem>> -> memref<128xi32, #tpu.memory_space<vmem>>
    %dma_start3A_97 = arith.constant 256 : i32
    %dma_start3A_98 = tpu.memref_slice %arg3[%dma_start3A_90, %add3A, %dma_start3A_97] : memref<2x32x10000xi32, #tpu.memory_space<hbm>> -> memref<1x1x128xi32, #tpu.memory_space<hbm>>
    %dma_start3A_99 = tpu.memref_squeeze %dma_start3A_98 : memref<1x1x128xi32, #tpu.memory_space<hbm>> -> memref<128xi32, #tpu.memory_space<hbm>>
    %dma_start3A_100 = tpu.memref_slice %arg12[%dma_start3A_93] : memref<4x!tpu.dma_semaphore, #tpu.memory_space<semaphore_mem>> -> memref<1x!tpu.dma_semaphore, #tpu.memory_space<semaphore_mem>>
    %dma_start3A_101 = tpu.memref_squeeze %dma_start3A_100 : memref<1x!tpu.dma_semaphore, #tpu.memory_space<semaphore_mem>> -> memref<!tpu.dma_semaphore, #tpu.memory_space<semaphore_mem>>
    %dma_start3A_102 = arith.constant 0 : i32
    %dma_start3A_103 = tpu.memref_slice %arg6[%dma_start3A_91, %dma_start3A_92, %dma_start3A_102] : memref<4x2x128xi32, #tpu.memory_space<vmem>> -> memref<1x1x128xi32, #tpu.memory_space<vmem>>
    %dma_start3A_104 = tpu.memref_squeeze %dma_start3A_103 : memref<1x1x128xi32, #tpu.memory_space<vmem>> -> memref<128xi32, #tpu.memory_space<vmem>>
    %dma_start3A_105 = arith.constant 256 : i32
    %dma_start3A_106 = tpu.memref_slice %arg3[%dma_start3A_90, %add3A, %dma_start3A_105] : memref<2x32x10000xi32, #tpu.memory_space<hbm>> -> memref<1x1x128xi32, #tpu.memory_space<hbm>>
    %dma_start3A_107 = tpu.memref_squeeze %dma_start3A_106 : memref<1x1x128xi32, #tpu.memory_space<hbm>> -> memref<128xi32, #tpu.memory_space<hbm>>
    tpu.enqueue_dma source(%dma_start3A_107 : memref<128xi32, #tpu.memory_space<hbm>>) target(%dma_start3A_104 : memref<128xi32, #tpu.memory_space<vmem>>) target_semaphore(%dma_start3A_101 : memref<!tpu.dma_semaphore, #tpu.memory_space<semaphore_mem>>)
    %lt3A = arith.constant 15 : i32
    %lt3A_108 = arith.cmpi slt, %arg1, %lt3A : i32
    %convert_element_type3A = arith.extui %lt3A_108 : i1 to i32
    %cond3A = arith.constant 0 : i32
    %cond3A_109 = arith.cmpi ne, %convert_element_type3A, %cond3A : i32
    scf.if %cond3A_109 {
      %mul3A_237 = arith.constant 624 : i32
      %mul3A_238 = arith.muli %arg1, %mul3A_237 : i32
      "tpu.region"() ({
        %run_scoped3A_239 = tpu.sem_alloc : memref<!tpu.dma_semaphore, #tpu.memory_space<semaphore_mem>>
        %dma_start3A_240 = arith.constant 0 : i32
        %dma_start3A_241 = tpu.memref_slice %arg10[%mul3A_238, %dma_start3A_240] : memref<10000x128xf32, #tpu.memory_space<vmem_shared>> -> memref<624x128xf32, #tpu.memory_space<vmem_shared>>
        %dma_start3A_242 = arith.constant 0 : i32
        %dma_start3A_243 = arith.constant 0 : i32
        %dma_start3A_244 = tpu.memref_slice %arg4[%dma_start3A_242, %dma_start3A_243] : memref<640x128xf32, #tpu.memory_space<hbm>> -> memref<624x128xf32, #tpu.memory_space<hbm>>
        tpu.enqueue_dma source(%dma_start3A_244 : memref<624x128xf32, #tpu.memory_space<hbm>>) target(%dma_start3A_241 : memref<624x128xf32, #tpu.memory_space<vmem_shared>>) target_semaphore(%run_scoped3A_239 : memref<!tpu.dma_semaphore, #tpu.memory_space<semaphore_mem>>)
        %dma_wait3A_245 = arith.constant 0 : i32
        %dma_wait3A_246 = tpu.memref_slice %arg10[%mul3A_238, %dma_wait3A_245] : memref<10000x128xf32, #tpu.memory_space<vmem_shared>> -> memref<624x128xf32, #tpu.memory_space<vmem_shared>>
        %dma_wait3A_247 = arith.constant 0 : i32
        %dma_wait3A_248 = arith.constant 0 : i32
        %dma_wait3A_249 = tpu.memref_slice %arg4[%dma_wait3A_247, %dma_wait3A_248] : memref<640x128xf32, #tpu.memory_space<hbm>> -> memref<624x128xf32, #tpu.memory_space<hbm>>
        tpu.wait_dma2 semaphore(%run_scoped3A_239 : memref<!tpu.dma_semaphore, #tpu.memory_space<semaphore_mem>>) src(%dma_wait3A_249 : memref<624x128xf32, #tpu.memory_space<hbm>>) dst(%dma_wait3A_246 : memref<624x128xf32, #tpu.memory_space<vmem_shared>>)
        tpu.yield
      }) : () -> ()
    } else {
    }
    %eq3A = arith.constant 15 : i32
    %eq3A_110 = arith.cmpi eq, %arg1, %eq3A : i32
    %convert_element_type3A_111 = arith.extui %eq3A_110 : i1 to i32
    %cond3A_112 = arith.constant 0 : i32
    %cond3A_113 = arith.cmpi ne, %convert_element_type3A_111, %cond3A_112 : i32
    scf.if %cond3A_113 {
      "tpu.region"() ({
        %run_scoped3A_237 = tpu.sem_alloc : memref<!tpu.dma_semaphore, #tpu.memory_space<semaphore_mem>>
        %dma_start3A_238 = arith.constant 9360 : i32
        %dma_start3A_239 = arith.constant 0 : i32
        %dma_start3A_240 = tpu.memref_slice %arg10[%dma_start3A_238, %dma_start3A_239] : memref<10000x128xf32, #tpu.memory_space<vmem_shared>> -> memref<640x128xf32, #tpu.memory_space<vmem_shared>>
        tpu.enqueue_dma source(%arg4 : memref<640x128xf32, #tpu.memory_space<hbm>>) target(%dma_start3A_240 : memref<640x128xf32, #tpu.memory_space<vmem_shared>>) target_semaphore(%run_scoped3A_237 : memref<!tpu.dma_semaphore, #tpu.memory_space<semaphore_mem>>)
        %dma_wait3A_241 = arith.constant 9360 : i32
        %dma_wait3A_242 = arith.constant 0 : i32
        %dma_wait3A_243 = tpu.memref_slice %arg10[%dma_wait3A_241, %dma_wait3A_242] : memref<10000x128xf32, #tpu.memory_space<vmem_shared>> -> memref<640x128xf32, #tpu.memory_space<vmem_shared>>
        tpu.wait_dma2 semaphore(%run_scoped3A_237 : memref<!tpu.dma_semaphore, #tpu.memory_space<semaphore_mem>>) src(%arg4 : memref<640x128xf32, #tpu.memory_space<hbm>>) dst(%dma_wait3A_243 : memref<640x128xf32, #tpu.memory_space<vmem_shared>>)
        tpu.yield
      }) : () -> ()
    } else {
    }
    %dma_wait3A = arith.constant 0 : i32
    %dma_wait3A_114 = arith.constant 0 : i32
    %dma_wait3A_115 = arith.constant 0 : i32
    %dma_wait3A_116 = arith.constant 0 : i32
    %dma_wait3A_117 = arith.constant 0 : i32
    %dma_wait3A_118 = tpu.memref_slice %arg6[%dma_wait3A_114, %dma_wait3A_115, %dma_wait3A_117] : memref<4x2x128xi32, #tpu.memory_space<vmem>> -> memref<1x1x128xi32, #tpu.memory_space<vmem>>
    %dma_wait3A_119 = tpu.memref_squeeze %dma_wait3A_118 : memref<1x1x128xi32, #tpu.memory_space<vmem>> -> memref<128xi32, #tpu.memory_space<vmem>>
    %dma_wait3A_120 = arith.constant 0 : i32
    %dma_wait3A_121 = tpu.memref_slice %arg3[%dma_wait3A, %add3A, %dma_wait3A_120] : memref<2x32x10000xi32, #tpu.memory_space<hbm>> -> memref<1x1x128xi32, #tpu.memory_space<hbm>>
    %dma_wait3A_122 = tpu.memref_squeeze %dma_wait3A_121 : memref<1x1x128xi32, #tpu.memory_space<hbm>> -> memref<128xi32, #tpu.memory_space<hbm>>
    %dma_wait3A_123 = tpu.memref_slice %arg12[%dma_wait3A_116] : memref<4x!tpu.dma_semaphore, #tpu.memory_space<semaphore_mem>> -> memref<1x!tpu.dma_semaphore, #tpu.memory_space<semaphore_mem>>
    %dma_wait3A_124 = tpu.memref_squeeze %dma_wait3A_123 : memref<1x!tpu.dma_semaphore, #tpu.memory_space<semaphore_mem>> -> memref<!tpu.dma_semaphore, #tpu.memory_space<semaphore_mem>>
    %dma_wait3A_125 = arith.constant 0 : i32
    %dma_wait3A_126 = tpu.memref_slice %arg6[%dma_wait3A_114, %dma_wait3A_115, %dma_wait3A_125] : memref<4x2x128xi32, #tpu.memory_space<vmem>> -> memref<1x1x128xi32, #tpu.memory_space<vmem>>
    %dma_wait3A_127 = tpu.memref_squeeze %dma_wait3A_126 : memref<1x1x128xi32, #tpu.memory_space<vmem>> -> memref<128xi32, #tpu.memory_space<vmem>>
    %dma_wait3A_128 = arith.constant 0 : i32
    %dma_wait3A_129 = tpu.memref_slice %arg3[%dma_wait3A, %add3A, %dma_wait3A_128] : memref<2x32x10000xi32, #tpu.memory_space<hbm>> -> memref<1x1x128xi32, #tpu.memory_space<hbm>>
    %dma_wait3A_130 = tpu.memref_squeeze %dma_wait3A_129 : memref<1x1x128xi32, #tpu.memory_space<hbm>> -> memref<128xi32, #tpu.memory_space<hbm>>
    tpu.wait_dma2 semaphore(%dma_wait3A_124 : memref<!tpu.dma_semaphore, #tpu.memory_space<semaphore_mem>>) src(%dma_wait3A_130 : memref<128xi32, #tpu.memory_space<hbm>>) dst(%dma_wait3A_127 : memref<128xi32, #tpu.memory_space<vmem>>)
    %dma_wait3A_131 = arith.constant 1 : i32
    %dma_wait3A_132 = arith.constant 0 : i32
    %dma_wait3A_133 = arith.constant 1 : i32
    %dma_wait3A_134 = arith.constant 0 : i32
    %dma_wait3A_135 = arith.constant 0 : i32
    %dma_wait3A_136 = tpu.memref_slice %arg6[%dma_wait3A_132, %dma_wait3A_133, %dma_wait3A_135] : memref<4x2x128xi32, #tpu.memory_space<vmem>> -> memref<1x1x128xi32, #tpu.memory_space<vmem>>
    %dma_wait3A_137 = tpu.memref_squeeze %dma_wait3A_136 : memref<1x1x128xi32, #tpu.memory_space<vmem>> -> memref<128xi32, #tpu.memory_space<vmem>>
    %dma_wait3A_138 = arith.constant 0 : i32
    %dma_wait3A_139 = tpu.memref_slice %arg3[%dma_wait3A_131, %add3A, %dma_wait3A_138] : memref<2x32x10000xi32, #tpu.memory_space<hbm>> -> memref<1x1x128xi32, #tpu.memory_space<hbm>>
    %dma_wait3A_140 = tpu.memref_squeeze %dma_wait3A_139 : memref<1x1x128xi32, #tpu.memory_space<hbm>> -> memref<128xi32, #tpu.memory_space<hbm>>
    %dma_wait3A_141 = tpu.memref_slice %arg12[%dma_wait3A_134] : memref<4x!tpu.dma_semaphore, #tpu.memory_space<semaphore_mem>> -> memref<1x!tpu.dma_semaphore, #tpu.memory_space<semaphore_mem>>
    %dma_wait3A_142 = tpu.memref_squeeze %dma_wait3A_141 : memref<1x!tpu.dma_semaphore, #tpu.memory_space<semaphore_mem>> -> memref<!tpu.dma_semaphore, #tpu.memory_space<semaphore_mem>>
    %dma_wait3A_143 = arith.constant 0 : i32
    %dma_wait3A_144 = tpu.memref_slice %arg6[%dma_wait3A_132, %dma_wait3A_133, %dma_wait3A_143] : memref<4x2x128xi32, #tpu.memory_space<vmem>> -> memref<1x1x128xi32, #tpu.memory_space<vmem>>
    %dma_wait3A_145 = tpu.memref_squeeze %dma_wait3A_144 : memref<1x1x128xi32, #tpu.memory_space<vmem>> -> memref<128xi32, #tpu.memory_space<vmem>>
    %dma_wait3A_146 = arith.constant 0 : i32
    %dma_wait3A_147 = tpu.memref_slice %arg3[%dma_wait3A_131, %add3A, %dma_wait3A_146] : memref<2x32x10000xi32, #tpu.memory_space<hbm>> -> memref<1x1x128xi32, #tpu.memory_space<hbm>>
    %dma_wait3A_148 = tpu.memref_squeeze %dma_wait3A_147 : memref<1x1x128xi32, #tpu.memory_space<hbm>> -> memref<128xi32, #tpu.memory_space<hbm>>
    tpu.wait_dma2 semaphore(%dma_wait3A_142 : memref<!tpu.dma_semaphore, #tpu.memory_space<semaphore_mem>>) src(%dma_wait3A_148 : memref<128xi32, #tpu.memory_space<hbm>>) dst(%dma_wait3A_145 : memref<128xi32, #tpu.memory_space<vmem>>)
    %barrier3A = arith.constant 0 : index
    tpu.barrier barrier_id(%barrier3A)
    %dma_start3A_149 = arith.constant 0 : i32
    %dma_start3A_150 = arith.constant 0 : i32
    %dma_start3A_151 = arith.constant 0 : i32
    %dma_start3A_152 = arith.constant 0 : i32
    %dma_start3A_153 = arith.constant 0 : i32
    %dma_start3A_154 = arith.constant 0 : i32
    %dma_start3A_155 = tpu.memref_slice %arg8[%dma_start3A_151, %dma_start3A_153, %dma_start3A_154] : memref<2x128x128xf32, #tpu.memory_space<vmem>> -> memref<1x128x128xf32, #tpu.memory_space<vmem>>
    %dma_start3A_156 = tpu.memref_squeeze %dma_start3A_155 : memref<1x128x128xf32, #tpu.memory_space<vmem>> -> memref<128x128xf32, #tpu.memory_space<vmem>>
    %dma_start3A_157 = arith.constant 0 : i32
    %dma_start3A_158 = tpu.memref_slice %arg6[%dma_start3A_149, %dma_start3A_150, %dma_start3A_157] : memref<4x2x128xi32, #tpu.memory_space<vmem>> -> memref<1x1x128xi32, #tpu.memory_space<vmem>>
    %dma_start3A_159 = tpu.memref_squeeze %dma_start3A_158 : memref<1x1x128xi32, #tpu.memory_space<vmem>> -> memref<128xi32, #tpu.memory_space<vmem>>
    %dma_start3A_160 = arith.constant 0 : i32
    %dma_start3A_161 = arith.constant 0 : i32
    %dma_start3A_162 = tpu.memref_slice %arg2[%dma_start3A_160, %dma_start3A_161] : memref<10000x128xf32, #tpu.memory_space<hbm>> -> memref<10000x128xf32, #tpu.memory_space<hbm>>
    %dma_start3A_163 = tpu.memref_slice %arg11[%dma_start3A_152] : memref<2x!tpu.dma_semaphore, #tpu.memory_space<semaphore_mem>> -> memref<1x!tpu.dma_semaphore, #tpu.memory_space<semaphore_mem>>
    %dma_start3A_164 = tpu.memref_squeeze %dma_start3A_163 : memref<1x!tpu.dma_semaphore, #tpu.memory_space<semaphore_mem>> -> memref<!tpu.dma_semaphore, #tpu.memory_space<semaphore_mem>>
    tpu.enqueue_indirect_dma source(%dma_start3A_162 : memref<10000x128xf32, #tpu.memory_space<hbm>>) target(%dma_start3A_156 : memref<128x128xf32, #tpu.memory_space<vmem>>) offsets(%dma_start3A_159 : memref<128xi32, #tpu.memory_space<vmem>>) semaphore(%dma_start3A_164 : memref<!tpu.dma_semaphore, #tpu.memory_space<semaphore_mem>>)
    %scan3A = arith.constant 0 : i32
    %scan3A_165 = arith.constant 0 : i32
    %scan3A_166 = arith.constant 78 : i32
    %scan3A_167 = arith.addi %scan3A_165, %scan3A_166 : i32
    %scan3A_168 = arith.constant 1 : i32
    scf.for %scan3A_237 = %scan3A_165 to %scan3A_167 step %scan3A_168  : i32 {
      %rem3A = arith.constant 2 : i32
      %rem3A_238 = arith.remsi %scan3A_237, %rem3A : i32
      %rem3A_239 = arith.constant 4 : i32
      %rem3A_240 = arith.remsi %scan3A_237, %rem3A_239 : i32
      %dma_wait3A_241 = arith.constant 0 : i32
      %dma_wait3A_242 = arith.constant 0 : i32
      %dma_wait3A_243 = arith.constant 0 : i32
      %dma_wait3A_244 = tpu.memref_slice %arg8[%rem3A_238, %dma_wait3A_242, %dma_wait3A_243] : memref<2x128x128xf32, #tpu.memory_space<vmem>> -> memref<1x128x128xf32, #tpu.memory_space<vmem>>
      %dma_wait3A_245 = tpu.memref_squeeze %dma_wait3A_244 : memref<1x128x128xf32, #tpu.memory_space<vmem>> -> memref<128x128xf32, #tpu.memory_space<vmem>>
      %dma_wait3A_246 = arith.constant 0 : i32
      %dma_wait3A_247 = tpu.memref_slice %arg6[%rem3A_240, %dma_wait3A_241, %dma_wait3A_246] : memref<4x2x128xi32, #tpu.memory_space<vmem>> -> memref<1x1x128xi32, #tpu.memory_space<vmem>>
      %dma_wait3A_248 = tpu.memref_squeeze %dma_wait3A_247 : memref<1x1x128xi32, #tpu.memory_space<vmem>> -> memref<128xi32, #tpu.memory_space<vmem>>
      %dma_wait3A_249 = arith.constant 0 : i32
      %dma_wait3A_250 = arith.constant 0 : i32
      %dma_wait3A_251 = tpu.memref_slice %arg2[%dma_wait3A_249, %dma_wait3A_250] : memref<10000x128xf32, #tpu.memory_space<hbm>> -> memref<10000x128xf32, #tpu.memory_space<hbm>>
      %dma_wait3A_252 = tpu.memref_slice %arg11[%rem3A_238] : memref<2x!tpu.dma_semaphore, #tpu.memory_space<semaphore_mem>> -> memref<1x!tpu.dma_semaphore, #tpu.memory_space<semaphore_mem>>
      %dma_wait3A_253 = tpu.memref_squeeze %dma_wait3A_252 : memref<1x!tpu.dma_semaphore, #tpu.memory_space<semaphore_mem>> -> memref<!tpu.dma_semaphore, #tpu.memory_space<semaphore_mem>>
      tpu.wait_indirect_dma semaphore(%dma_wait3A_253 : memref<!tpu.dma_semaphore, #tpu.memory_space<semaphore_mem>>) src(%dma_wait3A_251 : memref<10000x128xf32, #tpu.memory_space<hbm>>) dst(%dma_wait3A_245 : memref<128x128xf32, #tpu.memory_space<vmem>>)
      %dma_start3A_254 = arith.constant 1 : i32
      %dma_start3A_255 = arith.constant 0 : i32
      %dma_start3A_256 = arith.constant 0 : i32
      %dma_start3A_257 = tpu.memref_slice %arg8[%rem3A_238, %dma_start3A_255, %dma_start3A_256] : memref<2x128x128xf32, #tpu.memory_space<vmem>> -> memref<1x128x128xf32, #tpu.memory_space<vmem>>
      %dma_start3A_258 = tpu.memref_squeeze %dma_start3A_257 : memref<1x128x128xf32, #tpu.memory_space<vmem>> -> memref<128x128xf32, #tpu.memory_space<vmem>>
      %dma_start3A_259 = arith.constant 0 : i32
      %dma_start3A_260 = tpu.memref_slice %arg6[%rem3A_240, %dma_start3A_254, %dma_start3A_259] : memref<4x2x128xi32, #tpu.memory_space<vmem>> -> memref<1x1x128xi32, #tpu.memory_space<vmem>>
      %dma_start3A_261 = tpu.memref_squeeze %dma_start3A_260 : memref<1x1x128xi32, #tpu.memory_space<vmem>> -> memref<128xi32, #tpu.memory_space<vmem>>
      %dma_start3A_262 = arith.constant 0 : i32
      %dma_start3A_263 = arith.constant 0 : i32
      %dma_start3A_264 = tpu.memref_slice %arg10[%dma_start3A_262, %dma_start3A_263] : memref<10000x128xf32, #tpu.memory_space<vmem_shared>> -> memref<10000x128xf32, #tpu.memory_space<vmem_shared>>
      %dma_start3A_265 = tpu.memref_slice %arg13[%rem3A_238] : memref<2x!tpu.dma_semaphore, #tpu.memory_space<semaphore_mem>> -> memref<1x!tpu.dma_semaphore, #tpu.memory_space<semaphore_mem>>
      %dma_start3A_266 = tpu.memref_squeeze %dma_start3A_265 : memref<1x!tpu.dma_semaphore, #tpu.memory_space<semaphore_mem>> -> memref<!tpu.dma_semaphore, #tpu.memory_space<semaphore_mem>>
      tpu.enqueue_indirect_dma source(%dma_start3A_258 : memref<128x128xf32, #tpu.memory_space<vmem>>) target(%dma_start3A_264 : memref<10000x128xf32, #tpu.memory_space<vmem_shared>>) offsets(%dma_start3A_261 : memref<128xi32, #tpu.memory_space<vmem>>) semaphore(%dma_start3A_266 : memref<!tpu.dma_semaphore, #tpu.memory_space<semaphore_mem>>) {add = true}
      %add3A_267 = arith.constant 1 : i32
      %add3A_268 = arith.addi %scan3A_237, %add3A_267 : i32
      %lt3A_269 = arith.constant 78 : i32
      %lt3A_270 = arith.cmpi slt, %add3A_268, %lt3A_269 : i32
      %convert_element_type3A_271 = arith.extui %lt3A_270 : i1 to i32
      %cond3A_272 = arith.constant 0 : i32
      %cond3A_273 = arith.cmpi ne, %convert_element_type3A_271, %cond3A_272 : i32
      scf.if %cond3A_273 {
        %add3A_274 = arith.constant 1 : i32
        %add3A_275 = arith.addi %scan3A_237, %add3A_274 : i32
        %rem3A_276 = arith.constant 2 : i32
        %rem3A_277 = arith.remsi %add3A_275, %rem3A_276 : i32
        %add3A_278 = arith.constant 1 : i32
        %add3A_279 = arith.addi %scan3A_237, %add3A_278 : i32
        %rem3A_280 = arith.constant 4 : i32
        %rem3A_281 = arith.remsi %add3A_279, %rem3A_280 : i32
        %gt3A = arith.constant 0 : i32
        %gt3A_282 = arith.cmpi sgt, %scan3A_237, %gt3A : i32
        %convert_element_type3A_283 = arith.extui %gt3A_282 : i1 to i32
        %cond3A_284 = arith.constant 0 : i32
        %cond3A_285 = arith.cmpi ne, %convert_element_type3A_283, %cond3A_284 : i32
        scf.if %cond3A_285 {
          %add3A_340 = arith.constant 3 : i32
          %add3A_341 = arith.addi %scan3A_237, %add3A_340 : i32
          %rem3A_342 = arith.constant 4 : i32
          %rem3A_343 = arith.remsi %add3A_341, %rem3A_342 : i32
          %dma_wait3A_344 = arith.constant 1 : i32
          %dma_wait3A_345 = arith.constant 0 : i32
          %dma_wait3A_346 = arith.constant 0 : i32
          %dma_wait3A_347 = tpu.memref_slice %arg8[%rem3A_277, %dma_wait3A_345, %dma_wait3A_346] : memref<2x128x128xf32, #tpu.memory_space<vmem>> -> memref<1x128x128xf32, #tpu.memory_space<vmem>>
          %dma_wait3A_348 = tpu.memref_squeeze %dma_wait3A_347 : memref<1x128x128xf32, #tpu.memory_space<vmem>> -> memref<128x128xf32, #tpu.memory_space<vmem>>
          %dma_wait3A_349 = arith.constant 0 : i32
          %dma_wait3A_350 = tpu.memref_slice %arg6[%rem3A_343, %dma_wait3A_344, %dma_wait3A_349] : memref<4x2x128xi32, #tpu.memory_space<vmem>> -> memref<1x1x128xi32, #tpu.memory_space<vmem>>
          %dma_wait3A_351 = tpu.memref_squeeze %dma_wait3A_350 : memref<1x1x128xi32, #tpu.memory_space<vmem>> -> memref<128xi32, #tpu.memory_space<vmem>>
          %dma_wait3A_352 = arith.constant 0 : i32
          %dma_wait3A_353 = arith.constant 0 : i32
          %dma_wait3A_354 = tpu.memref_slice %arg10[%dma_wait3A_352, %dma_wait3A_353] : memref<10000x128xf32, #tpu.memory_space<vmem_shared>> -> memref<10000x128xf32, #tpu.memory_space<vmem_shared>>
          %dma_wait3A_355 = tpu.memref_slice %arg13[%rem3A_277] : memref<2x!tpu.dma_semaphore, #tpu.memory_space<semaphore_mem>> -> memref<1x!tpu.dma_semaphore, #tpu.memory_space<semaphore_mem>>
          %dma_wait3A_356 = tpu.memref_squeeze %dma_wait3A_355 : memref<1x!tpu.dma_semaphore, #tpu.memory_space<semaphore_mem>> -> memref<!tpu.dma_semaphore, #tpu.memory_space<semaphore_mem>>
          tpu.wait_indirect_dma semaphore(%dma_wait3A_356 : memref<!tpu.dma_semaphore, #tpu.memory_space<semaphore_mem>>) src(%dma_wait3A_348 : memref<128x128xf32, #tpu.memory_space<vmem>>) dst(%dma_wait3A_354 : memref<10000x128xf32, #tpu.memory_space<vmem_shared>>)
        } else {
        }
        %add3A_286 = arith.constant 1 : i32
        %add3A_287 = arith.addi %scan3A_237, %add3A_286 : i32
        %mul3A_288 = arith.constant 128 : i32
        %mul3A_289 = arith.muli %add3A_287, %mul3A_288 : i32
        %dma_wait3A_290 = arith.constant 0 : i32
        %dma_wait3A_291 = arith.constant 0 : i32
        %dma_wait3A_292 = arith.constant 0 : i32
        %dma_wait3A_293 = tpu.memref_slice %arg6[%rem3A_281, %dma_wait3A_291, %dma_wait3A_292] : memref<4x2x128xi32, #tpu.memory_space<vmem>> -> memref<1x1x128xi32, #tpu.memory_space<vmem>>
        %dma_wait3A_294 = tpu.memref_squeeze %dma_wait3A_293 : memref<1x1x128xi32, #tpu.memory_space<vmem>> -> memref<128xi32, #tpu.memory_space<vmem>>
        %dma_wait3A_295 = tpu.memref_slice %arg3[%dma_wait3A_290, %add3A, %mul3A_289] : memref<2x32x10000xi32, #tpu.memory_space<hbm>> -> memref<1x1x128xi32, #tpu.memory_space<hbm>>
        %dma_wait3A_296 = tpu.memref_squeeze %dma_wait3A_295 : memref<1x1x128xi32, #tpu.memory_space<hbm>> -> memref<128xi32, #tpu.memory_space<hbm>>
        %dma_wait3A_297 = tpu.memref_slice %arg12[%rem3A_281] : memref<4x!tpu.dma_semaphore, #tpu.memory_space<semaphore_mem>> -> memref<1x!tpu.dma_semaphore, #tpu.memory_space<semaphore_mem>>
        %dma_wait3A_298 = tpu.memref_squeeze %dma_wait3A_297 : memref<1x!tpu.dma_semaphore, #tpu.memory_space<semaphore_mem>> -> memref<!tpu.dma_semaphore, #tpu.memory_space<semaphore_mem>>
        %dma_wait3A_299 = arith.constant 0 : i32
        %dma_wait3A_300 = tpu.memref_slice %arg6[%rem3A_281, %dma_wait3A_291, %dma_wait3A_299] : memref<4x2x128xi32, #tpu.memory_space<vmem>> -> memref<1x1x128xi32, #tpu.memory_space<vmem>>
        %dma_wait3A_301 = tpu.memref_squeeze %dma_wait3A_300 : memref<1x1x128xi32, #tpu.memory_space<vmem>> -> memref<128xi32, #tpu.memory_space<vmem>>
        %dma_wait3A_302 = tpu.memref_slice %arg3[%dma_wait3A_290, %add3A, %mul3A_289] : memref<2x32x10000xi32, #tpu.memory_space<hbm>> -> memref<1x1x128xi32, #tpu.memory_space<hbm>>
        %dma_wait3A_303 = tpu.memref_squeeze %dma_wait3A_302 : memref<1x1x128xi32, #tpu.memory_space<hbm>> -> memref<128xi32, #tpu.memory_space<hbm>>
        tpu.wait_dma2 semaphore(%dma_wait3A_298 : memref<!tpu.dma_semaphore, #tpu.memory_space<semaphore_mem>>) src(%dma_wait3A_303 : memref<128xi32, #tpu.memory_space<hbm>>) dst(%dma_wait3A_301 : memref<128xi32, #tpu.memory_space<vmem>>)
        %mul3A_304 = arith.constant 128 : i32
        %mul3A_305 = arith.muli %add3A_287, %mul3A_304 : i32
        %dma_wait3A_306 = arith.constant 1 : i32
        %dma_wait3A_307 = arith.constant 1 : i32
        %dma_wait3A_308 = arith.constant 0 : i32
        %dma_wait3A_309 = tpu.memref_slice %arg6[%rem3A_281, %dma_wait3A_307, %dma_wait3A_308] : memref<4x2x128xi32, #tpu.memory_space<vmem>> -> memref<1x1x128xi32, #tpu.memory_space<vmem>>
        %dma_wait3A_310 = tpu.memref_squeeze %dma_wait3A_309 : memref<1x1x128xi32, #tpu.memory_space<vmem>> -> memref<128xi32, #tpu.memory_space<vmem>>
        %dma_wait3A_311 = tpu.memref_slice %arg3[%dma_wait3A_306, %add3A, %mul3A_305] : memref<2x32x10000xi32, #tpu.memory_space<hbm>> -> memref<1x1x128xi32, #tpu.memory_space<hbm>>
        %dma_wait3A_312 = tpu.memref_squeeze %dma_wait3A_311 : memref<1x1x128xi32, #tpu.memory_space<hbm>> -> memref<128xi32, #tpu.memory_space<hbm>>
        %dma_wait3A_313 = tpu.memref_slice %arg12[%rem3A_281] : memref<4x!tpu.dma_semaphore, #tpu.memory_space<semaphore_mem>> -> memref<1x!tpu.dma_semaphore, #tpu.memory_space<semaphore_mem>>
        %dma_wait3A_314 = tpu.memref_squeeze %dma_wait3A_313 : memref<1x!tpu.dma_semaphore, #tpu.memory_space<semaphore_mem>> -> memref<!tpu.dma_semaphore, #tpu.memory_space<semaphore_mem>>
        %dma_wait3A_315 = arith.constant 0 : i32
        %dma_wait3A_316 = tpu.memref_slice %arg6[%rem3A_281, %dma_wait3A_307, %dma_wait3A_315] : memref<4x2x128xi32, #tpu.memory_space<vmem>> -> memref<1x1x128xi32, #tpu.memory_space<vmem>>
        %dma_wait3A_317 = tpu.memref_squeeze %dma_wait3A_316 : memref<1x1x128xi32, #tpu.memory_space<vmem>> -> memref<128xi32, #tpu.memory_space<vmem>>
        %dma_wait3A_318 = tpu.memref_slice %arg3[%dma_wait3A_306, %add3A, %mul3A_305] : memref<2x32x10000xi32, #tpu.memory_space<hbm>> -> memref<1x1x128xi32, #tpu.memory_space<hbm>>
        %dma_wait3A_319 = tpu.memref_squeeze %dma_wait3A_318 : memref<1x1x128xi32, #tpu.memory_space<hbm>> -> memref<128xi32, #tpu.memory_space<hbm>>
        tpu.wait_dma2 semaphore(%dma_wait3A_314 : memref<!tpu.dma_semaphore, #tpu.memory_space<semaphore_mem>>) src(%dma_wait3A_319 : memref<128xi32, #tpu.memory_space<hbm>>) dst(%dma_wait3A_317 : memref<128xi32, #tpu.memory_space<vmem>>)
        %dma_start3A_320 = arith.constant 0 : i32
        %dma_start3A_321 = arith.constant 0 : i32
        %dma_start3A_322 = arith.constant 0 : i32
        %dma_start3A_323 = tpu.memref_slice %arg8[%rem3A_277, %dma_start3A_321, %dma_start3A_322] : memref<2x128x128xf32, #tpu.memory_space<vmem>> -> memref<1x128x128xf32, #tpu.memory_space<vmem>>
        %dma_start3A_324 = tpu.memref_squeeze %dma_start3A_323 : memref<1x128x128xf32, #tpu.memory_space<vmem>> -> memref<128x128xf32, #tpu.memory_space<vmem>>
        %dma_start3A_325 = arith.constant 0 : i32
        %dma_start3A_326 = tpu.memref_slice %arg6[%rem3A_281, %dma_start3A_320, %dma_start3A_325] : memref<4x2x128xi32, #tpu.memory_space<vmem>> -> memref<1x1x128xi32, #tpu.memory_space<vmem>>
        %dma_start3A_327 = tpu.memref_squeeze %dma_start3A_326 : memref<1x1x128xi32, #tpu.memory_space<vmem>> -> memref<128xi32, #tpu.memory_space<vmem>>
        %dma_start3A_328 = arith.constant 0 : i32
        %dma_start3A_329 = arith.constant 0 : i32
        %dma_start3A_330 = tpu.memref_slice %arg2[%dma_start3A_328, %dma_start3A_329] : memref<10000x128xf32, #tpu.memory_space<hbm>> -> memref<10000x128xf32, #tpu.memory_space<hbm>>
        %dma_start3A_331 = tpu.memref_slice %arg11[%rem3A_277] : memref<2x!tpu.dma_semaphore, #tpu.memory_space<semaphore_mem>> -> memref<1x!tpu.dma_semaphore, #tpu.memory_space<semaphore_mem>>
        %dma_start3A_332 = tpu.memref_squeeze %dma_start3A_331 : memref<1x!tpu.dma_semaphore, #tpu.memory_space<semaphore_mem>> -> memref<!tpu.dma_semaphore, #tpu.memory_space<semaphore_mem>>
        tpu.enqueue_indirect_dma source(%dma_start3A_330 : memref<10000x128xf32, #tpu.memory_space<hbm>>) target(%dma_start3A_324 : memref<128x128xf32, #tpu.memory_space<vmem>>) offsets(%dma_start3A_327 : memref<128xi32, #tpu.memory_space<vmem>>) semaphore(%dma_start3A_332 : memref<!tpu.dma_semaphore, #tpu.memory_space<semaphore_mem>>)
        %add3A_333 = arith.constant 3 : i32
        %add3A_334 = arith.addi %scan3A_237, %add3A_333 : i32
        %lt3A_335 = arith.constant 78 : i32
        %lt3A_336 = arith.cmpi slt, %add3A_334, %lt3A_335 : i32
        %convert_element_type3A_337 = arith.extui %lt3A_336 : i1 to i32
        %cond3A_338 = arith.constant 0 : i32
        %cond3A_339 = arith.cmpi ne, %convert_element_type3A_337, %cond3A_338 : i32
        scf.if %cond3A_339 {
          %add3A_340 = arith.constant 3 : i32
          %add3A_341 = arith.addi %scan3A_237, %add3A_340 : i32
          %rem3A_342 = arith.constant 4 : i32
          %rem3A_343 = arith.remsi %add3A_341, %rem3A_342 : i32
          %add3A_344 = arith.constant 3 : i32
          %add3A_345 = arith.addi %scan3A_237, %add3A_344 : i32
          %mul3A_346 = arith.constant 128 : i32
          %mul3A_347 = arith.muli %add3A_345, %mul3A_346 : i32
          %dma_start3A_348 = arith.constant 0 : i32
          %dma_start3A_349 = arith.constant 0 : i32
          %dma_start3A_350 = arith.constant 0 : i32
          %dma_start3A_351 = tpu.memref_slice %arg6[%rem3A_343, %dma_start3A_349, %dma_start3A_350] : memref<4x2x128xi32, #tpu.memory_space<vmem>> -> memref<1x1x128xi32, #tpu.memory_space<vmem>>
          %dma_start3A_352 = tpu.memref_squeeze %dma_start3A_351 : memref<1x1x128xi32, #tpu.memory_space<vmem>> -> memref<128xi32, #tpu.memory_space<vmem>>
          %dma_start3A_353 = tpu.memref_slice %arg3[%dma_start3A_348, %add3A, %mul3A_347] : memref<2x32x10000xi32, #tpu.memory_space<hbm>> -> memref<1x1x128xi32, #tpu.memory_space<hbm>>
          %dma_start3A_354 = tpu.memref_squeeze %dma_start3A_353 : memref<1x1x128xi32, #tpu.memory_space<hbm>> -> memref<128xi32, #tpu.memory_space<hbm>>
          %dma_start3A_355 = tpu.memref_slice %arg12[%rem3A_343] : memref<4x!tpu.dma_semaphore, #tpu.memory_space<semaphore_mem>> -> memref<1x!tpu.dma_semaphore, #tpu.memory_space<semaphore_mem>>
          %dma_start3A_356 = tpu.memref_squeeze %dma_start3A_355 : memref<1x!tpu.dma_semaphore, #tpu.memory_space<semaphore_mem>> -> memref<!tpu.dma_semaphore, #tpu.memory_space<semaphore_mem>>
          %dma_start3A_357 = arith.constant 0 : i32
          %dma_start3A_358 = tpu.memref_slice %arg6[%rem3A_343, %dma_start3A_349, %dma_start3A_357] : memref<4x2x128xi32, #tpu.memory_space<vmem>> -> memref<1x1x128xi32, #tpu.memory_space<vmem>>
          %dma_start3A_359 = tpu.memref_squeeze %dma_start3A_358 : memref<1x1x128xi32, #tpu.memory_space<vmem>> -> memref<128xi32, #tpu.memory_space<vmem>>
          %dma_start3A_360 = tpu.memref_slice %arg3[%dma_start3A_348, %add3A, %mul3A_347] : memref<2x32x10000xi32, #tpu.memory_space<hbm>> -> memref<1x1x128xi32, #tpu.memory_space<hbm>>
          %dma_start3A_361 = tpu.memref_squeeze %dma_start3A_360 : memref<1x1x128xi32, #tpu.memory_space<hbm>> -> memref<128xi32, #tpu.memory_space<hbm>>
          tpu.enqueue_dma source(%dma_start3A_361 : memref<128xi32, #tpu.memory_space<hbm>>) target(%dma_start3A_359 : memref<128xi32, #tpu.memory_space<vmem>>) target_semaphore(%dma_start3A_356 : memref<!tpu.dma_semaphore, #tpu.memory_space<semaphore_mem>>)
          %mul3A_362 = arith.constant 128 : i32
          %mul3A_363 = arith.muli %add3A_345, %mul3A_362 : i32
          %dma_start3A_364 = arith.constant 1 : i32
          %dma_start3A_365 = arith.constant 1 : i32
          %dma_start3A_366 = arith.constant 0 : i32
          %dma_start3A_367 = tpu.memref_slice %arg6[%rem3A_343, %dma_start3A_365, %dma_start3A_366] : memref<4x2x128xi32, #tpu.memory_space<vmem>> -> memref<1x1x128xi32, #tpu.memory_space<vmem>>
          %dma_start3A_368 = tpu.memref_squeeze %dma_start3A_367 : memref<1x1x128xi32, #tpu.memory_space<vmem>> -> memref<128xi32, #tpu.memory_space<vmem>>
          %dma_start3A_369 = tpu.memref_slice %arg3[%dma_start3A_364, %add3A, %mul3A_363] : memref<2x32x10000xi32, #tpu.memory_space<hbm>> -> memref<1x1x128xi32, #tpu.memory_space<hbm>>
          %dma_start3A_370 = tpu.memref_squeeze %dma_start3A_369 : memref<1x1x128xi32, #tpu.memory_space<hbm>> -> memref<128xi32, #tpu.memory_space<hbm>>
          %dma_start3A_371 = tpu.memref_slice %arg12[%rem3A_343] : memref<4x!tpu.dma_semaphore, #tpu.memory_space<semaphore_mem>> -> memref<1x!tpu.dma_semaphore, #tpu.memory_space<semaphore_mem>>
          %dma_start3A_372 = tpu.memref_squeeze %dma_start3A_371 : memref<1x!tpu.dma_semaphore, #tpu.memory_space<semaphore_mem>> -> memref<!tpu.dma_semaphore, #tpu.memory_space<semaphore_mem>>
          %dma_start3A_373 = arith.constant 0 : i32
          %dma_start3A_374 = tpu.memref_slice %arg6[%rem3A_343, %dma_start3A_365, %dma_start3A_373] : memref<4x2x128xi32, #tpu.memory_space<vmem>> -> memref<1x1x128xi32, #tpu.memory_space<vmem>>
          %dma_start3A_375 = tpu.memref_squeeze %dma_start3A_374 : memref<1x1x128xi32, #tpu.memory_space<vmem>> -> memref<128xi32, #tpu.memory_space<vmem>>
          %dma_start3A_376 = tpu.memref_slice %arg3[%dma_start3A_364, %add3A, %mul3A_363] : memref<2x32x10000xi32, #tpu.memory_space<hbm>> -> memref<1x1x128xi32, #tpu.memory_space<hbm>>
          %dma_start3A_377 = tpu.memref_squeeze %dma_start3A_376 : memref<1x1x128xi32, #tpu.memory_space<hbm>> -> memref<128xi32, #tpu.memory_space<hbm>>
          tpu.enqueue_dma source(%dma_start3A_377 : memref<128xi32, #tpu.memory_space<hbm>>) target(%dma_start3A_375 : memref<128xi32, #tpu.memory_space<vmem>>) target_semaphore(%dma_start3A_372 : memref<!tpu.dma_semaphore, #tpu.memory_space<semaphore_mem>>)
        } else {
        }
      } else {
      }
    }
    %scan3A_169 = arith.constant 78 : i32
    %dma_wait3A_170 = arith.constant 0 : i32
    %dma_wait3A_171 = arith.constant 0 : i32
    %dma_wait3A_172 = arith.constant 1 : i32
    %dma_wait3A_173 = arith.constant 0 : i32
    %dma_wait3A_174 = arith.constant 0 : i32
    %dma_wait3A_175 = arith.constant 0 : i32
    %dma_wait3A_176 = tpu.memref_slice %arg8[%dma_wait3A_170, %dma_wait3A_174, %dma_wait3A_175] : memref<2x128x128xf32, #tpu.memory_space<vmem>> -> memref<1x128x128xf32, #tpu.memory_space<vmem>>
    %dma_wait3A_177 = tpu.memref_squeeze %dma_wait3A_176 : memref<1x128x128xf32, #tpu.memory_space<vmem>> -> memref<128x128xf32, #tpu.memory_space<vmem>>
    %dma_wait3A_178 = arith.constant 0 : i32
    %dma_wait3A_179 = tpu.memref_slice %arg6[%dma_wait3A_171, %dma_wait3A_172, %dma_wait3A_178] : memref<4x2x128xi32, #tpu.memory_space<vmem>> -> memref<1x1x128xi32, #tpu.memory_space<vmem>>
    %dma_wait3A_180 = tpu.memref_squeeze %dma_wait3A_179 : memref<1x1x128xi32, #tpu.memory_space<vmem>> -> memref<128xi32, #tpu.memory_space<vmem>>
    %dma_wait3A_181 = arith.constant 0 : i32
    %dma_wait3A_182 = arith.constant 0 : i32
    %dma_wait3A_183 = tpu.memref_slice %arg10[%dma_wait3A_181, %dma_wait3A_182] : memref<10000x128xf32, #tpu.memory_space<vmem_shared>> -> memref<10000x128xf32, #tpu.memory_space<vmem_shared>>
    %dma_wait3A_184 = tpu.memref_slice %arg13[%dma_wait3A_173] : memref<2x!tpu.dma_semaphore, #tpu.memory_space<semaphore_mem>> -> memref<1x!tpu.dma_semaphore, #tpu.memory_space<semaphore_mem>>
    %dma_wait3A_185 = tpu.memref_squeeze %dma_wait3A_184 : memref<1x!tpu.dma_semaphore, #tpu.memory_space<semaphore_mem>> -> memref<!tpu.dma_semaphore, #tpu.memory_space<semaphore_mem>>
    tpu.wait_indirect_dma semaphore(%dma_wait3A_185 : memref<!tpu.dma_semaphore, #tpu.memory_space<semaphore_mem>>) src(%dma_wait3A_177 : memref<128x128xf32, #tpu.memory_space<vmem>>) dst(%dma_wait3A_183 : memref<10000x128xf32, #tpu.memory_space<vmem_shared>>)
    %dma_wait3A_186 = arith.constant 1 : i32
    %dma_wait3A_187 = arith.constant 1 : i32
    %dma_wait3A_188 = arith.constant 1 : i32
    %dma_wait3A_189 = arith.constant 1 : i32
    %dma_wait3A_190 = arith.constant 0 : i32
    %dma_wait3A_191 = arith.constant 0 : i32
    %dma_wait3A_192 = tpu.memref_slice %arg8[%dma_wait3A_186, %dma_wait3A_190, %dma_wait3A_191] : memref<2x128x128xf32, #tpu.memory_space<vmem>> -> memref<1x128x128xf32, #tpu.memory_space<vmem>>
    %dma_wait3A_193 = tpu.memref_squeeze %dma_wait3A_192 : memref<1x128x128xf32, #tpu.memory_space<vmem>> -> memref<128x128xf32, #tpu.memory_space<vmem>>
    %dma_wait3A_194 = arith.constant 0 : i32
    %dma_wait3A_195 = tpu.memref_slice %arg6[%dma_wait3A_187, %dma_wait3A_188, %dma_wait3A_194] : memref<4x2x128xi32, #tpu.memory_space<vmem>> -> memref<1x1x128xi32, #tpu.memory_space<vmem>>
    %dma_wait3A_196 = tpu.memref_squeeze %dma_wait3A_195 : memref<1x1x128xi32, #tpu.memory_space<vmem>> -> memref<128xi32, #tpu.memory_space<vmem>>
    %dma_wait3A_197 = arith.constant 0 : i32
    %dma_wait3A_198 = arith.constant 0 : i32
    %dma_wait3A_199 = tpu.memref_slice %arg10[%dma_wait3A_197, %dma_wait3A_198] : memref<10000x128xf32, #tpu.memory_space<vmem_shared>> -> memref<10000x128xf32, #tpu.memory_space<vmem_shared>>
    %dma_wait3A_200 = tpu.memref_slice %arg13[%dma_wait3A_189] : memref<2x!tpu.dma_semaphore, #tpu.memory_space<semaphore_mem>> -> memref<1x!tpu.dma_semaphore, #tpu.memory_space<semaphore_mem>>
    %dma_wait3A_201 = tpu.memref_squeeze %dma_wait3A_200 : memref<1x!tpu.dma_semaphore, #tpu.memory_space<semaphore_mem>> -> memref<!tpu.dma_semaphore, #tpu.memory_space<semaphore_mem>>
    tpu.wait_indirect_dma semaphore(%dma_wait3A_201 : memref<!tpu.dma_semaphore, #tpu.memory_space<semaphore_mem>>) src(%dma_wait3A_193 : memref<128x128xf32, #tpu.memory_space<vmem>>) dst(%dma_wait3A_199 : memref<10000x128xf32, #tpu.memory_space<vmem_shared>>)
    %run_scoped3A = arith.constant 0 : i32
    %run_scoped3A_202 = arith.constant 0 : i32
    "tpu.region"() ({
      %run_scoped3A_237 = tpu.sem_alloc : memref<!tpu.dma_semaphore, #tpu.memory_space<semaphore_mem>>
      %dma_start3A_238 = arith.constant 0 : i32
      %dma_start3A_239 = tpu.memref_slice %arg7[%run_scoped3A_202, %dma_start3A_238] : memref<2x16xi32, #tpu.memory_space<vmem>> -> memref<1x16xi32, #tpu.memory_space<vmem>>
      %dma_start3A_240 = tpu.memref_squeeze %dma_start3A_239 : memref<1x16xi32, #tpu.memory_space<vmem>> -> memref<16xi32, #tpu.memory_space<vmem>>
      %dma_start3A_241 = arith.constant 9984 : i32
      %dma_start3A_242 = tpu.memref_slice %arg3[%run_scoped3A, %add3A, %dma_start3A_241] : memref<2x32x10000xi32, #tpu.memory_space<hbm>> -> memref<1x1x16xi32, #tpu.memory_space<hbm>>
      %dma_start3A_243 = tpu.memref_squeeze %dma_start3A_242 : memref<1x1x16xi32, #tpu.memory_space<hbm>> -> memref<16xi32, #tpu.memory_space<hbm>>
      %dma_start3A_244 = arith.constant 0 : i32
      %dma_start3A_245 = tpu.memref_slice %arg7[%run_scoped3A_202, %dma_start3A_244] : memref<2x16xi32, #tpu.memory_space<vmem>> -> memref<1x16xi32, #tpu.memory_space<vmem>>
      %dma_start3A_246 = tpu.memref_squeeze %dma_start3A_245 : memref<1x16xi32, #tpu.memory_space<vmem>> -> memref<16xi32, #tpu.memory_space<vmem>>
      %dma_start3A_247 = arith.constant 9984 : i32
      %dma_start3A_248 = tpu.memref_slice %arg3[%run_scoped3A, %add3A, %dma_start3A_247] : memref<2x32x10000xi32, #tpu.memory_space<hbm>> -> memref<1x1x16xi32, #tpu.memory_space<hbm>>
      %dma_start3A_249 = tpu.memref_squeeze %dma_start3A_248 : memref<1x1x16xi32, #tpu.memory_space<hbm>> -> memref<16xi32, #tpu.memory_space<hbm>>
      tpu.enqueue_dma source(%dma_start3A_249 : memref<16xi32, #tpu.memory_space<hbm>>) target(%dma_start3A_246 : memref<16xi32, #tpu.memory_space<vmem>>) target_semaphore(%run_scoped3A_237 : memref<!tpu.dma_semaphore, #tpu.memory_space<semaphore_mem>>)
      %dma_wait3A_250 = arith.constant 0 : i32
      %dma_wait3A_251 = tpu.memref_slice %arg7[%run_scoped3A_202, %dma_wait3A_250] : memref<2x16xi32, #tpu.memory_space<vmem>> -> memref<1x16xi32, #tpu.memory_space<vmem>>
      %dma_wait3A_252 = tpu.memref_squeeze %dma_wait3A_251 : memref<1x16xi32, #tpu.memory_space<vmem>> -> memref<16xi32, #tpu.memory_space<vmem>>
      %dma_wait3A_253 = arith.constant 9984 : i32
      %dma_wait3A_254 = tpu.memref_slice %arg3[%run_scoped3A, %add3A, %dma_wait3A_253] : memref<2x32x10000xi32, #tpu.memory_space<hbm>> -> memref<1x1x16xi32, #tpu.memory_space<hbm>>
      %dma_wait3A_255 = tpu.memref_squeeze %dma_wait3A_254 : memref<1x1x16xi32, #tpu.memory_space<hbm>> -> memref<16xi32, #tpu.memory_space<hbm>>
      %dma_wait3A_256 = arith.constant 0 : i32
      %dma_wait3A_257 = tpu.memref_slice %arg7[%run_scoped3A_202, %dma_wait3A_256] : memref<2x16xi32, #tpu.memory_space<vmem>> -> memref<1x16xi32, #tpu.memory_space<vmem>>
      %dma_wait3A_258 = tpu.memref_squeeze %dma_wait3A_257 : memref<1x16xi32, #tpu.memory_space<vmem>> -> memref<16xi32, #tpu.memory_space<vmem>>
      %dma_wait3A_259 = arith.constant 9984 : i32
      %dma_wait3A_260 = tpu.memref_slice %arg3[%run_scoped3A, %add3A, %dma_wait3A_259] : memref<2x32x10000xi32, #tpu.memory_space<hbm>> -> memref<1x1x16xi32, #tpu.memory_space<hbm>>
      %dma_wait3A_261 = tpu.memref_squeeze %dma_wait3A_260 : memref<1x1x16xi32, #tpu.memory_space<hbm>> -> memref<16xi32, #tpu.memory_space<hbm>>
      tpu.wait_dma2 semaphore(%run_scoped3A_237 : memref<!tpu.dma_semaphore, #tpu.memory_space<semaphore_mem>>) src(%dma_wait3A_261 : memref<16xi32, #tpu.memory_space<hbm>>) dst(%dma_wait3A_258 : memref<16xi32, #tpu.memory_space<vmem>>)
      tpu.yield
    }) : () -> ()
    %run_scoped3A_203 = arith.constant 1 : i32
    %run_scoped3A_204 = arith.constant 1 : i32
    "tpu.region"() ({
      %run_scoped3A_237 = tpu.sem_alloc : memref<!tpu.dma_semaphore, #tpu.memory_space<semaphore_mem>>
      %dma_start3A_238 = arith.constant 0 : i32
      %dma_start3A_239 = tpu.memref_slice %arg7[%run_scoped3A_204, %dma_start3A_238] : memref<2x16xi32, #tpu.memory_space<vmem>> -> memref<1x16xi32, #tpu.memory_space<vmem>>
      %dma_start3A_240 = tpu.memref_squeeze %dma_start3A_239 : memref<1x16xi32, #tpu.memory_space<vmem>> -> memref<16xi32, #tpu.memory_space<vmem>>
      %dma_start3A_241 = arith.constant 9984 : i32
      %dma_start3A_242 = tpu.memref_slice %arg3[%run_scoped3A_203, %add3A, %dma_start3A_241] : memref<2x32x10000xi32, #tpu.memory_space<hbm>> -> memref<1x1x16xi32, #tpu.memory_space<hbm>>
      %dma_start3A_243 = tpu.memref_squeeze %dma_start3A_242 : memref<1x1x16xi32, #tpu.memory_space<hbm>> -> memref<16xi32, #tpu.memory_space<hbm>>
      %dma_start3A_244 = arith.constant 0 : i32
      %dma_start3A_245 = tpu.memref_slice %arg7[%run_scoped3A_204, %dma_start3A_244] : memref<2x16xi32, #tpu.memory_space<vmem>> -> memref<1x16xi32, #tpu.memory_space<vmem>>
      %dma_start3A_246 = tpu.memref_squeeze %dma_start3A_245 : memref<1x16xi32, #tpu.memory_space<vmem>> -> memref<16xi32, #tpu.memory_space<vmem>>
      %dma_start3A_247 = arith.constant 9984 : i32
      %dma_start3A_248 = tpu.memref_slice %arg3[%run_scoped3A_203, %add3A, %dma_start3A_247] : memref<2x32x10000xi32, #tpu.memory_space<hbm>> -> memref<1x1x16xi32, #tpu.memory_space<hbm>>
      %dma_start3A_249 = tpu.memref_squeeze %dma_start3A_248 : memref<1x1x16xi32, #tpu.memory_space<hbm>> -> memref<16xi32, #tpu.memory_space<hbm>>
      tpu.enqueue_dma source(%dma_start3A_249 : memref<16xi32, #tpu.memory_space<hbm>>) target(%dma_start3A_246 : memref<16xi32, #tpu.memory_space<vmem>>) target_semaphore(%run_scoped3A_237 : memref<!tpu.dma_semaphore, #tpu.memory_space<semaphore_mem>>)
      %dma_wait3A_250 = arith.constant 0 : i32
      %dma_wait3A_251 = tpu.memref_slice %arg7[%run_scoped3A_204, %dma_wait3A_250] : memref<2x16xi32, #tpu.memory_space<vmem>> -> memref<1x16xi32, #tpu.memory_space<vmem>>
      %dma_wait3A_252 = tpu.memref_squeeze %dma_wait3A_251 : memref<1x16xi32, #tpu.memory_space<vmem>> -> memref<16xi32, #tpu.memory_space<vmem>>
      %dma_wait3A_253 = arith.constant 9984 : i32
      %dma_wait3A_254 = tpu.memref_slice %arg3[%run_scoped3A_203, %add3A, %dma_wait3A_253] : memref<2x32x10000xi32, #tpu.memory_space<hbm>> -> memref<1x1x16xi32, #tpu.memory_space<hbm>>
      %dma_wait3A_255 = tpu.memref_squeeze %dma_wait3A_254 : memref<1x1x16xi32, #tpu.memory_space<hbm>> -> memref<16xi32, #tpu.memory_space<hbm>>
      %dma_wait3A_256 = arith.constant 0 : i32
      %dma_wait3A_257 = tpu.memref_slice %arg7[%run_scoped3A_204, %dma_wait3A_256] : memref<2x16xi32, #tpu.memory_space<vmem>> -> memref<1x16xi32, #tpu.memory_space<vmem>>
      %dma_wait3A_258 = tpu.memref_squeeze %dma_wait3A_257 : memref<1x16xi32, #tpu.memory_space<vmem>> -> memref<16xi32, #tpu.memory_space<vmem>>
      %dma_wait3A_259 = arith.constant 9984 : i32
      %dma_wait3A_260 = tpu.memref_slice %arg3[%run_scoped3A_203, %add3A, %dma_wait3A_259] : memref<2x32x10000xi32, #tpu.memory_space<hbm>> -> memref<1x1x16xi32, #tpu.memory_space<hbm>>
      %dma_wait3A_261 = tpu.memref_squeeze %dma_wait3A_260 : memref<1x1x16xi32, #tpu.memory_space<hbm>> -> memref<16xi32, #tpu.memory_space<hbm>>
      tpu.wait_dma2 semaphore(%run_scoped3A_237 : memref<!tpu.dma_semaphore, #tpu.memory_space<semaphore_mem>>) src(%dma_wait3A_261 : memref<16xi32, #tpu.memory_space<hbm>>) dst(%dma_wait3A_258 : memref<16xi32, #tpu.memory_space<vmem>>)
      tpu.yield
    }) : () -> ()
    %dma_start3A_205 = arith.constant 0 : i32
    %dma_start3A_206 = arith.constant 0 : i32
    %dma_start3A_207 = arith.constant 0 : i32
    %dma_start3A_208 = tpu.memref_slice %arg7[%dma_start3A_205, %dma_start3A_207] : memref<2x16xi32, #tpu.memory_space<vmem>> -> memref<1x16xi32, #tpu.memory_space<vmem>>
    %dma_start3A_209 = tpu.memref_squeeze %dma_start3A_208 : memref<1x16xi32, #tpu.memory_space<vmem>> -> memref<16xi32, #tpu.memory_space<vmem>>
    %dma_start3A_210 = arith.constant 0 : i32
    %dma_start3A_211 = arith.constant 0 : i32
    %dma_start3A_212 = tpu.memref_slice %arg2[%dma_start3A_210, %dma_start3A_211] : memref<10000x128xf32, #tpu.memory_space<hbm>> -> memref<10000x128xf32, #tpu.memory_space<hbm>>
    %dma_start3A_213 = tpu.memref_slice %arg11[%dma_start3A_206] : memref<2x!tpu.dma_semaphore, #tpu.memory_space<semaphore_mem>> -> memref<1x!tpu.dma_semaphore, #tpu.memory_space<semaphore_mem>>
    %dma_start3A_214 = tpu.memref_squeeze %dma_start3A_213 : memref<1x!tpu.dma_semaphore, #tpu.memory_space<semaphore_mem>> -> memref<!tpu.dma_semaphore, #tpu.memory_space<semaphore_mem>>
    tpu.enqueue_indirect_dma source(%dma_start3A_212 : memref<10000x128xf32, #tpu.memory_space<hbm>>) target(%arg9 : memref<16x128xf32, #tpu.memory_space<vmem>>) offsets(%dma_start3A_209 : memref<16xi32, #tpu.memory_space<vmem>>) semaphore(%dma_start3A_214 : memref<!tpu.dma_semaphore, #tpu.memory_space<semaphore_mem>>)
    %dma_wait3A_215 = arith.constant 0 : i32
    %dma_wait3A_216 = arith.constant 0 : i32
    %dma_wait3A_217 = arith.constant 0 : i32
    %dma_wait3A_218 = tpu.memref_slice %arg7[%dma_wait3A_215, %dma_wait3A_217] : memref<2x16xi32, #tpu.memory_space<vmem>> -> memref<1x16xi32, #tpu.memory_space<vmem>>
    %dma_wait3A_219 = tpu.memref_squeeze %dma_wait3A_218 : memref<1x16xi32, #tpu.memory_space<vmem>> -> memref<16xi32, #tpu.memory_space<vmem>>
    %dma_wait3A_220 = arith.constant 0 : i32
    %dma_wait3A_221 = arith.constant 0 : i32
    %dma_wait3A_222 = tpu.memref_slice %arg2[%dma_wait3A_220, %dma_wait3A_221] : memref<10000x128xf32, #tpu.memory_space<hbm>> -> memref<10000x128xf32, #tpu.memory_space<hbm>>
    %dma_wait3A_223 = tpu.memref_slice %arg11[%dma_wait3A_216] : memref<2x!tpu.dma_semaphore, #tpu.memory_space<semaphore_mem>> -> memref<1x!tpu.dma_semaphore, #tpu.memory_space<semaphore_mem>>
    %dma_wait3A_224 = tpu.memref_squeeze %dma_wait3A_223 : memref<1x!tpu.dma_semaphore, #tpu.memory_space<semaphore_mem>> -> memref<!tpu.dma_semaphore, #tpu.memory_space<semaphore_mem>>
    tpu.wait_indirect_dma semaphore(%dma_wait3A_224 : memref<!tpu.dma_semaphore, #tpu.memory_space<semaphore_mem>>) src(%dma_wait3A_222 : memref<10000x128xf32, #tpu.memory_space<hbm>>) dst(%arg9 : memref<16x128xf32, #tpu.memory_space<vmem>>)
    %run_scoped3A_225 = arith.constant 1 : i32
    "tpu.region"() ({
      %run_scoped3A_237 = tpu.sem_alloc : memref<!tpu.dma_semaphore, #tpu.memory_space<semaphore_mem>>
      %dma_start3A_238 = arith.constant 0 : i32
      %dma_start3A_239 = tpu.memref_slice %arg7[%run_scoped3A_225, %dma_start3A_238] : memref<2x16xi32, #tpu.memory_space<vmem>> -> memref<1x16xi32, #tpu.memory_space<vmem>>
      %dma_start3A_240 = tpu.memref_squeeze %dma_start3A_239 : memref<1x16xi32, #tpu.memory_space<vmem>> -> memref<16xi32, #tpu.memory_space<vmem>>
      %dma_start3A_241 = arith.constant 0 : i32
      %dma_start3A_242 = arith.constant 0 : i32
      %dma_start3A_243 = tpu.memref_slice %arg10[%dma_start3A_241, %dma_start3A_242] : memref<10000x128xf32, #tpu.memory_space<vmem_shared>> -> memref<10000x128xf32, #tpu.memory_space<vmem_shared>>
      tpu.enqueue_indirect_dma source(%arg9 : memref<16x128xf32, #tpu.memory_space<vmem>>) target(%dma_start3A_243 : memref<10000x128xf32, #tpu.memory_space<vmem_shared>>) offsets(%dma_start3A_240 : memref<16xi32, #tpu.memory_space<vmem>>) semaphore(%run_scoped3A_237 : memref<!tpu.dma_semaphore, #tpu.memory_space<semaphore_mem>>) {add = true}
      %dma_wait3A_244 = arith.constant 0 : i32
      %dma_wait3A_245 = tpu.memref_slice %arg7[%run_scoped3A_225, %dma_wait3A_244] : memref<2x16xi32, #tpu.memory_space<vmem>> -> memref<1x16xi32, #tpu.memory_space<vmem>>
      %dma_wait3A_246 = tpu.memref_squeeze %dma_wait3A_245 : memref<1x16xi32, #tpu.memory_space<vmem>> -> memref<16xi32, #tpu.memory_space<vmem>>
      %dma_wait3A_247 = arith.constant 0 : i32
      %dma_wait3A_248 = arith.constant 0 : i32
      %dma_wait3A_249 = tpu.memref_slice %arg10[%dma_wait3A_247, %dma_wait3A_248] : memref<10000x128xf32, #tpu.memory_space<vmem_shared>> -> memref<10000x128xf32, #tpu.memory_space<vmem_shared>>
      tpu.wait_indirect_dma semaphore(%run_scoped3A_237 : memref<!tpu.dma_semaphore, #tpu.memory_space<semaphore_mem>>) src(%arg9 : memref<16x128xf32, #tpu.memory_space<vmem>>) dst(%dma_wait3A_249 : memref<10000x128xf32, #tpu.memory_space<vmem_shared>>)
      tpu.yield
    }) : () -> ()
    %barrier3A_226 = arith.constant 0 : index
    tpu.barrier barrier_id(%barrier3A_226)
    %lt3A_227 = arith.constant 15 : i32
    %lt3A_228 = arith.cmpi slt, %arg1, %lt3A_227 : i32
    %convert_element_type3A_229 = arith.extui %lt3A_228 : i1 to i32
    %cond3A_230 = arith.constant 0 : i32
    %cond3A_231 = arith.cmpi ne, %convert_element_type3A_229, %cond3A_230 : i32
    scf.if %cond3A_231 {
      %mul3A_237 = arith.constant 624 : i32
      %mul3A_238 = arith.muli %arg1, %mul3A_237 : i32
      %mul3A_239 = arith.constant 624 : i32
      %mul3A_240 = arith.muli %arg1, %mul3A_239 : i32
      "tpu.region"() ({
        %run_scoped3A_241 = tpu.sem_alloc : memref<!tpu.dma_semaphore, #tpu.memory_space<semaphore_mem>>
        %dma_start3A_242 = arith.constant 0 : i32
        %dma_start3A_243 = tpu.memref_slice %arg5[%arg0, %mul3A_240, %dma_start3A_242] : memref<2x10000x128xf32, #tpu.memory_space<hbm>> -> memref<1x624x128xf32, #tpu.memory_space<hbm>>
        %dma_start3A_244 = tpu.memref_squeeze %dma_start3A_243 : memref<1x624x128xf32, #tpu.memory_space<hbm>> -> memref<624x128xf32, #tpu.memory_space<hbm>>
        %dma_start3A_245 = arith.constant 0 : i32
        %dma_start3A_246 = tpu.memref_slice %arg10[%mul3A_238, %dma_start3A_245] : memref<10000x128xf32, #tpu.memory_space<vmem_shared>> -> memref<624x128xf32, #tpu.memory_space<vmem_shared>>
        tpu.enqueue_dma source(%dma_start3A_246 : memref<624x128xf32, #tpu.memory_space<vmem_shared>>) target(%dma_start3A_244 : memref<624x128xf32, #tpu.memory_space<hbm>>) target_semaphore(%run_scoped3A_241 : memref<!tpu.dma_semaphore, #tpu.memory_space<semaphore_mem>>)
        %dma_wait3A_247 = arith.constant 0 : i32
        %dma_wait3A_248 = tpu.memref_slice %arg5[%arg0, %mul3A_240, %dma_wait3A_247] : memref<2x10000x128xf32, #tpu.memory_space<hbm>> -> memref<1x624x128xf32, #tpu.memory_space<hbm>>
        %dma_wait3A_249 = tpu.memref_squeeze %dma_wait3A_248 : memref<1x624x128xf32, #tpu.memory_space<hbm>> -> memref<624x128xf32, #tpu.memory_space<hbm>>
        %dma_wait3A_250 = arith.constant 0 : i32
        %dma_wait3A_251 = tpu.memref_slice %arg10[%mul3A_238, %dma_wait3A_250] : memref<10000x128xf32, #tpu.memory_space<vmem_shared>> -> memref<624x128xf32, #tpu.memory_space<vmem_shared>>
        tpu.wait_dma2 semaphore(%run_scoped3A_241 : memref<!tpu.dma_semaphore, #tpu.memory_space<semaphore_mem>>) src(%dma_wait3A_251 : memref<624x128xf32, #tpu.memory_space<vmem_shared>>) dst(%dma_wait3A_249 : memref<624x128xf32, #tpu.memory_space<hbm>>)
        tpu.yield
      }) : () -> ()
    } else {
    }
    %eq3A_232 = arith.constant 15 : i32
    %eq3A_233 = arith.cmpi eq, %arg1, %eq3A_232 : i32
    %convert_element_type3A_234 = arith.extui %eq3A_233 : i1 to i32
    %cond3A_235 = arith.constant 0 : i32
    %cond3A_236 = arith.cmpi ne, %convert_element_type3A_234, %cond3A_235 : i32
    scf.if %cond3A_236 {
      "tpu.region"() ({
        %run_scoped3A_237 = tpu.sem_alloc : memref<!tpu.dma_semaphore, #tpu.memory_space<semaphore_mem>>
        %dma_start3A_238 = arith.constant 9360 : i32
        %dma_start3A_239 = arith.constant 0 : i32
        %dma_start3A_240 = tpu.memref_slice %arg5[%arg0, %dma_start3A_238, %dma_start3A_239] : memref<2x10000x128xf32, #tpu.memory_space<hbm>> -> memref<1x640x128xf32, #tpu.memory_space<hbm>>
        %dma_start3A_241 = tpu.memref_squeeze %dma_start3A_240 : memref<1x640x128xf32, #tpu.memory_space<hbm>> -> memref<640x128xf32, #tpu.memory_space<hbm>>
        %dma_start3A_242 = arith.constant 9360 : i32
        %dma_start3A_243 = arith.constant 0 : i32
        %dma_start3A_244 = tpu.memref_slice %arg10[%dma_start3A_242, %dma_start3A_243] : memref<10000x128xf32, #tpu.memory_space<vmem_shared>> -> memref<640x128xf32, #tpu.memory_space<vmem_shared>>
        tpu.enqueue_dma source(%dma_start3A_244 : memref<640x128xf32, #tpu.memory_space<vmem_shared>>) target(%dma_start3A_241 : memref<640x128xf32, #tpu.memory_space<hbm>>) target_semaphore(%run_scoped3A_237 : memref<!tpu.dma_semaphore, #tpu.memory_space<semaphore_mem>>)
        %dma_wait3A_245 = arith.constant 9360 : i32
        %dma_wait3A_246 = arith.constant 0 : i32
        %dma_wait3A_247 = tpu.memref_slice %arg5[%arg0, %dma_wait3A_245, %dma_wait3A_246] : memref<2x10000x128xf32, #tpu.memory_space<hbm>> -> memref<1x640x128xf32, #tpu.memory_space<hbm>>
        %dma_wait3A_248 = tpu.memref_squeeze %dma_wait3A_247 : memref<1x640x128xf32, #tpu.memory_space<hbm>> -> memref<640x128xf32, #tpu.memory_space<hbm>>
        %dma_wait3A_249 = arith.constant 9360 : i32
        %dma_wait3A_250 = arith.constant 0 : i32
        %dma_wait3A_251 = tpu.memref_slice %arg10[%dma_wait3A_249, %dma_wait3A_250] : memref<10000x128xf32, #tpu.memory_space<vmem_shared>> -> memref<640x128xf32, #tpu.memory_space<vmem_shared>>
        tpu.wait_dma2 semaphore(%run_scoped3A_237 : memref<!tpu.dma_semaphore, #tpu.memory_space<semaphore_mem>>) src(%dma_wait3A_251 : memref<640x128xf32, #tpu.memory_space<vmem_shared>>) dst(%dma_wait3A_248 : memref<640x128xf32, #tpu.memory_space<hbm>>)
        tpu.yield
      }) : () -> ()
    } else {
    }
    return
  }
}

module attributes {stable_mosaic.version = 14 : i64} {
  func.func @_tc_mm1_body(%arg0: i32, %arg1: memref<2000x128xf32, #tpu.memory_space<vmem>>, %arg2: memref<128x128xf32, #tpu.memory_space<vmem>>, %arg3: memref<1x1x2000xf32, #tpu.memory_space<vmem>>, %arg4: memref<1x1x2000xf32, #tpu.memory_space<vmem>>, %arg5: memref<2000x128xf32, #tpu.memory_space<vmem>>) attributes {dimension_semantics = [#tpu.dimension_semantics<arbitrary>], iteration_bounds = array<i64: 5>, scalar_prefetch = 0 : i64, scratch_operands = 0 : i64, tpu.core_type = #tpu.core_type<tc>, window_params = [{transform_indices = @transform_0, window_bounds = array<i64: 2000, 128>}, {pipeline_mode = #tpu.pipeline_mode<synchronous>, transform_indices = @transform_1, window_bounds = array<i64: 128, 128>}, {transform_indices = @transform_2, window_bounds = array<i64: 1, 1, 2000>}, {transform_indices = @transform_3, window_bounds = array<i64: 1, 1, 2000>}, {transform_indices = @transform_4, window_bounds = array<i64: 2000, 128>}]} {
    %get3A = arith.constant 0 : index
    %get3A_0 = arith.constant 0 : index
    %get3A_1 = arith.constant 0 : index
    %get3A_2 = vector.load %arg3[%get3A, %get3A_0, %get3A_1] : memref<1x1x2000xf32, #tpu.memory_space<vmem>>, vector<1x1x2000xf32>
    %get3A_3 = vector.shape_cast %get3A_2 : vector<1x1x2000xf32> to vector<2000xf32>
    %get3A_4 = arith.constant 0 : index
    %get3A_5 = arith.constant 0 : index
    %get3A_6 = arith.constant 0 : index
    %get3A_7 = vector.load %arg4[%get3A_4, %get3A_5, %get3A_6] : memref<1x1x2000xf32, #tpu.memory_space<vmem>>, vector<1x1x2000xf32>
    %get3A_8 = vector.shape_cast %get3A_7 : vector<1x1x2000xf32> to vector<2000xf32>
    %add3A = arith.addf %get3A_3, %get3A_8 : vector<2000xf32>
    %add3A_9 = arith.constant 1.000000e+00 : f32
    %add3A_10 = vector.broadcast %add3A_9 : f32 to vector<2000xf32>
    %add3A_11 = arith.addf %add3A, %add3A_10 : vector<2000xf32>
    %rsqrt3A = math.rsqrt %add3A_11 : vector<2000xf32>
    %get3A_12 = arith.constant 0 : index
    %get3A_13 = arith.constant 0 : index
    %get3A_14 = vector.load %arg1[%get3A_12, %get3A_13] : memref<2000x128xf32, #tpu.memory_space<vmem>>, vector<2000x128xf32>
    %get3A_15 = arith.constant 0 : index
    %get3A_16 = arith.constant 0 : index
    %get3A_17 = vector.load %arg2[%get3A_15, %get3A_16] : memref<128x128xf32, #tpu.memory_space<vmem>>, vector<128x128xf32>
    %dot_general3A = arith.constant dense<0.000000e+00> : vector<2000x128xf32>
    %dot_general3A_18 = tpu.matmul %get3A_14, %get3A_17, %dot_general3A {dimension_numbers = #tpu.dot_dimension_numbers<[1], [0], [0], [1], [0, 0, 1, 1], [], []>, transpose_lhs_hint = false} : vector<2000x128xf32>, vector<128x128xf32>, vector<2000x128xf32> -> vector<2000x128xf32>
    %broadcast_in_dim3A = vector.shape_cast %rsqrt3A : vector<2000xf32> to vector<2000x1xf32>
    %mul3A = vector.broadcast %broadcast_in_dim3A : vector<2000x1xf32> to vector<2000x128xf32>
    %mul3A_19 = arith.mulf %dot_general3A_18, %mul3A : vector<2000x128xf32>
    %swap3A = arith.constant 0 : index
    %swap3A_20 = arith.constant 0 : index
    %swap3A_21 = vector.load %arg5[%swap3A, %swap3A_20] : memref<2000x128xf32, #tpu.memory_space<vmem>>, vector<2000x128xf32>
    tpu.vector_store %arg5[%swap3A, %swap3A_20], %mul3A_19 {strides = array<i32>} : memref<2000x128xf32, #tpu.memory_space<vmem>>, vector<2000x128xf32>,
    return
  }
  func.func @transform_0(%arg0: i32) -> (i32, i32) {
    %c0_i32 = arith.constant 0 : i32
    %c0_i32_0 = arith.constant 0 : i32
    return %arg0, %c0_i32 : i32, i32
  }
  func.func @transform_1(%arg0: i32) -> (i32, i32) {
    %c0_i32 = arith.constant 0 : i32
    %c0_i32_0 = arith.constant 0 : i32
    %c0_i32_1 = arith.constant 0 : i32
    return %c0_i32, %c0_i32_0 : i32, i32
  }
  func.func @transform_2(%arg0: i32) -> (i32, i32, i32) {
    %c0_i32 = arith.constant 0 : i32
    %c0_i32_0 = arith.constant 0 : i32
    %c0_i32_1 = arith.constant 0 : i32
    return %arg0, %c0_i32, %c0_i32_0 : i32, i32, i32
  }
  func.func @transform_3(%arg0: i32) -> (i32, i32, i32) {
    %c0_i32 = arith.constant 0 : i32
    %c0_i32_0 = arith.constant 0 : i32
    %c0_i32_1 = arith.constant 0 : i32
    return %arg0, %c0_i32, %c0_i32_0 : i32, i32, i32
  }
  func.func @transform_4(%arg0: i32) -> (i32, i32) {
    %c0_i32 = arith.constant 0 : i32
    %c0_i32_0 = arith.constant 0 : i32
    return %arg0, %c0_i32 : i32, i32
  }
}

module attributes {stable_mosaic.version = 14 : i64} {
  func.func @_tc_mid_body(%arg0: i32, %arg1: memref<1x2000x128xf32, #tpu.memory_space<vmem>>, %arg2: memref<1x2000x128xf32, #tpu.memory_space<vmem>>, %arg3: memref<2000x128xf32, #tpu.memory_space<vmem>>, %arg4: memref<1x1x2000xf32, #tpu.memory_space<vmem>>, %arg5: memref<1x1x2000xf32, #tpu.memory_space<vmem>>, %arg6: memref<1x128xf32, #tpu.memory_space<vmem>>, %arg7: memref<128x128xf32, #tpu.memory_space<vmem>>, %arg8: memref<2000x128xf32, #tpu.memory_space<vmem>>) attributes {dimension_semantics = [#tpu.dimension_semantics<arbitrary>], iteration_bounds = array<i64: 5>, scalar_prefetch = 0 : i64, scratch_operands = 0 : i64, tpu.core_type = #tpu.core_type<tc>, window_params = [{transform_indices = @transform_0, window_bounds = array<i64: 1, 2000, 128>}, {transform_indices = @transform_1, window_bounds = array<i64: 1, 2000, 128>}, {transform_indices = @transform_2, window_bounds = array<i64: 2000, 128>}, {transform_indices = @transform_3, window_bounds = array<i64: 1, 1, 2000>}, {transform_indices = @transform_4, window_bounds = array<i64: 1, 1, 2000>}, {pipeline_mode = #tpu.pipeline_mode<synchronous>, transform_indices = @transform_5, window_bounds = array<i64: 1, 128>}, {pipeline_mode = #tpu.pipeline_mode<synchronous>, transform_indices = @transform_6, window_bounds = array<i64: 128, 128>}, {transform_indices = @transform_7, window_bounds = array<i64: 2000, 128>}]} {
    %get3A = arith.constant 0 : index
    %get3A_0 = arith.constant 0 : index
    %get3A_1 = arith.constant 0 : index
    %get3A_2 = vector.load %arg4[%get3A, %get3A_0, %get3A_1] : memref<1x1x2000xf32, #tpu.memory_space<vmem>>, vector<1x1x2000xf32>
    %get3A_3 = vector.shape_cast %get3A_2 : vector<1x1x2000xf32> to vector<2000xf32>
    %get3A_4 = arith.constant 0 : index
    %get3A_5 = arith.constant 0 : index
    %get3A_6 = arith.constant 0 : index
    %get3A_7 = vector.load %arg5[%get3A_4, %get3A_5, %get3A_6] : memref<1x1x2000xf32, #tpu.memory_space<vmem>>, vector<1x1x2000xf32>
    %get3A_8 = vector.shape_cast %get3A_7 : vector<1x1x2000xf32> to vector<2000xf32>
    %add3A = arith.addf %get3A_3, %get3A_8 : vector<2000xf32>
    %add3A_9 = arith.constant 1.000000e+00 : f32
    %add3A_10 = vector.broadcast %add3A_9 : f32 to vector<2000xf32>
    %add3A_11 = arith.addf %add3A, %add3A_10 : vector<2000xf32>
    %rsqrt3A = math.rsqrt %add3A_11 : vector<2000xf32>
    %get3A_12 = arith.constant 0 : index
    %get3A_13 = arith.constant 0 : index
    %get3A_14 = arith.constant 0 : index
    %get3A_15 = vector.load %arg1[%get3A_12, %get3A_13, %get3A_14] : memref<1x2000x128xf32, #tpu.memory_space<vmem>>, vector<1x2000x128xf32>
    %get3A_16 = vector.shape_cast %get3A_15 : vector<1x2000x128xf32> to vector<2000x128xf32>
    %get3A_17 = arith.constant 0 : index
    %get3A_18 = arith.constant 0 : index
    %get3A_19 = arith.constant 0 : index
    %get3A_20 = vector.load %arg2[%get3A_17, %get3A_18, %get3A_19] : memref<1x2000x128xf32, #tpu.memory_space<vmem>>, vector<1x2000x128xf32>
    %get3A_21 = vector.shape_cast %get3A_20 : vector<1x2000x128xf32> to vector<2000x128xf32>
    %add3A_22 = arith.addf %get3A_16, %get3A_21 : vector<2000x128xf32>
    %get3A_23 = arith.constant 0 : index
    %get3A_24 = arith.constant 0 : index
    %get3A_25 = vector.load %arg3[%get3A_23, %get3A_24] : memref<2000x128xf32, #tpu.memory_space<vmem>>, vector<2000x128xf32>
    %add3A_26 = arith.addf %add3A_22, %get3A_25 : vector<2000x128xf32>
    %broadcast_in_dim3A = vector.shape_cast %rsqrt3A : vector<2000xf32> to vector<2000x1xf32>
    %mul3A = vector.broadcast %broadcast_in_dim3A : vector<2000x1xf32> to vector<2000x128xf32>
    %mul3A_27 = arith.mulf %add3A_26, %mul3A : vector<2000x128xf32>
    %get3A_28 = arith.constant 0 : index
    %get3A_29 = arith.constant 0 : index
    %get3A_30 = vector.load %arg6[%get3A_28, %get3A_29] : memref<1x128xf32, #tpu.memory_space<vmem>>, vector<1x128xf32>
    %add3A_31 = vector.broadcast %get3A_30 : vector<1x128xf32> to vector<2000x128xf32>
    %add3A_32 = arith.addf %mul3A_27, %add3A_31 : vector<2000x128xf32>
    %max3A = arith.constant 0.000000e+00 : f32
    %max3A_33 = vector.broadcast %max3A : f32 to vector<2000x128xf32>
    %max3A_34 = arith.maximumf %add3A_32, %max3A_33 : vector<2000x128xf32>
    %get3A_35 = arith.constant 0 : index
    %get3A_36 = arith.constant 0 : index
    %get3A_37 = vector.load %arg7[%get3A_35, %get3A_36] : memref<128x128xf32, #tpu.memory_space<vmem>>, vector<128x128xf32>
    %dot_general3A = arith.constant dense<0.000000e+00> : vector<2000x128xf32>
    %dot_general3A_38 = tpu.matmul %max3A_34, %get3A_37, %dot_general3A {dimension_numbers = #tpu.dot_dimension_numbers<[1], [0], [0], [1], [0, 0, 1, 1], [], []>, transpose_lhs_hint = false} : vector<2000x128xf32>, vector<128x128xf32>, vector<2000x128xf32> -> vector<2000x128xf32>
    %broadcast_in_dim3A_39 = vector.shape_cast %rsqrt3A : vector<2000xf32> to vector<2000x1xf32>
    %mul3A_40 = vector.broadcast %broadcast_in_dim3A_39 : vector<2000x1xf32> to vector<2000x128xf32>
    %mul3A_41 = arith.mulf %dot_general3A_38, %mul3A_40 : vector<2000x128xf32>
    %swap3A = arith.constant 0 : index
    %swap3A_42 = arith.constant 0 : index
    %swap3A_43 = vector.load %arg8[%swap3A, %swap3A_42] : memref<2000x128xf32, #tpu.memory_space<vmem>>, vector<2000x128xf32>
    tpu.vector_store %arg8[%swap3A, %swap3A_42], %mul3A_41 {strides = array<i32>} : memref<2000x128xf32, #tpu.memory_space<vmem>>, vector<2000x128xf32>,
    return
  }
  func.func @transform_0(%arg0: i32) -> (i32, i32, i32) {
    %c0_i32 = arith.constant 0 : i32
    %c0_i32_0 = arith.constant 0 : i32
    %c0_i32_1 = arith.constant 0 : i32
    return %arg0, %c0_i32, %c0_i32_0 : i32, i32, i32
  }
  func.func @transform_1(%arg0: i32) -> (i32, i32, i32) {
    %c0_i32 = arith.constant 0 : i32
    %c0_i32_0 = arith.constant 0 : i32
    %c0_i32_1 = arith.constant 0 : i32
    return %arg0, %c0_i32, %c0_i32_0 : i32, i32, i32
  }
  func.func @transform_2(%arg0: i32) -> (i32, i32) {
    %c0_i32 = arith.constant 0 : i32
    %c0_i32_0 = arith.constant 0 : i32
    return %arg0, %c0_i32 : i32, i32
  }
  func.func @transform_3(%arg0: i32) -> (i32, i32, i32) {
    %c0_i32 = arith.constant 0 : i32
    %c0_i32_0 = arith.constant 0 : i32
    %c0_i32_1 = arith.constant 0 : i32
    return %arg0, %c0_i32, %c0_i32_0 : i32, i32, i32
  }
  func.func @transform_4(%arg0: i32) -> (i32, i32, i32) {
    %c0_i32 = arith.constant 0 : i32
    %c0_i32_0 = arith.constant 0 : i32
    %c0_i32_1 = arith.constant 0 : i32
    return %arg0, %c0_i32, %c0_i32_0 : i32, i32, i32
  }
  func.func @transform_5(%arg0: i32) -> (i32, i32) {
    %c0_i32 = arith.constant 0 : i32
    %c0_i32_0 = arith.constant 0 : i32
    %c0_i32_1 = arith.constant 0 : i32
    return %c0_i32, %c0_i32_0 : i32, i32
  }
  func.func @transform_6(%arg0: i32) -> (i32, i32) {
    %c0_i32 = arith.constant 0 : i32
    %c0_i32_0 = arith.constant 0 : i32
    %c0_i32_1 = arith.constant 0 : i32
    return %c0_i32, %c0_i32_0 : i32, i32
  }
  func.func @transform_7(%arg0: i32) -> (i32, i32) {
    %c0_i32 = arith.constant 0 : i32
    %c0_i32_0 = arith.constant 0 : i32
    return %arg0, %c0_i32 : i32, i32
  }
}

module attributes {stable_mosaic.version = 14 : i64} {
  func.func @_tc_pool_body(%arg0: i32, %arg1: memref<1x2000x128xf32, #tpu.memory_space<vmem>>, %arg2: memref<1x2000x128xf32, #tpu.memory_space<vmem>>, %arg3: memref<2000x128xf32, #tpu.memory_space<vmem>>, %arg4: memref<1x1x2000xf32, #tpu.memory_space<vmem>>, %arg5: memref<1x1x2000xf32, #tpu.memory_space<vmem>>, %arg6: memref<1x128xf32, #tpu.memory_space<vmem>>, %arg7: memref<1x1x2000xi32, #tpu.memory_space<vmem>>, %arg8: memref<16x128xf32, #tpu.memory_space<vmem>>, %arg9: memref<16x128xf32, #tpu.memory_space<vmem>>, %arg10: memref<16x128xf32, #tpu.memory_space<vmem>>) attributes {dimension_semantics = [#tpu.dimension_semantics<arbitrary>], iteration_bounds = array<i64: 5>, scalar_prefetch = 0 : i64, scratch_operands = 2 : i64, tpu.core_type = #tpu.core_type<tc>, window_params = [{transform_indices = @transform_0, window_bounds = array<i64: 1, 2000, 128>}, {transform_indices = @transform_1, window_bounds = array<i64: 1, 2000, 128>}, {transform_indices = @transform_2, window_bounds = array<i64: 2000, 128>}, {transform_indices = @transform_3, window_bounds = array<i64: 1, 1, 2000>}, {transform_indices = @transform_4, window_bounds = array<i64: 1, 1, 2000>}, {pipeline_mode = #tpu.pipeline_mode<synchronous>, transform_indices = @transform_5, window_bounds = array<i64: 1, 128>}, {transform_indices = @transform_6, window_bounds = array<i64: 1, 1, 2000>}, {pipeline_mode = #tpu.pipeline_mode<synchronous>, transform_indices = @transform_7, window_bounds = array<i64: 16, 128>}]} {
    %eq3A = arith.constant 0 : i32
    %eq3A_0 = arith.cmpi eq, %arg0, %eq3A : i32
    %convert_element_type3A = arith.extui %eq3A_0 : i1 to i32
    %cond3A = arith.constant 0 : i32
    %cond3A_1 = arith.cmpi ne, %convert_element_type3A, %cond3A : i32
    scf.if %cond3A_1 {
      %broadcast_in_dim3A_67 = arith.constant 0.000000e+00 : f32
      %broadcast_in_dim3A_68 = vector.broadcast %broadcast_in_dim3A_67 : f32 to vector<16x128xf32>
      %swap3A_69 = arith.constant 0 : index
      %swap3A_70 = arith.constant 0 : index
      %swap3A_71 = vector.load %arg9[%swap3A_69, %swap3A_70] : memref<16x128xf32, #tpu.memory_space<vmem>>, vector<16x128xf32>
      tpu.vector_store %arg9[%swap3A_69, %swap3A_70], %broadcast_in_dim3A_68 {strides = array<i32>} : memref<16x128xf32, #tpu.memory_space<vmem>>, vector<16x128xf32>,
      %broadcast_in_dim3A_72 = arith.constant 0.000000e+00 : f32
      %broadcast_in_dim3A_73 = vector.broadcast %broadcast_in_dim3A_72 : f32 to vector<16x128xf32>
      %swap3A_74 = arith.constant 0 : index
      %swap3A_75 = arith.constant 0 : index
      %swap3A_76 = vector.load %arg10[%swap3A_74, %swap3A_75] : memref<16x128xf32, #tpu.memory_space<vmem>>, vector<16x128xf32>
      tpu.vector_store %arg10[%swap3A_74, %swap3A_75], %broadcast_in_dim3A_73 {strides = array<i32>} : memref<16x128xf32, #tpu.memory_space<vmem>>, vector<16x128xf32>,
    } else {
    }
    %get3A = arith.constant 0 : index
    %get3A_2 = arith.constant 0 : index
    %get3A_3 = arith.constant 0 : index
    %get3A_4 = vector.load %arg4[%get3A, %get3A_2, %get3A_3] : memref<1x1x2000xf32, #tpu.memory_space<vmem>>, vector<1x1x2000xf32>
    %get3A_5 = vector.shape_cast %get3A_4 : vector<1x1x2000xf32> to vector<2000xf32>
    %get3A_6 = arith.constant 0 : index
    %get3A_7 = arith.constant 0 : index
    %get3A_8 = arith.constant 0 : index
    %get3A_9 = vector.load %arg5[%get3A_6, %get3A_7, %get3A_8] : memref<1x1x2000xf32, #tpu.memory_space<vmem>>, vector<1x1x2000xf32>
    %get3A_10 = vector.shape_cast %get3A_9 : vector<1x1x2000xf32> to vector<2000xf32>
    %add3A = arith.addf %get3A_5, %get3A_10 : vector<2000xf32>
    %add3A_11 = arith.constant 1.000000e+00 : f32
    %add3A_12 = vector.broadcast %add3A_11 : f32 to vector<2000xf32>
    %add3A_13 = arith.addf %add3A, %add3A_12 : vector<2000xf32>
    %rsqrt3A = math.rsqrt %add3A_13 : vector<2000xf32>
    %get3A_14 = arith.constant 0 : index
    %get3A_15 = arith.constant 0 : index
    %get3A_16 = arith.constant 0 : index
    %get3A_17 = vector.load %arg1[%get3A_14, %get3A_15, %get3A_16] : memref<1x2000x128xf32, #tpu.memory_space<vmem>>, vector<1x2000x128xf32>
    %get3A_18 = vector.shape_cast %get3A_17 : vector<1x2000x128xf32> to vector<2000x128xf32>
    %get3A_19 = arith.constant 0 : index
    %get3A_20 = arith.constant 0 : index
    %get3A_21 = arith.constant 0 : index
    %get3A_22 = vector.load %arg2[%get3A_19, %get3A_20, %get3A_21] : memref<1x2000x128xf32, #tpu.memory_space<vmem>>, vector<1x2000x128xf32>
    %get3A_23 = vector.shape_cast %get3A_22 : vector<1x2000x128xf32> to vector<2000x128xf32>
    %add3A_24 = arith.addf %get3A_18, %get3A_23 : vector<2000x128xf32>
    %get3A_25 = arith.constant 0 : index
    %get3A_26 = arith.constant 0 : index
    %get3A_27 = vector.load %arg3[%get3A_25, %get3A_26] : memref<2000x128xf32, #tpu.memory_space<vmem>>, vector<2000x128xf32>
    %add3A_28 = arith.addf %add3A_24, %get3A_27 : vector<2000x128xf32>
    %broadcast_in_dim3A = vector.shape_cast %rsqrt3A : vector<2000xf32> to vector<2000x1xf32>
    %mul3A = vector.broadcast %broadcast_in_dim3A : vector<2000x1xf32> to vector<2000x128xf32>
    %mul3A_29 = arith.mulf %add3A_28, %mul3A : vector<2000x128xf32>
    %get3A_30 = arith.constant 0 : index
    %get3A_31 = arith.constant 0 : index
    %get3A_32 = vector.load %arg6[%get3A_30, %get3A_31] : memref<1x128xf32, #tpu.memory_space<vmem>>, vector<1x128xf32>
    %add3A_33 = vector.broadcast %get3A_32 : vector<1x128xf32> to vector<2000x128xf32>
    %add3A_34 = arith.addf %mul3A_29, %add3A_33 : vector<2000x128xf32>
    %get3A_35 = arith.constant 0 : index
    %get3A_36 = arith.constant 0 : index
    %get3A_37 = arith.constant 0 : index
    %get3A_38 = vector.load %arg7[%get3A_35, %get3A_36, %get3A_37] : memref<1x1x2000xi32, #tpu.memory_space<vmem>>, vector<1x1x2000xi32>
    %get3A_39 = vector.shape_cast %get3A_38 : vector<1x1x2000xi32> to vector<2000xi32>
    %broadcast_in_dim3A_40 = vector.shape_cast %get3A_39 : vector<2000xi32> to vector<2000x1xi32>
    %iota3A = tpu.iota {dimensions = array<i32: 1>} : vector<2000x16xi32>
    %eq3A_41 = vector.broadcast %broadcast_in_dim3A_40 : vector<2000x1xi32> to vector<2000x16xi32>
    %eq3A_42 = arith.cmpi eq, %eq3A_41, %iota3A : vector<2000x16xi32>
    %convert_element_type3A_43 = arith.extui %eq3A_42 : vector<2000x16xi1> to vector<2000x16xi32>
    %convert_element_type3A_44 = arith.sitofp %convert_element_type3A_43 : vector<2000x16xi32> to vector<2000x16xf32>
    %get3A_45 = arith.constant 0 : index
    %get3A_46 = arith.constant 0 : index
    %get3A_47 = vector.load %arg9[%get3A_45, %get3A_46] : memref<16x128xf32, #tpu.memory_space<vmem>>, vector<16x128xf32>
    %dot_general3A = arith.constant dense<0.000000e+00> : vector<16x128xf32>
    %dot_general3A_48 = tpu.matmul %convert_element_type3A_44, %add3A_34, %dot_general3A {dimension_numbers = #tpu.dot_dimension_numbers<[0], [0], [1], [1], [0, 1, 1, 1], [], []>, transpose_lhs_hint = false} : vector<2000x16xf32>, vector<2000x128xf32>, vector<16x128xf32> -> vector<16x128xf32>
    %add3A_49 = arith.addf %get3A_47, %dot_general3A_48 : vector<16x128xf32>
    %swap3A = arith.constant 0 : index
    %swap3A_50 = arith.constant 0 : index
    %swap3A_51 = vector.load %arg9[%swap3A, %swap3A_50] : memref<16x128xf32, #tpu.memory_space<vmem>>, vector<16x128xf32>
    tpu.vector_store %arg9[%swap3A, %swap3A_50], %add3A_49 {strides = array<i32>} : memref<16x128xf32, #tpu.memory_space<vmem>>, vector<16x128xf32>,
    %get3A_52 = arith.constant 0 : index
    %get3A_53 = arith.constant 0 : index
    %get3A_54 = vector.load %arg10[%get3A_52, %get3A_53] : memref<16x128xf32, #tpu.memory_space<vmem>>, vector<16x128xf32>
    %reduce_sum3A = arith.constant dense<0.000000e+00> : vector<16xf32>
    %reduce_sum3A_55 = vector.multi_reduction <add>, %convert_element_type3A_44, %reduce_sum3A [0] : vector<2000x16xf32> to vector<16xf32>
    %broadcast_in_dim3A_56 = vector.shape_cast %reduce_sum3A_55 : vector<16xf32> to vector<16x1xf32>
    %add3A_57 = vector.broadcast %broadcast_in_dim3A_56 : vector<16x1xf32> to vector<16x128xf32>
    %add3A_58 = arith.addf %get3A_54, %add3A_57 : vector<16x128xf32>
    %swap3A_59 = arith.constant 0 : index
    %swap3A_60 = arith.constant 0 : index
    %swap3A_61 = vector.load %arg10[%swap3A_59, %swap3A_60] : memref<16x128xf32, #tpu.memory_space<vmem>>, vector<16x128xf32>
    tpu.vector_store %arg10[%swap3A_59, %swap3A_60], %add3A_58 {strides = array<i32>} : memref<16x128xf32, #tpu.memory_space<vmem>>, vector<16x128xf32>,
    %eq3A_62 = arith.constant 4 : i32
    %eq3A_63 = arith.cmpi eq, %arg0, %eq3A_62 : i32
    %convert_element_type3A_64 = arith.extui %eq3A_63 : i1 to i32
    %cond3A_65 = arith.constant 0 : i32
    %cond3A_66 = arith.cmpi ne, %convert_element_type3A_64, %cond3A_65 : i32
    scf.if %cond3A_66 {
      %get3A_67 = arith.constant 0 : index
      %get3A_68 = arith.constant 0 : index
      %get3A_69 = vector.load %arg9[%get3A_67, %get3A_68] : memref<16x128xf32, #tpu.memory_space<vmem>>, vector<16x128xf32>
      %get3A_70 = arith.constant 0 : index
      %get3A_71 = arith.constant 0 : index
      %get3A_72 = vector.load %arg10[%get3A_70, %get3A_71] : memref<16x128xf32, #tpu.memory_space<vmem>>, vector<16x128xf32>
      %max3A = arith.constant 1.000000e+00 : f32
      %max3A_73 = vector.broadcast %max3A : f32 to vector<16x128xf32>
      %max3A_74 = arith.maximumf %get3A_72, %max3A_73 : vector<16x128xf32>
      %div3A = arith.divf %get3A_69, %max3A_74 : vector<16x128xf32>
      %swap3A_75 = arith.constant 0 : index
      %swap3A_76 = arith.constant 0 : index
      %swap3A_77 = vector.load %arg8[%swap3A_75, %swap3A_76] : memref<16x128xf32, #tpu.memory_space<vmem>>, vector<16x128xf32>
      tpu.vector_store %arg8[%swap3A_75, %swap3A_76], %div3A {strides = array<i32>} : memref<16x128xf32, #tpu.memory_space<vmem>>, vector<16x128xf32>,
    } else {
    }
    return
  }
  func.func @transform_0(%arg0: i32) -> (i32, i32, i32) {
    %c0_i32 = arith.constant 0 : i32
    %c0_i32_0 = arith.constant 0 : i32
    %c0_i32_1 = arith.constant 0 : i32
    return %arg0, %c0_i32, %c0_i32_0 : i32, i32, i32
  }
  func.func @transform_1(%arg0: i32) -> (i32, i32, i32) {
    %c0_i32 = arith.constant 0 : i32
    %c0_i32_0 = arith.constant 0 : i32
    %c0_i32_1 = arith.constant 0 : i32
    return %arg0, %c0_i32, %c0_i32_0 : i32, i32, i32
  }
  func.func @transform_2(%arg0: i32) -> (i32, i32) {
    %c0_i32 = arith.constant 0 : i32
    %c0_i32_0 = arith.constant 0 : i32
    return %arg0, %c0_i32 : i32, i32
  }
  func.func @transform_3(%arg0: i32) -> (i32, i32, i32) {
    %c0_i32 = arith.constant 0 : i32
    %c0_i32_0 = arith.constant 0 : i32
    %c0_i32_1 = arith.constant 0 : i32
    return %arg0, %c0_i32, %c0_i32_0 : i32, i32, i32
  }
  func.func @transform_4(%arg0: i32) -> (i32, i32, i32) {
    %c0_i32 = arith.constant 0 : i32
    %c0_i32_0 = arith.constant 0 : i32
    %c0_i32_1 = arith.constant 0 : i32
    return %arg0, %c0_i32, %c0_i32_0 : i32, i32, i32
  }
  func.func @transform_5(%arg0: i32) -> (i32, i32) {
    %c0_i32 = arith.constant 0 : i32
    %c0_i32_0 = arith.constant 0 : i32
    %c0_i32_1 = arith.constant 0 : i32
    return %c0_i32, %c0_i32_0 : i32, i32
  }
  func.func @transform_6(%arg0: i32) -> (i32, i32, i32) {
    %c0_i32 = arith.constant 0 : i32
    %c0_i32_0 = arith.constant 0 : i32
    %c0_i32_1 = arith.constant 0 : i32
    return %arg0, %c0_i32, %c0_i32_0 : i32, i32, i32
  }
  func.func @transform_7(%arg0: i32) -> (i32, i32) {
    %c0_i32 = arith.constant 0 : i32
    %c0_i32_0 = arith.constant 0 : i32
    %c0_i32_1 = arith.constant 0 : i32
    return %c0_i32, %c0_i32_0 : i32, i32
  }
}

</mosaic_0001>

<sc_bundles>
// kernel: kernel.11.cloned.1.call-start
scs
__scs_entry_jumppad:
0x0: {  	(pc) =	sbr.rel $0x88, $3  }
0x1: {  	(tag) =	ssettag $0x0;
	lr =	simm.s32 $0x1  }
0x2: {  	[smem:$0x3F9A] =	sst lr;
	_ =	strace $0xD0000000  }
0x3: {  	_ = 	snop  }
0x4: {  	_ = 	snop  }
0x5: {  	_ = 	snop  }
0x6: {  	_ = 	snop  }
0x7: {  	_ = 	snop  }
__scs_overlays_trampoline_lowered:
0x8: {  	[smem:$0x3FA9] =	sst s0  }
0x9: {  	[smem:$0x3FAA] =	sst s1  }
0xa: {  	[smem:$0x3FAB] =	sst s2  }
0xb: {  	[smem:$0x3FAC] =	sst s3  }
0xc: {  	[smem:$0x3FAD] =	sst s4  }
0xd: {  	[smem:$0x3FAE] =	sst s5  }
0xe: {  	[smem:$0x3FAF] =	sst s6  }
0xf: {  	[smem:$0x3FB0] =	sst s7  }
0x10: {  	[smem:$0x3FB1] =	sst s8  }
0x11: {  	[smem:$0x3FB2] =	sst s9;
	s0 =	simm.s32 @!p0 $0x0  }
0x12: {  	s1 =	sld [smem:$0x3F98];
	s0 =	simm.s32 @p0 $0x1  }
0x13: {  	[smem:$0x3FB3] =	sst s0;
	s0 =	simm.s32 @!p1 $0x0  }
0x14: {  	s2 =	sld [smem:$0x3F97];
	s0 =	simm.s32 @p1 $0x1  }
0x15: {  	[smem:$0x3FB4] =	sst s0;
	s0 =	simm.s32 @!p2 $0x0  }
0x16: {  	s3 =	sld [smem:$0x3FDB];
	s0 =	simm.s32 @p2 $0x1  }
0x17: {  	s4 =	simm.s32 $0x1BF5;
	[smem:$0x3FB6] =	sst s0  }
0x18: {  	s0 =	sld [smem:$0x3F99];
	_ =	swait.ge [sflag:s4], $0x0  }
0x19: {  	s7 =	sld [smem:$0x3F9A]  }
0x1a: {  	s8 =	sadd.s32 $0xFFFFE003, lr  }
0x1b: {  	s9 =	sadd.s32 $0xFFFFFEF7, lr;
	s5 =	simm.s32 $0xFFFFFFFF;
	p2 =	slt.u32 s8, $0xFFFFF086  }
0x1c: {  	p1 =	slt.u32 s9, $0xF7A;
	s5 =	simm.s32 @!p2 $0x0  }
0x1d: {  	s5 =	simm.s32 @p1 $0x1;
	p0 =	seq.s32 s7, s2  }
0x1e: {  	s7 =	smul.u32 @!p0 $0xF7A, s2;
	p2 =	seq.s32 @!p0 s5, $0x0  }
0x1f: {  	s9 =	smul.u32 $0xF7A, s1;
	s8 =	simm.s32 @!p0 $0x1BF5;
	p2 =	por !p2, p0  }
0x20: {  	[sflag:s8] =	ssyncset.s32 @!p0 $0xFFFFF086;
	s6 =	sadd.s32 @!p0 s3, s7;
	s7 =	simm.s32 @!p0 $0x108  }
0x21: {  	s3 =	sadd.s32 s3, s9;
	s6 =	sadd.s32 @!p0 $0x88, s6;
	s7 =	simm.s32 @p2 $0x1082  }
0x22: {  	[simem:s7], [sflag:s8] =	dma.local @!p0 [hbm:s6], $0xF7A  }
0x23: {  	s9 =	sor.u32 $0xD0000000, s2;
	s6 =	simm.s32 $0x108;
	_ =	swait.ge @!p0 [sflag:s8], $0x0  }
0x24: {  	s3 =	sadd.s32 $0x88, s3;
	s6 =	simm.s32 @!p1 $0x1082;
	[sflag:s4] =	ssyncset.s32 $0xFFFFF086  }
0x25: {  	[simem:s6], [sflag:s4] =	dma.local [hbm:s3], $0xF7A  }
0x26: {  	[smem:$0x3F9A] =	sst s1;
	(tag) =	ssettag s2;
	_ =	strace s9  }
0x27: {  	s1 =	sld [smem:$0x3FAA]  }
0x28: {  	s2 =	sld [smem:$0x3FAB]  }
0x29: {  	s4 =	sld [smem:$0x3FAD]  }
0x2a: {  	p0 =	seq.s32 s5, $0x0;
	s5 =	sld [smem:$0x3FAE]  }
0x2b: {  	s6 =	sld [smem:$0x3FAF]  }
0x2c: {  	s7 =	sld [smem:$0x3FB0]  }
0x2d: {  	s3 =	simm.s32 $0x108;
	s8 =	sld [smem:$0x3FB1]  }
0x2e: {  	s3 =	simm.s32 @!p0 $0x1082;
	s9 =	sld [smem:$0x3FB2]  }
0x2f: {  	lr =	sadd.s32 s0, s3;
	s0 =	sld [smem:$0x3FA9]  }
0x30: {  	s3 =	sld [smem:$0x3FAC]  }
0x31: {  	[smem:$0x3FB5] =	sst s10  }
0x32: {  	s10 =	sld [smem:$0x3FB3];
	_ =	sdelay $0x3  }
0x33: {  	p0 =	seq.s32 s10, $0x1;
	s10 =	sld [smem:$0x3FB5];
	_ =	sdelay $0x3  }
0x34: {  	[smem:$0x3FB5] =	sst s10  }
0x35: {  	s10 =	sld [smem:$0x3FB4];
	_ =	sdelay $0x3  }
0x36: {  	p1 =	seq.s32 s10, $0x1;
	s10 =	sld [smem:$0x3FB5];
	_ =	sdelay $0x3  }
0x37: {  	[smem:$0x3FB5] =	sst s10  }
0x38: {  	s10 =	sld [smem:$0x3FB6]  }
0x39: {  	_ = 	snop;
	(pc) =	sbr.ind lr, $3  }
0x3a: {  	_ = 	snop  }
0x3b: {  	_ = 	snop  }
0x3c: {  	p2 =	seq.s32 s10, $0x1;
	s10 =	sld [smem:$0x3FB5]  }
0x3d: {  	_ =	shalt  }
0x3e: {  	_ =	shalt  }
0x3f: {  	_ =	shalt  }
0x40: {  	_ =	shalt  }
0x41: {  	_ =	shalt  }
0x42: {  	_ =	shalt  }
0x43: {  	_ =	shalt  }
0x44: {  	_ =	shalt  }
0x45: {  	_ =	shalt  }
0x46: {  	_ =	shalt  }
0x47: {  	_ =	shalt  }
0x48: {  	_ =	shalt  }
0x49: {  	_ =	shalt  }
0x4a: {  	_ =	shalt  }
0x4b: {  	_ =	shalt  }
0x4c: {  	_ =	shalt  }
0x4d: {  	_ =	shalt  }
0x4e: {  	_ =	shalt  }
0x4f: {  	_ =	shalt  }
0x50: {  	_ =	shalt  }
0x51: {  	_ =	shalt  }
0x52: {  	_ =	shalt  }
0x53: {  	_ =	shalt  }
0x54: {  	_ =	shalt  }
0x55: {  	_ =	shalt  }
0x56: {  	_ =	shalt  }
0x57: {  	_ =	shalt  }
0x58: {  	_ =	shalt  }
0x59: {  	_ =	shalt  }
0x5a: {  	_ =	shalt  }
0x5b: {  	_ =	shalt  }
0x5c: {  	_ =	shalt  }
0x5d: {  	_ =	shalt  }
0x5e: {  	_ =	shalt  }
0x5f: {  	_ =	shalt  }
0x60: {  	_ =	shalt  }
0x61: {  	_ =	shalt  }
0x62: {  	_ =	shalt  }
0x63: {  	_ =	shalt  }
0x64: {  	_ =	shalt  }
0x65: {  	_ =	shalt  }
0x66: {  	_ =	shalt  }
0x67: {  	_ =	shalt  }
0x68: {  	_ =	shalt  }
0x69: {  	_ =	shalt  }
0x6a: {  	_ =	shalt  }
0x6b: {  	_ =	shalt  }
0x6c: {  	_ =	shalt  }
0x6d: {  	_ =	shalt  }
0x6e: {  	_ =	shalt  }
0x6f: {  	_ =	shalt  }
0x70: {  	_ =	shalt  }
0x71: {  	_ =	shalt  }
0x72: {  	_ =	shalt  }
0x73: {  	_ =	shalt  }
0x74: {  	_ =	shalt  }
0x75: {  	_ =	shalt  }
0x76: {  	_ =	shalt  }
0x77: {  	_ =	shalt  }
0x78: {  	_ =	shalt  }
0x79: {  	_ =	shalt  }
0x7a: {  	_ =	shalt  }
0x7b: {  	_ =	shalt  }
0x7c: {  	_ =	shalt  }
0x7d: {  	_ =	shalt  }
0x7e: {  	_ =	shalt  }
0x7f: {  	_ =	shalt  }
0x80: {  	_ =	shalt  }
0x81: {  	_ =	shalt  }
0x82: {  	_ =	shalt  }
0x83: {  	_ =	shalt  }
0x84: {  	_ =	shalt  }
0x85: {  	_ =	shalt  }
0x86: {  	_ =	shalt  }
0x87: {  	_ =	shalt  }
.Lfunc_end0:
.L_simem_size_0:
called_computation.1_lowered:
.L_overlay_start_0:
0x88: {  	s2 =	sld [smem:$0x3FD9]  }
0x89: {  	s3 =	sld [smem:$0x3FFE];
	_ =	sdelay $0x1  }
0x8a: {  	s1 =	srdreg.scid  }
0x8b: {  	s0 =	sand.u32 $0x1, s1  }
0x8c: {  	s16 =	sshll.u32 s0, $0xA;
	s2 =	sadd.s32 s3, s2  }
0x8d: {  	s2 =	sadd.s32 s2, s16  }
0x8e: {  	[smem:$0x3FC1] =	sst s2  }
0x8f: {  	_ = 	snop  }
0x90: {  	(tm) =	ssettm $0x1  }
0x91: {  	s17 =	sld [smem:$0x3FFB];
	_ =	sdelay $0x3  }
0x92: {  	_ =	strace s17  }
0x93: {  	s2 =	sld [smem:$0x3FFC];
	_ =	sdelay $0x3  }
0x94: {  	_ =	strace s2  }
0x95: {  	s2 =	sld [smem:$0x3FFD];
	_ =	sdelay $0x3  }
0x96: {  	_ =	strace s2  }
0x97: {  	_ =	strace $0x8FFFFFFF  }
0x98: {  	s18 =	sld [smem:$0x3FDB];
	_ =	sdelay $0x1  }
0x99: {  	s19 =	simm.s32 $_scs_section_size  }
0x9a: {  	s4 =	simm.s32 $_size__tile_overlayer_lowered;
	s5 =	simm.s32 $_tile_overlayer_lowered  }
0x9b: {  	s22 =	simm.s32 $0x1BFF;
	s21 =	sshll.u32 s5, $0x1;
	s2 =	sadd.s32 s19, s18  }
0x9c: {  	s6 =	simm.s32 $0x0;
	s20 =	sshll.u32 s4, $0x1;
	s4 =	sadd.s32 s21, s2  }
0x9d: {  	[timem:s6], [sflag:s22] =	dma.local [hbm:s4], s20  }
0x9e: {  	_ =	swait.ge [sflag:s22], s20  }
0x9f: {  	s3 =	ssub.s32 $0x0, s20;
	[sflag:s22] =	ssyncset.done $0x0  }
0xa0: {  	[sflag:s22] =	ssyncadd.s32 s3;
	_ =	sdelay $0x1  }
0xa1: {  	s23 =	simm.s32 $0x1B8B  }
0xa2: {  	_ =	swait.ge [sflag:s23], $0x1  }
0xa3: {  	[sflag:s23] =	ssyncset.done $0x0  }
0xa4: {  	s25 =	simm.s32 $0x1B8E;
	s24 =	sld [smem:$0x3FFE];
	[sflag:s23] =	ssyncadd.s32 $0xFFFFFFFF  }
0xa5: {  	s26 =	simm.s32 $execute0_lowered;
	[smem:$0x3FD2] =	sst s25  }
0xa6: {  	s4 =	sshll.u32 s26, $0x1;
	_ =	strace $0x80000049;
	[dreg:$0x1] =	wrdreg $0xFFFFFFFF  }
0xa7: {  	s28 =	simm.s32 $_size_execute0_lowered;
	s2 =	sadd.s32 s2, s4;
	[dreg:$0x0] =	wrdreg $0x0  }
0xa8: {  	s4 =	sshll.u32 s28, $0x1;
	[dreg:$0x2] =	wrdreg s2  }
0xa9: {  	[dreg:$0x3] =	wrdreg s4  }
0xaa: {  	[dreg:$0x4] =	wrdreg $0xC0  }
0xab: {  	_ =	task [dreg:s6], $0x5FFFF  }
0xac: {  	[dreg:$0x1] =	wrdreg $0xFFFFFFFF  }
0xad: {  	[dreg:$0x0] =	wrdreg $0x60  }
0xae: {  	[dreg:$0x2] =	wrdreg s24  }
0xaf: {  	[dreg:$0x3] =	wrdreg $0x8D000  }
0xb0: {  	[dreg:$0x4] =	wrdreg $0x9  }
0xb1: {  	_ =	task.clear_ibuf [dreg:s6], $0x5FFFF;
	_ =	strace $0x90000049  }
0xb2: {  	s29 =	simm.s32 $0x9;
	_ =	strace $0x8000004B  }
0xb3: {  	_ =	swait.ge [sflag:s29], $0x1  }
0xb4: {  	[sflag:s29] =	ssyncadd.s32 $0xFFFFFFFF  }
0xb5: {  	_ =	strace $0x9000004B  }
0xb6: {  	_ =	sfence  }
0xb7: {  	s30 =	sld [smem:$0x0];
	_ =	sdelay $0x2  }
0xb8: {  	s31 =	sshll.u32 s1, $0xD;
	s1 =	sshrl.u32 s1, $0x2  }
0xb9: {  	s3 =	sand.u32 $0x4000, s31;
	s1 =	sadd.s32 s1, s30  }
0xba: {  	s0 =	sor.u32 s3, s0;
	s1 =	sshll.u32 s1, $0x11  }
0xbb: {  	s0 =	sor.u32 s1, s0  }
0xbc: {  	s0 =	sadd.s32 $0x8F2B, s0  }
0xbd: {  	[sflag:s0] =	ssyncadd.remote.s32 $0x1  }
0xbe: {  	_ =	sfence.sel $0xFFFF  }
0xbf: {  	[dreg:$0x0] =	wrdreg $0xFFFFFFFF;
	(pc) =	sbr.abs _section_cstart, $3  }
0xc0: {  	[dreg:$0x1] =	wrdreg $0xFFFFFFFF  }
0xc1: {  	_ =	task.clear_ibuf [dreg:s6], $0x2FFFF;
	_ =	strace $0x9FFFFFFF  }
0xc2: {  	(tm) =	ssettm $0x7FFFFFFF  }
0xc3: {  	_ =	shalt  }
tec
execute0_lowered:
.L_overlay_start_1:
0x0: {  	(tag) =	ssettag $0x1  }
0x1: {  	s0 =	rddreg [dreg:$0x0]  }
0x2: {  	s1 =	rddreg [dreg:$0x1]  }
0x3: {  	s2 =	srdreg.scid;
	s3 =	simm.s32 $0x0;
	s12 =	stileid.u32  }
0x4: {  	s29 =	simm.s32 $0x3;
	s30 =	simm.s32 $0x500;
	s31 =	simm.s32 $0x1  }
0x5: {  	s28 =	simm.s32 $0x8;
	s2 =	sand.u32 $0x1, s2;
	[smem:$0x7FF] =	sst s3  }
0x6: {  	s18 =	sshll.u32 s12, $0x7;
	s7 =	sadd.s32 $0xD600, s0;
	s25 =	smul.u32 $0x4E000, s12  }
0x7: {  	s15 =	smul.u32 $0x13800, s12;
	s16 =	sadd.s32 $0x124800, s1;
	s4 =	sshll.u32 s2, $0x4  }
0x8: {  	p0 =	seq.s32 s12, $0xF;
	_ =	strace $0x8000004A;
	s4 =	sor.u32 s12, s4  }
0x9: {  	s8 =	ssub.s32 $0x2, s2;
	s2 =	smul.u32 $0x138800, s2;
	s5 =	sshrl.u32 s4, $0x3  }
0xa: {  	s9 =	sand.u32 $0x380, s18;
	s10 =	sshrl.u32 s8, $0x1;
	s6 =	smul.u32 $0x13C00, s5  }
0xb: {  	[dreg:$0xa] =	wrdreg s16;
	s4 =	sadd.s32 $0x21200, s0;
	s8 =	ssub.s32 s8, s10  }
0xc: {  	s5 =	sadd.s32 $0x2A00, s0;
	s0 =	sadd.s32 $0x48400, s0;
	s6 =	sor.u32 s9, s6  }
0xd: {  	s9 =	sshrl.u32 s6, $0x3;
	s19 =	sadd.s32 $0x4F000, s6;
	s20 =	sadd.s32 $0x400, s6  }
0xe: {  	s11 =	sadd.s32 $0x4F400, s6;
	s23 =	sadd.s32 $0x800, s6;
	s24 =	sadd.s32 $0x4F800, s6  }
0xf: {  	s18 =	sadd.s32 $0x62800, s6;
	s13 =	sadd.s32 s7, s9;
	s9 =	sshrl.u32 s19, $0x3  }
0x10: {  	s10 =	sshrl.u32 s20, $0x3;
	s22 =	sshrl.u32 s11, $0x3;
	s11 =	sadd.s32 $0x13800, s6  }
0x11: {  	s19 =	sadd.s32 s15, s2;
	s2 =	sshrl.u32 s2, $0x3;
	s14 =	sadd.s32 s7, s9  }
0x12: {  	s21 =	sadd.s32 s7, s10;
	s9 =	sadd.s32 s7, s22;
	[dreg:$0x3] =	wrdreg s13  }
0x13: {  	s10 =	sshrl.u32 s24, $0x3;
	s17 =	sshrl.u32 s11, $0x3;
	[dreg:$0x5] =	wrdreg s21  }
0x14: {  	s22 =	sadd.s32 $0x50000, s6;
	s24 =	sadd.s32 $0x1000, s6;
	[dreg:$0x6] =	wrdreg s9  }
0x15: {  	s6 =	simm.s32 $0x10;
	s26 =	sadd.s32 s7, s10;
	[dreg:$0x4] =	wrdreg s14  }
0x16: {  	s9 =	sshrl.u32 s23, $0x3;
	s21 =	smax.u32 s8, $0x1;
	[dreg:$0x8] =	wrdreg s26  }
0x17: {  	s10 =	sshrl.u32 s25, $0x2;
	s23 =	sadd.s32 $0x180, s13;
	[dreg:$0xf] =	wrdreg s21  }
0x18: {  	s25 =	sadd.s32 $0x180, s14;
	s8 =	simm.s32 $0x8500;
	[dreg:$0x10] =	wrdreg s23  }
0x19: {  	s9 =	sadd.s32 s7, s9;
	[dreg:$0x11] =	wrdreg s25;
	s26 =	sshrl.u32 s24, $0x3  }
0x1a: {  	s23 =	simm.s32 $0x80;
	s24 =	simm.s32 $0x100;
	s25 =	simm.s32 $0x480  }
0x1b: {  	[dreg:$0x7] =	wrdreg s9;
	s9 =	sadd.s32 s10, s1;
	s10 =	sshrl.u32 s19, $0x3  }
0x1c: {  	s14 =	sadd.s32 s26, s7;
	[dreg:$0x9] =	wrdreg s9;
	s9 =	sadd.s32 s7, s17  }
0x1d: {  	s20 =	sadd.s32 s0, s10;
	s0 =	sadd.s32 s0, s2;
	[dreg:$0xb] =	wrdreg s9  }
0x1e: {  	s9 =	sshrl.u32 s18, $0x3;
	[dreg:$0xd] =	wrdreg s20;
	s0 =	sadd.s32 $0x24900, s0  }
0x1f: {  	s26 =	simm.s32 $0x7;
	s9 =	sadd.s32 s7, s9;
	[dreg:$0xe] =	wrdreg s0  }
0x20: {  	s2 =	simm.s32 $0x9;
	s0 =	sshrl.u32 s22, $0x3;
	[dreg:$0xc] =	wrdreg s9  }
0x21: {  	s15 =	sadd.s32 s0, s7;
	s0 =	simm.s32 $0x400;
	s9 =	simm.s32 $0x0  }
.LBB2_1:
0x22: {  	s7 =	rddreg [dreg:$0x3]  }
0x23: {  	s11 =	rddreg [dreg:$0x4]  }
0x24: {  	s12 =	rddreg [dreg:$0x5]  }
0x25: {  	[tilespmem:s3], [sflag:$0x3] =	stream.linear.gather [hbm4b:s7+s3], $0x80, $0x38;
	[tilespmem:$0x1C580] =	vst v63  }
0x26: {  	s13 =	rddreg [dreg:$0x6]  }
0x27: {  	[tilespmem:s23], [sflag:$0x3] =	stream.linear.gather [hbm4b:s11+s3], $0x80, $0x38;
	[tilespmem:$0x1C580] =	vst v63  }
0x28: {  	s16 =	rddreg [dreg:$0x7]  }
0x29: {  	[tilespmem:s24], [sflag:$0x4] =	stream.linear.gather [hbm4b:s12+s3], $0x80, $0x38;
	[tilespmem:$0x1C580] =	vst v63  }
0x2a: {  	s10 =	simm.s32 $0x180;
	s18 =	rddreg [dreg:$0x8]  }
0x2b: {  	[tilespmem:s10], [sflag:$0x4] =	stream.linear.gather [hbm4b:s13+s3], $0x80, $0x38;
	[tilespmem:$0x1C580] =	vst v63  }
0x2c: {  	s17 =	simm.s32 $0x200;
	s7 =	rddreg [dreg:$0xa]  }
0x2d: {  	[tilespmem:s17], [sflag:$0x5] =	stream.linear.gather [hbm4b:s16+s3], $0x80, $0x38;
	[tilespmem:$0x1C580] =	vst v63  }
0x2e: {  	s19 =	simm.s32 $0x280;
	s7 =	sshrl.u32 @p0 s7, $0x3;
	s10 =	simm.s32 @p0 $0x1FC9  }
0x2f: {  	[tilespmem:s19], [sflag:$0x5] =	stream.linear.gather [hbm4b:s18+s3], $0x80, $0x38;
	[tilespmem:$0x1C580] =	vst v63  }
0x30: {  	[spmem:s7], [sflag:s10] =	dma.local @p0 [hbm:s5], $0x2800  }
0x31: {  	s10 =	simm.s32 @p0 $0x9  }
0x32: {  	s11 =	stileid.u32;
	_ =	swait.ge @p0 [sflag:s10], $0x2800  }
0x33: {  	s11 =	sshll.u32 @!p0 s11, $0x6;
	[sflag:s10] =	ssyncset.done @p0 $0x0  }
0x34: {  	[sflag:s10] =	ssyncadd.s32 @p0 $0xFFFFD800;
	s10 =	sor.u32 @!p0 $0x1C09, s11;
	s11 =	rddreg [dreg:$0x9]  }
0x35: {  	s12 =	simm.s32 @!p0 $0x9;
	s11 =	sshrl.u32 @!p0 s11, $0x3  }
0x36: {  	[spmem:s11], [sflag:s10] =	dma.local @!p0 [hbm:s5], $0x2700  }
0x37: {  	_ =	swait.ge @!p0 [sflag:s12], $0x2700  }
0x38: {  	[sflag:s12] =	ssyncset.done @!p0 $0x0  }
0x39: {  	[sflag:s12] =	ssyncadd.s32 @!p0 $0xFFFFD900  }
0x3a: {  	_ =	swait.ge [sflag:s29], $0x80  }
0x3b: {  	[sflag:s29] =	ssyncset.done $0x0  }
0x3c: {  	[sflag:s29] =	ssyncadd.s32 $0xFFFFFF80  }
0x3d: {  	_ =	swait.ge [sflag:s29], $0x80  }
0x3e: {  	[sflag:s29] =	ssyncset.done $0x0  }
0x3f: {  	[sflag:s29] =	ssyncadd.s32 $0xFFFFFF80  }
0x40: {  	[bflag:$0x0] =	sbarrier.arrive $0xFFFF  }
0x41: {  	[tilespmem:s30], [sflag:$0x1] =	stream.indirect.gather [hbm4b:s4+s23], $0x80, s3, s23, $0xb8;
	[tilespmem:$0x1C580] =	vst v63  }
0x42: {  	_ =	swait.ge [sflag:s31], $0x4000  }
0x43: {  	[sflag:s31] =	ssyncset.done $0x0  }
0x44: {  	s12 =	simm.s32 $0x4;
	[sflag:s31] =	ssyncadd.s32 $0xFFFFC000  }
0x45: {  	[spmem:s1] =	stream.indirect.scatter.add.f32 [tilespmem:s30], [sflag:$0x7], $0x80, s23, s23, $0xb8;
	[tilespmem:$0x1C580] =	vst v63  }
0x46: {  	_ =	swait.ge [sflag:s12], $0x80  }
0x47: {  	[sflag:s12] =	ssyncset.done $0x0  }
0x48: {  	[sflag:s12] =	ssyncadd.s32 $0xFFFFFF80  }
0x49: {  	_ =	swait.ge [sflag:s12], $0x80  }
0x4a: {  	[sflag:s12] =	ssyncset.done $0x0  }
0x4b: {  	s13 =	simm.s32 $0x4500;
	[sflag:s12] =	ssyncadd.s32 $0xFFFFFF80  }
0x4c: {  	[tilespmem:s13], [sflag:$0x2] =	stream.indirect.gather [hbm4b:s4+s23], $0x80, s24, s23, $0xb8;
	[tilespmem:$0x1C580] =	vst v63  }
0x4d: {  	s16 =	simm.s32 $0x300;
	s20 =	rddreg [dreg:$0x10]  }
0x4e: {  	[tilespmem:s16], [sflag:$0x6] =	stream.linear.gather [hbm4b:s20+s3], $0x80, $0x38;
	[tilespmem:$0x1C580] =	vst v63  }
0x4f: {  	s22 =	simm.s32 $0x380;
	s21 =	rddreg [dreg:$0x11]  }
0x50: {  	[tilespmem:s22], [sflag:$0x6] =	stream.linear.gather [hbm4b:s21+s3], $0x80, $0x38;
	[tilespmem:$0x1C580] =	vst v63  }
0x51: {  	s13 =	simm.s32 $0x400;
	s22 =	smov.u32 s14;
	s21 =	smov.u32 s15  }
.LBB2_2:
0x52: {  	s16 =	sadd.s32 $0xFFFFFFFD, s12  }
0x53: {  	s17 =	sand.u32 $0x1, s16  }
0x54: {  	s20 =	sand.u32 $0xC00, s13;
	s18 =	sadd.s32 $0x1, s17  }
0x55: {  	s20 =	sshrl.u32 s20, $0x2;
	_ =	swait.ge [sflag:s18], $0x4000  }
0x56: {  	s19 =	sshll.u32 s17, $0xE;
	s20 =	sor.u32 $0x80, s20;
	[sflag:s18] =	ssyncset.done $0x0  }
0x57: {  	s17 =	sadd.s32 $0x7, s17;
	s19 =	sor.u32 $0x500, s19;
	[sflag:s18] =	ssyncadd.s32 $0xFFFFC000  }
0x58: {  	[spmem:s1] =	stream.indirect.scatter.add.f32 [tilespmem:s19], [sflag:s17], $0x80, s20, s23, $0xb8;
	[tilespmem:$0x1C580] =	vst v63  }
0x59: {  	p1 =	seq.s32 s12, $0x50;
	s17 =	sadd.s32 $0xFFFFFFFE, s12  }
0x5a: {  	s18 =	sand.u32 @!p1 $0x1, s17  }
0x5b: {  	s19 =	sadd.s32 @!p1 $0x7, s18  }
0x5c: {  	_ =	swait.ge @!p1 [sflag:s19], $0x4000  }
0x5d: {  	s17 =	sand.u32 @!p1 $0x3, s17;
	[sflag:s19] =	ssyncset.done @!p1 $0x0  }
0x5e: {  	[sflag:s19] =	ssyncadd.s32 @!p1 $0xFFFFC000;
	s19 =	sadd.s32 @!p1 $0x3, s17  }
0x5f: {  	_ =	swait.ge @!p1 [sflag:s19], $0x80  }
0x60: {  	[sflag:s19] =	ssyncset.done @!p1 $0x0  }
0x61: {  	p2 =	sgt.u32 @!p1 s16, $0x4A;
	[sflag:s19] =	ssyncadd.s32 @!p1 $0xFFFFFF80  }
0x62: {  	p2 =	por p2, p1;
	_ =	swait.ge @!p1 [sflag:s19], $0x80  }
0x63: {  	s16 =	sand.u32 @!p2 $0x3, s12;
	[sflag:s19] =	ssyncset.done @!p1 $0x0  }
0x64: {  	s20 =	simm.s32 @!p1 $0x80;
	[sflag:s19] =	ssyncadd.s32 @!p1 $0xFFFFFF80;
	s19 =	sshll.u32 @!p1 s18, $0xE  }
0x65: {  	s17 =	sshll.u32 @!p1 s17, $0x8;
	s18 =	sadd.s32 @!p1 $0x1, s18;
	s19 =	sor.u32 @!p1 $0x500, s19  }
0x66: {  	[tilespmem:s19], [sflag:s18] =	stream.indirect.gather @!p1 [hbm4b:s4+s20], $0x80, s17, s20, $0xb8;
	[tilespmem:$0x1C580] =	vst v63  }
0x67: {  	s17 =	sadd.s32 @!p2 $0x3, s16;
	s16 =	sshll.u32 @!p2 s16, $0x8;
	s18 =	simm.s32 @!p2 $0x0  }
0x68: {  	[tilespmem:s16], [sflag:s17] =	stream.linear.gather @!p2 [hbm4b:s22+s18], $0x80, $0x38;
	[tilespmem:$0x1C580] =	vst v63  }
0x69: {  	s12 =	sadd.s32 @!p1 $0x1, s12;
	s16 =	sor.u32 @!p2 $0x80, s16  }
0x6a: {  	[tilespmem:s16], [sflag:s17] =	stream.linear.gather @!p2 [hbm4b:s21+s18], $0x80, $0x38;
	[tilespmem:$0x1C580] =	vst v63  }
0x6b: {  	p2 =	sne.s32 @!p1 s12, $0x51  }
0x6c: {  	p2 =	por p1, !p2  }
.Ltmp0:
0x6d: {  	_ = 	snop;
	(pc) =	sbr.rel @!p2 .LBB2_2-.Ltmp0, $2  }
0x6e: {  	_ =	sdelay $0x2  }
0x6f: {  	s13 =	sadd.s32 @!p1 $0x400, s13;
	s22 =	sadd.s32 @!p1 $0x80, s22;
	s21 =	sadd.s32 @!p1 $0x80, s21  }
0x70: {  	_ =	swait.ge [sflag:s26], $0x4000  }
0x71: {  	[sflag:s26] =	ssyncset.done $0x0  }
0x72: {  	[sflag:s26] =	ssyncadd.s32 $0xFFFFC000  }
0x73: {  	_ =	swait.ge [sflag:s28], $0x4000  }
0x74: {  	[sflag:s28] =	ssyncset.done $0x0  }
0x75: {  	s12 =	rddreg [dreg:$0xb];
	[sflag:s28] =	ssyncadd.s32 $0xFFFFC000  }
0x76: {  	[tilespmem:s0], [sflag:$0x9] =	stream.linear.gather [hbm4b:s12+s3], $0x80, $0x38;
	[tilespmem:$0x1C580] =	vst v63  }
0x77: {  	_ =	swait.ge [sflag:s2], $0x80  }
0x78: {  	[sflag:s2] =	ssyncset.done $0x0  }
0x79: {  	s21 =	rddreg [dreg:$0xc];
	[sflag:s2] =	ssyncadd.s32 $0xFFFFFF80  }
0x7a: {  	[tilespmem:s25], [sflag:$0x9] =	stream.linear.gather [hbm4b:s21+s3], $0x80, $0x38;
	[tilespmem:$0x1C580] =	vst v63  }
0x7b: {  	_ =	swait.ge [sflag:s2], $0x80  }
0x7c: {  	[sflag:s2] =	ssyncset.done $0x0  }
0x7d: {  	[sflag:s2] =	ssyncadd.s32 $0xFFFFFF80  }
0x7e: {  	[tilespmem:s8], [sflag:$0x1] =	stream.indirect.gather [hbm4b:s4+s6], $0x80, s0, s6, $0xb8;
	[tilespmem:$0x1C580] =	vst v63  }
0x7f: {  	_ =	swait.ge [sflag:s31], $0x800  }
0x80: {  	[sflag:s31] =	ssyncset.done $0x0  }
0x81: {  	[sflag:s31] =	ssyncadd.s32 $0xFFFFF800  }
0x82: {  	[spmem:s1] =	stream.indirect.scatter.add.f32 [tilespmem:s8], [sflag:$0x9], $0x80, s25, s6, $0xb8;
	[tilespmem:$0x1C580] =	vst v63  }
0x83: {  	_ =	swait.ge [sflag:s2], $0x800  }
0x84: {  	[sflag:s2] =	ssyncset.done $0x0  }
0x85: {  	[sflag:s2] =	ssyncadd.s32 $0xFFFFF800  }
0x86: {  	[bflag:$0x0] =	sbarrier.arrive $0xFFFF  }
0x87: {  	s12 =	simm.s32 @p0 $0x1FC9;
	s13 =	rddreg [dreg:$0xe]  }
0x88: {  	[hbm:s13], [sflag:s12] =	dma.local @p0 [spmem:s7], $0x2800  }
0x89: {  	s7 =	simm.s32 @p0 $0x9  }
0x8a: {  	_ =	swait.ge @p0 [sflag:s7], $0x2800  }
0x8b: {  	[sflag:s7] =	ssyncset.done @p0 $0x0  }
0x8c: {  	[sflag:s7] =	ssyncadd.s32 @p0 $0xFFFFD800;
	s7 =	rddreg [dreg:$0xd]  }
0x8d: {  	[hbm:s7], [sflag:s10] =	dma.local @!p0 [spmem:s11], $0x2700  }
0x8e: {  	s7 =	simm.s32 @!p0 $0x9  }
0x8f: {  	_ =	swait.ge @!p0 [sflag:s7], $0x2700  }
0x90: {  	s9 =	sadd.s32 $0x1, s9;
	s22 =	rddreg [dreg:$0xf]  }
0x91: {  	p1 =	sne.s32 s9, s22  }
.Ltmp1:
0x92: {  	_ = 	snop;
	(pc) =	sbr.rel @p1 .LBB2_1-.Ltmp1, $3  }
0x93: {  	_ =	sdelay $0x1  }
0x94: {  	[sflag:s7] =	ssyncset.done @!p0 $0x0  }
0x95: {  	[sflag:s7] =	ssyncadd.s32 @!p0 $0xFFFFD900  }
0x96: {  	_ =	sfence.sel $0x180000  }
0x97: {  	[bflag:$0x0] =	sbarrier.arrive $0xFFFF  }
0x98: {  	_ =	strace $0x9000004A  }
0x99: {  	s0 =	stileid.u32;
	[bflag:$0x2] =	sbarrier.arrive $0xFFFF  }
0x9a: {  	p0 =	sne.s32 s0, $0x0;
	s0 =	rddreg [dreg:$0x2]  }
0x9b: {  	s0 =	sadd.s32 @!p0 $0x100000, s0  }
0x9c: {  	[sflag:s0] =	ssyncadd.tile.s32 @!p0 $0x1;
	_ =	shalt  }
.Lfunc_end2:
_tile_overlayer_lowered:
.L_overlay_start_2:
0x9d: {  	(tag) =	ssettag $0x2  }
0x9e: {  	s0 =	rddreg [dreg:$0x0];
	s2 =	stileid.u32  }
0x9f: {  	s1 =	rddreg [dreg:$0x1];
	p0 =	sne.s32 s2, $0x0  }
0xa0: {  	s3 =	rddreg [dreg:$0x2];
	[bflag:$0x3] =	sbarrier.arrive $0xFFFF;
	s2 =	simm.s32 @!p0 $0x1C09  }
0xa1: {  	[timem:s3], [sflag:s2] =	dma.local @!p0 [hbm:s0], s1  }
0xa2: {  	s0 =	simm.s32 @!p0 $0x9  }
0xa3: {  	_ =	swait.ge @!p0 [sflag:s0], s1  }
0xa4: {  	s1 =	ssub.s32 @!p0 $0x0, s1;
	[sflag:s0] =	ssyncset.done @!p0 $0x0  }
0xa5: {  	[sflag:s0] =	ssyncadd.s32 @!p0 s1  }
0xa6: {  	[bflag:$0x3] =	sbarrier.arrive $0xFFFF  }
0xa7: {  	_ =	shalt  }

// kernel: kernel.14.cloned.1.call-start
scs
__scs_entry_jumppad:
0x0: {  	(pc) =	sbr.rel $0x88, $3  }
0x1: {  	(tag) =	ssettag $0x0;
	lr =	simm.s32 $0x1  }
0x2: {  	[smem:$0x3F9A] =	sst lr;
	_ =	strace $0xD0000000  }
0x3: {  	_ = 	snop  }
0x4: {  	_ = 	snop  }
0x5: {  	_ = 	snop  }
0x6: {  	_ = 	snop  }
0x7: {  	_ = 	snop  }
__scs_overlays_trampoline_lowered:
0x8: {  	[smem:$0x3FA9] =	sst s0  }
0x9: {  	[smem:$0x3FAA] =	sst s1  }
0xa: {  	[smem:$0x3FAB] =	sst s2  }
0xb: {  	[smem:$0x3FAC] =	sst s3  }
0xc: {  	[smem:$0x3FAD] =	sst s4  }
0xd: {  	[smem:$0x3FAE] =	sst s5  }
0xe: {  	[smem:$0x3FAF] =	sst s6  }
0xf: {  	[smem:$0x3FB0] =	sst s7  }
0x10: {  	[smem:$0x3FB1] =	sst s8  }
0x11: {  	[smem:$0x3FB2] =	sst s9;
	s0 =	simm.s32 @!p0 $0x0  }
0x12: {  	s1 =	sld [smem:$0x3F98];
	s0 =	simm.s32 @p0 $0x1  }
0x13: {  	[smem:$0x3FB3] =	sst s0;
	s0 =	simm.s32 @!p1 $0x0  }
0x14: {  	s2 =	sld [smem:$0x3F97];
	s0 =	simm.s32 @p1 $0x1  }
0x15: {  	[smem:$0x3FB4] =	sst s0;
	s0 =	simm.s32 @!p2 $0x0  }
0x16: {  	s3 =	sld [smem:$0x3FDB];
	s0 =	simm.s32 @p2 $0x1  }
0x17: {  	s4 =	simm.s32 $0x1BF5;
	[smem:$0x3FB6] =	sst s0  }
0x18: {  	s0 =	sld [smem:$0x3F99];
	_ =	swait.ge [sflag:s4], $0x0  }
0x19: {  	s7 =	sld [smem:$0x3F9A]  }
0x1a: {  	s8 =	sadd.s32 $0xFFFFE003, lr  }
0x1b: {  	s9 =	sadd.s32 $0xFFFFFEF7, lr;
	s5 =	simm.s32 $0xFFFFFFFF;
	p2 =	slt.u32 s8, $0xFFFFF086  }
0x1c: {  	p1 =	slt.u32 s9, $0xF7A;
	s5 =	simm.s32 @!p2 $0x0  }
0x1d: {  	s5 =	simm.s32 @p1 $0x1;
	p0 =	seq.s32 s7, s2  }
0x1e: {  	s7 =	smul.u32 @!p0 $0xF7A, s2;
	p2 =	seq.s32 @!p0 s5, $0x0  }
0x1f: {  	s9 =	smul.u32 $0xF7A, s1;
	s8 =	simm.s32 @!p0 $0x1BF5;
	p2 =	por !p2, p0  }
0x20: {  	[sflag:s8] =	ssyncset.s32 @!p0 $0xFFFFF086;
	s6 =	sadd.s32 @!p0 s3, s7;
	s7 =	simm.s32 @!p0 $0x108  }
0x21: {  	s3 =	sadd.s32 s3, s9;
	s6 =	sadd.s32 @!p0 $0x88, s6;
	s7 =	simm.s32 @p2 $0x1082  }
0x22: {  	[simem:s7], [sflag:s8] =	dma.local @!p0 [hbm:s6], $0xF7A  }
0x23: {  	s9 =	sor.u32 $0xD0000000, s2;
	s6 =	simm.s32 $0x108;
	_ =	swait.ge @!p0 [sflag:s8], $0x0  }
0x24: {  	s3 =	sadd.s32 $0x88, s3;
	s6 =	simm.s32 @!p1 $0x1082;
	[sflag:s4] =	ssyncset.s32 $0xFFFFF086  }
0x25: {  	[simem:s6], [sflag:s4] =	dma.local [hbm:s3], $0xF7A  }
0x26: {  	[smem:$0x3F9A] =	sst s1;
	(tag) =	ssettag s2;
	_ =	strace s9  }
0x27: {  	s1 =	sld [smem:$0x3FAA]  }
0x28: {  	s2 =	sld [smem:$0x3FAB]  }
0x29: {  	s4 =	sld [smem:$0x3FAD]  }
0x2a: {  	p0 =	seq.s32 s5, $0x0;
	s5 =	sld [smem:$0x3FAE]  }
0x2b: {  	s6 =	sld [smem:$0x3FAF]  }
0x2c: {  	s7 =	sld [smem:$0x3FB0]  }
0x2d: {  	s3 =	simm.s32 $0x108;
	s8 =	sld [smem:$0x3FB1]  }
0x2e: {  	s3 =	simm.s32 @!p0 $0x1082;
	s9 =	sld [smem:$0x3FB2]  }
0x2f: {  	lr =	sadd.s32 s0, s3;
	s0 =	sld [smem:$0x3FA9]  }
0x30: {  	s3 =	sld [smem:$0x3FAC]  }
0x31: {  	[smem:$0x3FB5] =	sst s10  }
0x32: {  	s10 =	sld [smem:$0x3FB3];
	_ =	sdelay $0x3  }
0x33: {  	p0 =	seq.s32 s10, $0x1;
	s10 =	sld [smem:$0x3FB5];
	_ =	sdelay $0x3  }
0x34: {  	[smem:$0x3FB5] =	sst s10  }
0x35: {  	s10 =	sld [smem:$0x3FB4];
	_ =	sdelay $0x3  }
0x36: {  	p1 =	seq.s32 s10, $0x1;
	s10 =	sld [smem:$0x3FB5];
	_ =	sdelay $0x3  }
0x37: {  	[smem:$0x3FB5] =	sst s10  }
0x38: {  	s10 =	sld [smem:$0x3FB6]  }
0x39: {  	_ = 	snop;
	(pc) =	sbr.ind lr, $3  }
0x3a: {  	_ = 	snop  }
0x3b: {  	_ = 	snop  }
0x3c: {  	p2 =	seq.s32 s10, $0x1;
	s10 =	sld [smem:$0x3FB5]  }
0x3d: {  	_ =	shalt  }
0x3e: {  	_ =	shalt  }
0x3f: {  	_ =	shalt  }
0x40: {  	_ =	shalt  }
0x41: {  	_ =	shalt  }
0x42: {  	_ =	shalt  }
0x43: {  	_ =	shalt  }
0x44: {  	_ =	shalt  }
0x45: {  	_ =	shalt  }
0x46: {  	_ =	shalt  }
0x47: {  	_ =	shalt  }
0x48: {  	_ =	shalt  }
0x49: {  	_ =	shalt  }
0x4a: {  	_ =	shalt  }
0x4b: {  	_ =	shalt  }
0x4c: {  	_ =	shalt  }
0x4d: {  	_ =	shalt  }
0x4e: {  	_ =	shalt  }
0x4f: {  	_ =	shalt  }
0x50: {  	_ =	shalt  }
0x51: {  	_ =	shalt  }
0x52: {  	_ =	shalt  }
0x53: {  	_ =	shalt  }
0x54: {  	_ =	shalt  }
0x55: {  	_ =	shalt  }
0x56: {  	_ =	shalt  }
0x57: {  	_ =	shalt  }
0x58: {  	_ =	shalt  }
0x59: {  	_ =	shalt  }
0x5a: {  	_ =	shalt  }
0x5b: {  	_ =	shalt  }
0x5c: {  	_ =	shalt  }
0x5d: {  	_ =	shalt  }
0x5e: {  	_ =	shalt  }
0x5f: {  	_ =	shalt  }
0x60: {  	_ =	shalt  }
0x61: {  	_ =	shalt  }
0x62: {  	_ =	shalt  }
0x63: {  	_ =	shalt  }
0x64: {  	_ =	shalt  }
0x65: {  	_ =	shalt  }
0x66: {  	_ =	shalt  }
0x67: {  	_ =	shalt  }
0x68: {  	_ =	shalt  }
0x69: {  	_ =	shalt  }
0x6a: {  	_ =	shalt  }
0x6b: {  	_ =	shalt  }
0x6c: {  	_ =	shalt  }
0x6d: {  	_ =	shalt  }
0x6e: {  	_ =	shalt  }
0x6f: {  	_ =	shalt  }
0x70: {  	_ =	shalt  }
0x71: {  	_ =	shalt  }
0x72: {  	_ =	shalt  }
0x73: {  	_ =	shalt  }
0x74: {  	_ =	shalt  }
0x75: {  	_ =	shalt  }
0x76: {  	_ =	shalt  }
0x77: {  	_ =	shalt  }
0x78: {  	_ =	shalt  }
0x79: {  	_ =	shalt  }
0x7a: {  	_ =	shalt  }
0x7b: {  	_ =	shalt  }
0x7c: {  	_ =	shalt  }
0x7d: {  	_ =	shalt  }
0x7e: {  	_ =	shalt  }
0x7f: {  	_ =	shalt  }
0x80: {  	_ =	shalt  }
0x81: {  	_ =	shalt  }
0x82: {  	_ =	shalt  }
0x83: {  	_ =	shalt  }
0x84: {  	_ =	shalt  }
0x85: {  	_ =	shalt  }
0x86: {  	_ =	shalt  }
0x87: {  	_ =	shalt  }
.Lfunc_end0:
.L_simem_size_0:
called_computation.2_lowered:
.L_overlay_start_0:
0x88: {  	s2 =	sld [smem:$0x3FD9]  }
0x89: {  	s3 =	sld [smem:$0x3FFE];
	_ =	sdelay $0x1  }
0x8a: {  	s1 =	srdreg.scid  }
0x8b: {  	s0 =	sand.u32 $0x1, s1  }
0x8c: {  	s16 =	sshll.u32 s0, $0xA;
	s2 =	sadd.s32 s3, s2  }
0x8d: {  	s2 =	sadd.s32 s2, s16  }
0x8e: {  	[smem:$0x3FC1] =	sst s2  }
0x8f: {  	_ = 	snop  }
0x90: {  	(tm) =	ssettm $0x1  }
0x91: {  	s17 =	sld [smem:$0x3FFB];
	_ =	sdelay $0x3  }
0x92: {  	_ =	strace s17  }
0x93: {  	s2 =	sld [smem:$0x3FFC];
	_ =	sdelay $0x3  }
0x94: {  	_ =	strace s2  }
0x95: {  	s2 =	sld [smem:$0x3FFD];
	_ =	sdelay $0x3  }
0x96: {  	_ =	strace s2  }
0x97: {  	_ =	strace $0x8FFFFFFF  }
0x98: {  	s18 =	sld [smem:$0x3FDB];
	_ =	sdelay $0x1  }
0x99: {  	s19 =	simm.s32 $_scs_section_size  }
0x9a: {  	s4 =	simm.s32 $_size__tile_overlayer_lowered;
	s5 =	simm.s32 $_tile_overlayer_lowered  }
0x9b: {  	s22 =	simm.s32 $0x1BFF;
	s21 =	sshll.u32 s5, $0x1;
	s2 =	sadd.s32 s19, s18  }
0x9c: {  	s6 =	simm.s32 $0x0;
	s20 =	sshll.u32 s4, $0x1;
	s4 =	sadd.s32 s21, s2  }
0x9d: {  	[timem:s6], [sflag:s22] =	dma.local [hbm:s4], s20  }
0x9e: {  	_ =	swait.ge [sflag:s22], s20  }
0x9f: {  	s3 =	ssub.s32 $0x0, s20;
	[sflag:s22] =	ssyncset.done $0x0  }
0xa0: {  	[sflag:s22] =	ssyncadd.s32 s3;
	_ =	sdelay $0x1  }
0xa1: {  	s23 =	simm.s32 $0x1B8B  }
0xa2: {  	_ =	swait.ge [sflag:s23], $0x1  }
0xa3: {  	[sflag:s23] =	ssyncset.done $0x0  }
0xa4: {  	s25 =	simm.s32 $0x1B8E;
	s24 =	sld [smem:$0x3FFE];
	[sflag:s23] =	ssyncadd.s32 $0xFFFFFFFF  }
0xa5: {  	s26 =	simm.s32 $execute0_lowered;
	[smem:$0x3FD2] =	sst s25  }
0xa6: {  	s4 =	sshll.u32 s26, $0x1;
	_ =	strace $0x8000004C;
	[dreg:$0x1] =	wrdreg $0xFFFFFFFF  }
0xa7: {  	s28 =	simm.s32 $_size_execute0_lowered;
	s2 =	sadd.s32 s2, s4;
	[dreg:$0x0] =	wrdreg $0x0  }
0xa8: {  	s4 =	sshll.u32 s28, $0x1;
	[dreg:$0x2] =	wrdreg s2  }
0xa9: {  	[dreg:$0x3] =	wrdreg s4  }
0xaa: {  	[dreg:$0x4] =	wrdreg $0xC0  }
0xab: {  	_ =	task [dreg:s6], $0x5FFFF  }
0xac: {  	[dreg:$0x1] =	wrdreg $0xFFFFFFFF  }
0xad: {  	[dreg:$0x0] =	wrdreg $0x60  }
0xae: {  	[dreg:$0x2] =	wrdreg s24  }
0xaf: {  	[dreg:$0x3] =	wrdreg $0x8D000  }
0xb0: {  	[dreg:$0x4] =	wrdreg $0x9  }
0xb1: {  	_ =	task.clear_ibuf [dreg:s6], $0x5FFFF;
	_ =	strace $0x9000004C  }
0xb2: {  	s29 =	simm.s32 $0x9;
	_ =	strace $0x8000004E  }
0xb3: {  	_ =	swait.ge [sflag:s29], $0x1  }
0xb4: {  	[sflag:s29] =	ssyncadd.s32 $0xFFFFFFFF  }
0xb5: {  	_ =	strace $0x9000004E  }
0xb6: {  	_ =	sfence  }
0xb7: {  	s30 =	sld [smem:$0x0];
	_ =	sdelay $0x2  }
0xb8: {  	s31 =	sshll.u32 s1, $0xD;
	s1 =	sshrl.u32 s1, $0x2  }
0xb9: {  	s3 =	sand.u32 $0x4000, s31;
	s1 =	sadd.s32 s1, s30  }
0xba: {  	s0 =	sor.u32 s3, s0;
	s1 =	sshll.u32 s1, $0x11  }
0xbb: {  	s0 =	sor.u32 s1, s0  }
0xbc: {  	s0 =	sadd.s32 $0x8F2B, s0  }
0xbd: {  	[sflag:s0] =	ssyncadd.remote.s32 $0x1  }
0xbe: {  	_ =	sfence.sel $0xFFFF  }
0xbf: {  	[dreg:$0x0] =	wrdreg $0xFFFFFFFF;
	(pc) =	sbr.abs _section_cstart, $3  }
0xc0: {  	[dreg:$0x1] =	wrdreg $0xFFFFFFFF  }
0xc1: {  	_ =	task.clear_ibuf [dreg:s6], $0x2FFFF;
	_ =	strace $0x9FFFFFFF  }
0xc2: {  	(tm) =	ssettm $0x7FFFFFFF  }
0xc3: {  	_ =	shalt  }
tec
execute0_lowered:
.L_overlay_start_1:
0x0: {  	(tag) =	ssettag $0x1  }
0x1: {  	s0 =	rddreg [dreg:$0x0]  }
0x2: {  	s1 =	rddreg [dreg:$0x1]  }
0x3: {  	s2 =	srdreg.scid;
	s3 =	simm.s32 $0x0;
	s12 =	stileid.u32  }
0x4: {  	s29 =	simm.s32 $0x3;
	s30 =	simm.s32 $0x500;
	s31 =	simm.s32 $0x1  }
0x5: {  	s28 =	simm.s32 $0x8;
	s2 =	sand.u32 $0x1, s2;
	[smem:$0x7FF] =	sst s3  }
0x6: {  	s18 =	sshll.u32 s12, $0x7;
	s7 =	sadd.s32 $0xD600, s0;
	s25 =	smul.u32 $0x4E000, s12  }
0x7: {  	s15 =	smul.u32 $0x13800, s12;
	s16 =	sadd.s32 $0x124800, s1;
	s4 =	sshll.u32 s2, $0x4  }
0x8: {  	p0 =	seq.s32 s12, $0xF;
	_ =	strace $0x8000004D;
	s4 =	sor.u32 s12, s4  }
0x9: {  	s8 =	ssub.s32 $0x2, s2;
	s2 =	smul.u32 $0x138800, s2;
	s5 =	sshrl.u32 s4, $0x3  }
0xa: {  	s9 =	sand.u32 $0x380, s18;
	s10 =	sshrl.u32 s8, $0x1;
	s6 =	smul.u32 $0x13C00, s5  }
0xb: {  	[dreg:$0xa] =	wrdreg s16;
	s4 =	sadd.s32 $0x21200, s0;
	s8 =	ssub.s32 s8, s10  }
0xc: {  	s5 =	sadd.s32 $0x2A00, s0;
	s0 =	sadd.s32 $0x48400, s0;
	s6 =	sor.u32 s9, s6  }
0xd: {  	s9 =	sshrl.u32 s6, $0x3;
	s19 =	sadd.s32 $0x4F000, s6;
	s20 =	sadd.s32 $0x400, s6  }
0xe: {  	s11 =	sadd.s32 $0x4F400, s6;
	s23 =	sadd.s32 $0x800, s6;
	s24 =	sadd.s32 $0x4F800, s6  }
0xf: {  	s18 =	sadd.s32 $0x62800, s6;
	s13 =	sadd.s32 s7, s9;
	s9 =	sshrl.u32 s19, $0x3  }
0x10: {  	s10 =	sshrl.u32 s20, $0x3;
	s22 =	sshrl.u32 s11, $0x3;
	s11 =	sadd.s32 $0x13800, s6  }
0x11: {  	s19 =	sadd.s32 s15, s2;
	s2 =	sshrl.u32 s2, $0x3;
	s14 =	sadd.s32 s7, s9  }
0x12: {  	s21 =	sadd.s32 s7, s10;
	s9 =	sadd.s32 s7, s22;
	[dreg:$0x3] =	wrdreg s13  }
0x13: {  	s10 =	sshrl.u32 s24, $0x3;
	s17 =	sshrl.u32 s11, $0x3;
	[dreg:$0x5] =	wrdreg s21  }
0x14: {  	s22 =	sadd.s32 $0x50000, s6;
	s24 =	sadd.s32 $0x1000, s6;
	[dreg:$0x6] =	wrdreg s9  }
0x15: {  	s6 =	simm.s32 $0x10;
	s26 =	sadd.s32 s7, s10;
	[dreg:$0x4] =	wrdreg s14  }
0x16: {  	s9 =	sshrl.u32 s23, $0x3;
	s21 =	smax.u32 s8, $0x1;
	[dreg:$0x8] =	wrdreg s26  }
0x17: {  	s10 =	sshrl.u32 s25, $0x2;
	s23 =	sadd.s32 $0x180, s13;
	[dreg:$0xf] =	wrdreg s21  }
0x18: {  	s25 =	sadd.s32 $0x180, s14;
	s8 =	simm.s32 $0x8500;
	[dreg:$0x10] =	wrdreg s23  }
0x19: {  	s9 =	sadd.s32 s7, s9;
	[dreg:$0x11] =	wrdreg s25;
	s26 =	sshrl.u32 s24, $0x3  }
0x1a: {  	s23 =	simm.s32 $0x80;
	s24 =	simm.s32 $0x100;
	s25 =	simm.s32 $0x480  }
0x1b: {  	[dreg:$0x7] =	wrdreg s9;
	s9 =	sadd.s32 s10, s1;
	s10 =	sshrl.u32 s19, $0x3  }
0x1c: {  	s14 =	sadd.s32 s26, s7;
	[dreg:$0x9] =	wrdreg s9;
	s9 =	sadd.s32 s7, s17  }
0x1d: {  	s20 =	sadd.s32 s0, s10;
	s0 =	sadd.s32 s0, s2;
	[dreg:$0xb] =	wrdreg s9  }
0x1e: {  	s9 =	sshrl.u32 s18, $0x3;
	[dreg:$0xd] =	wrdreg s20;
	s0 =	sadd.s32 $0x24900, s0  }
0x1f: {  	s26 =	simm.s32 $0x7;
	s9 =	sadd.s32 s7, s9;
	[dreg:$0xe] =	wrdreg s0  }
0x20: {  	s2 =	simm.s32 $0x9;
	s0 =	sshrl.u32 s22, $0x3;
	[dreg:$0xc] =	wrdreg s9  }
0x21: {  	s15 =	sadd.s32 s0, s7;
	s0 =	simm.s32 $0x400;
	s9 =	simm.s32 $0x0  }
.LBB2_1:
0x22: {  	s7 =	rddreg [dreg:$0x3]  }
0x23: {  	s11 =	rddreg [dreg:$0x4]  }
0x24: {  	s12 =	rddreg [dreg:$0x5]  }
0x25: {  	[tilespmem:s3], [sflag:$0x3] =	stream.linear.gather [hbm4b:s7+s3], $0x80, $0x38;
	[tilespmem:$0x1C580] =	vst v63  }
0x26: {  	s13 =	rddreg [dreg:$0x6]  }
0x27: {  	[tilespmem:s23], [sflag:$0x3] =	stream.linear.gather [hbm4b:s11+s3], $0x80, $0x38;
	[tilespmem:$0x1C580] =	vst v63  }
0x28: {  	s16 =	rddreg [dreg:$0x7]  }
0x29: {  	[tilespmem:s24], [sflag:$0x4] =	stream.linear.gather [hbm4b:s12+s3], $0x80, $0x38;
	[tilespmem:$0x1C580] =	vst v63  }
0x2a: {  	s10 =	simm.s32 $0x180;
	s18 =	rddreg [dreg:$0x8]  }
0x2b: {  	[tilespmem:s10], [sflag:$0x4] =	stream.linear.gather [hbm4b:s13+s3], $0x80, $0x38;
	[tilespmem:$0x1C580] =	vst v63  }
0x2c: {  	s17 =	simm.s32 $0x200;
	s7 =	rddreg [dreg:$0xa]  }
0x2d: {  	[tilespmem:s17], [sflag:$0x5] =	stream.linear.gather [hbm4b:s16+s3], $0x80, $0x38;
	[tilespmem:$0x1C580] =	vst v63  }
0x2e: {  	s19 =	simm.s32 $0x280;
	s7 =	sshrl.u32 @p0 s7, $0x3;
	s10 =	simm.s32 @p0 $0x1FC9  }
0x2f: {  	[tilespmem:s19], [sflag:$0x5] =	stream.linear.gather [hbm4b:s18+s3], $0x80, $0x38;
	[tilespmem:$0x1C580] =	vst v63  }
0x30: {  	[spmem:s7], [sflag:s10] =	dma.local @p0 [hbm:s5], $0x2800  }
0x31: {  	s10 =	simm.s32 @p0 $0x9  }
0x32: {  	s11 =	stileid.u32;
	_ =	swait.ge @p0 [sflag:s10], $0x2800  }
0x33: {  	s11 =	sshll.u32 @!p0 s11, $0x6;
	[sflag:s10] =	ssyncset.done @p0 $0x0  }
0x34: {  	[sflag:s10] =	ssyncadd.s32 @p0 $0xFFFFD800;
	s10 =	sor.u32 @!p0 $0x1C09, s11;
	s11 =	rddreg [dreg:$0x9]  }
0x35: {  	s12 =	simm.s32 @!p0 $0x9;
	s11 =	sshrl.u32 @!p0 s11, $0x3  }
0x36: {  	[spmem:s11], [sflag:s10] =	dma.local @!p0 [hbm:s5], $0x2700  }
0x37: {  	_ =	swait.ge @!p0 [sflag:s12], $0x2700  }
0x38: {  	[sflag:s12] =	ssyncset.done @!p0 $0x0  }
0x39: {  	[sflag:s12] =	ssyncadd.s32 @!p0 $0xFFFFD900  }
0x3a: {  	_ =	swait.ge [sflag:s29], $0x80  }
0x3b: {  	[sflag:s29] =	ssyncset.done $0x0  }
0x3c: {  	[sflag:s29] =	ssyncadd.s32 $0xFFFFFF80  }
0x3d: {  	_ =	swait.ge [sflag:s29], $0x80  }
0x3e: {  	[sflag:s29] =	ssyncset.done $0x0  }
0x3f: {  	[sflag:s29] =	ssyncadd.s32 $0xFFFFFF80  }
0x40: {  	[bflag:$0x0] =	sbarrier.arrive $0xFFFF  }
0x41: {  	[tilespmem:s30], [sflag:$0x1] =	stream.indirect.gather [hbm4b:s4+s23], $0x80, s3, s23, $0xb8;
	[tilespmem:$0x1C580] =	vst v63  }
0x42: {  	_ =	swait.ge [sflag:s31], $0x4000  }
0x43: {  	[sflag:s31] =	ssyncset.done $0x0  }
0x44: {  	s12 =	simm.s32 $0x4;
	[sflag:s31] =	ssyncadd.s32 $0xFFFFC000  }
0x45: {  	[spmem:s1] =	stream.indirect.scatter.add.f32 [tilespmem:s30], [sflag:$0x7], $0x80, s23, s23, $0xb8;
	[tilespmem:$0x1C580] =	vst v63  }
0x46: {  	_ =	swait.ge [sflag:s12], $0x80  }
0x47: {  	[sflag:s12] =	ssyncset.done $0x0  }
0x48: {  	[sflag:s12] =	ssyncadd.s32 $0xFFFFFF80  }
0x49: {  	_ =	swait.ge [sflag:s12], $0x80  }
0x4a: {  	[sflag:s12] =	ssyncset.done $0x0  }
0x4b: {  	s13 =	simm.s32 $0x4500;
	[sflag:s12] =	ssyncadd.s32 $0xFFFFFF80  }
0x4c: {  	[tilespmem:s13], [sflag:$0x2] =	stream.indirect.gather [hbm4b:s4+s23], $0x80, s24, s23, $0xb8;
	[tilespmem:$0x1C580] =	vst v63  }
0x4d: {  	s16 =	simm.s32 $0x300;
	s20 =	rddreg [dreg:$0x10]  }
0x4e: {  	[tilespmem:s16], [sflag:$0x6] =	stream.linear.gather [hbm4b:s20+s3], $0x80, $0x38;
	[tilespmem:$0x1C580] =	vst v63  }
0x4f: {  	s22 =	simm.s32 $0x380;
	s21 =	rddreg [dreg:$0x11]  }
0x50: {  	[tilespmem:s22], [sflag:$0x6] =	stream.linear.gather [hbm4b:s21+s3], $0x80, $0x38;
	[tilespmem:$0x1C580] =	vst v63  }
0x51: {  	s13 =	simm.s32 $0x400;
	s22 =	smov.u32 s14;
	s21 =	smov.u32 s15  }
.LBB2_2:
0x52: {  	s16 =	sadd.s32 $0xFFFFFFFD, s12  }
0x53: {  	s17 =	sand.u32 $0x1, s16  }
0x54: {  	s20 =	sand.u32 $0xC00, s13;
	s18 =	sadd.s32 $0x1, s17  }
0x55: {  	s20 =	sshrl.u32 s20, $0x2;
	_ =	swait.ge [sflag:s18], $0x4000  }
0x56: {  	s19 =	sshll.u32 s17, $0xE;
	s20 =	sor.u32 $0x80, s20;
	[sflag:s18] =	ssyncset.done $0x0  }
0x57: {  	s17 =	sadd.s32 $0x7, s17;
	s19 =	sor.u32 $0x500, s19;
	[sflag:s18] =	ssyncadd.s32 $0xFFFFC000  }
0x58: {  	[spmem:s1] =	stream.indirect.scatter.add.f32 [tilespmem:s19], [sflag:s17], $0x80, s20, s23, $0xb8;
	[tilespmem:$0x1C580] =	vst v63  }
0x59: {  	p1 =	seq.s32 s12, $0x50;
	s17 =	sadd.s32 $0xFFFFFFFE, s12  }
0x5a: {  	s18 =	sand.u32 @!p1 $0x1, s17  }
0x5b: {  	s19 =	sadd.s32 @!p1 $0x7, s18  }
0x5c: {  	_ =	swait.ge @!p1 [sflag:s19], $0x4000  }
0x5d: {  	s17 =	sand.u32 @!p1 $0x3, s17;
	[sflag:s19] =	ssyncset.done @!p1 $0x0  }
0x5e: {  	[sflag:s19] =	ssyncadd.s32 @!p1 $0xFFFFC000;
	s19 =	sadd.s32 @!p1 $0x3, s17  }
0x5f: {  	_ =	swait.ge @!p1 [sflag:s19], $0x80  }
0x60: {  	[sflag:s19] =	ssyncset.done @!p1 $0x0  }
0x61: {  	p2 =	sgt.u32 @!p1 s16, $0x4A;
	[sflag:s19] =	ssyncadd.s32 @!p1 $0xFFFFFF80  }
0x62: {  	p2 =	por p2, p1;
	_ =	swait.ge @!p1 [sflag:s19], $0x80  }
0x63: {  	s16 =	sand.u32 @!p2 $0x3, s12;
	[sflag:s19] =	ssyncset.done @!p1 $0x0  }
0x64: {  	s20 =	simm.s32 @!p1 $0x80;
	[sflag:s19] =	ssyncadd.s32 @!p1 $0xFFFFFF80;
	s19 =	sshll.u32 @!p1 s18, $0xE  }
0x65: {  	s17 =	sshll.u32 @!p1 s17, $0x8;
	s18 =	sadd.s32 @!p1 $0x1, s18;
	s19 =	sor.u32 @!p1 $0x500, s19  }
0x66: {  	[tilespmem:s19], [sflag:s18] =	stream.indirect.gather @!p1 [hbm4b:s4+s20], $0x80, s17, s20, $0xb8;
	[tilespmem:$0x1C580] =	vst v63  }
0x67: {  	s17 =	sadd.s32 @!p2 $0x3, s16;
	s16 =	sshll.u32 @!p2 s16, $0x8;
	s18 =	simm.s32 @!p2 $0x0  }
0x68: {  	[tilespmem:s16], [sflag:s17] =	stream.linear.gather @!p2 [hbm4b:s22+s18], $0x80, $0x38;
	[tilespmem:$0x1C580] =	vst v63  }
0x69: {  	s12 =	sadd.s32 @!p1 $0x1, s12;
	s16 =	sor.u32 @!p2 $0x80, s16  }
0x6a: {  	[tilespmem:s16], [sflag:s17] =	stream.linear.gather @!p2 [hbm4b:s21+s18], $0x80, $0x38;
	[tilespmem:$0x1C580] =	vst v63  }
0x6b: {  	p2 =	sne.s32 @!p1 s12, $0x51  }
0x6c: {  	p2 =	por p1, !p2  }
.Ltmp0:
0x6d: {  	_ = 	snop;
	(pc) =	sbr.rel @!p2 .LBB2_2-.Ltmp0, $2  }
0x6e: {  	_ =	sdelay $0x2  }
0x6f: {  	s13 =	sadd.s32 @!p1 $0x400, s13;
	s22 =	sadd.s32 @!p1 $0x80, s22;
	s21 =	sadd.s32 @!p1 $0x80, s21  }
0x70: {  	_ =	swait.ge [sflag:s26], $0x4000  }
0x71: {  	[sflag:s26] =	ssyncset.done $0x0  }
0x72: {  	[sflag:s26] =	ssyncadd.s32 $0xFFFFC000  }
0x73: {  	_ =	swait.ge [sflag:s28], $0x4000  }
0x74: {  	[sflag:s28] =	ssyncset.done $0x0  }
0x75: {  	s12 =	rddreg [dreg:$0xb];
	[sflag:s28] =	ssyncadd.s32 $0xFFFFC000  }
0x76: {  	[tilespmem:s0], [sflag:$0x9] =	stream.linear.gather [hbm4b:s12+s3], $0x80, $0x38;
	[tilespmem:$0x1C580] =	vst v63  }
0x77: {  	_ =	swait.ge [sflag:s2], $0x80  }
0x78: {  	[sflag:s2] =	ssyncset.done $0x0  }
0x79: {  	s21 =	rddreg [dreg:$0xc];
	[sflag:s2] =	ssyncadd.s32 $0xFFFFFF80  }
0x7a: {  	[tilespmem:s25], [sflag:$0x9] =	stream.linear.gather [hbm4b:s21+s3], $0x80, $0x38;
	[tilespmem:$0x1C580] =	vst v63  }
0x7b: {  	_ =	swait.ge [sflag:s2], $0x80  }
0x7c: {  	[sflag:s2] =	ssyncset.done $0x0  }
0x7d: {  	[sflag:s2] =	ssyncadd.s32 $0xFFFFFF80  }
0x7e: {  	[tilespmem:s8], [sflag:$0x1] =	stream.indirect.gather [hbm4b:s4+s6], $0x80, s0, s6, $0xb8;
	[tilespmem:$0x1C580] =	vst v63  }
0x7f: {  	_ =	swait.ge [sflag:s31], $0x800  }
0x80: {  	[sflag:s31] =	ssyncset.done $0x0  }
0x81: {  	[sflag:s31] =	ssyncadd.s32 $0xFFFFF800  }
0x82: {  	[spmem:s1] =	stream.indirect.scatter.add.f32 [tilespmem:s8], [sflag:$0x9], $0x80, s25, s6, $0xb8;
	[tilespmem:$0x1C580] =	vst v63  }
0x83: {  	_ =	swait.ge [sflag:s2], $0x800  }
0x84: {  	[sflag:s2] =	ssyncset.done $0x0  }
0x85: {  	[sflag:s2] =	ssyncadd.s32 $0xFFFFF800  }
0x86: {  	[bflag:$0x0] =	sbarrier.arrive $0xFFFF  }
0x87: {  	s12 =	simm.s32 @p0 $0x1FC9;
	s13 =	rddreg [dreg:$0xe]  }
0x88: {  	[hbm:s13], [sflag:s12] =	dma.local @p0 [spmem:s7], $0x2800  }
0x89: {  	s7 =	simm.s32 @p0 $0x9  }
0x8a: {  	_ =	swait.ge @p0 [sflag:s7], $0x2800  }
0x8b: {  	[sflag:s7] =	ssyncset.done @p0 $0x0  }
0x8c: {  	[sflag:s7] =	ssyncadd.s32 @p0 $0xFFFFD800;
	s7 =	rddreg [dreg:$0xd]  }
0x8d: {  	[hbm:s7], [sflag:s10] =	dma.local @!p0 [spmem:s11], $0x2700  }
0x8e: {  	s7 =	simm.s32 @!p0 $0x9  }
0x8f: {  	_ =	swait.ge @!p0 [sflag:s7], $0x2700  }
0x90: {  	s9 =	sadd.s32 $0x1, s9;
	s22 =	rddreg [dreg:$0xf]  }
0x91: {  	p1 =	sne.s32 s9, s22  }
.Ltmp1:
0x92: {  	_ = 	snop;
	(pc) =	sbr.rel @p1 .LBB2_1-.Ltmp1, $3  }
0x93: {  	_ =	sdelay $0x1  }
0x94: {  	[sflag:s7] =	ssyncset.done @!p0 $0x0  }
0x95: {  	[sflag:s7] =	ssyncadd.s32 @!p0 $0xFFFFD900  }
0x96: {  	_ =	sfence.sel $0x180000  }
0x97: {  	[bflag:$0x0] =	sbarrier.arrive $0xFFFF  }
0x98: {  	_ =	strace $0x9000004D  }
0x99: {  	s0 =	stileid.u32;
	[bflag:$0x2] =	sbarrier.arrive $0xFFFF  }
0x9a: {  	p0 =	sne.s32 s0, $0x0;
	s0 =	rddreg [dreg:$0x2]  }
0x9b: {  	s0 =	sadd.s32 @!p0 $0x100000, s0  }
0x9c: {  	[sflag:s0] =	ssyncadd.tile.s32 @!p0 $0x1;
	_ =	shalt  }
.Lfunc_end2:
_tile_overlayer_lowered:
.L_overlay_start_2:
0x9d: {  	(tag) =	ssettag $0x2  }
0x9e: {  	s0 =	rddreg [dreg:$0x0];
	s2 =	stileid.u32  }
0x9f: {  	s1 =	rddreg [dreg:$0x1];
	p0 =	sne.s32 s2, $0x0  }
0xa0: {  	s3 =	rddreg [dreg:$0x2];
	[bflag:$0x3] =	sbarrier.arrive $0xFFFF;
	s2 =	simm.s32 @!p0 $0x1C09  }
0xa1: {  	[timem:s3], [sflag:s2] =	dma.local @!p0 [hbm:s0], s1  }
0xa2: {  	s0 =	simm.s32 @!p0 $0x9  }
0xa3: {  	_ =	swait.ge @!p0 [sflag:s0], s1  }
0xa4: {  	s1 =	ssub.s32 @!p0 $0x0, s1;
	[sflag:s0] =	ssyncset.done @!p0 $0x0  }
0xa5: {  	[sflag:s0] =	ssyncadd.s32 @!p0 s1  }
0xa6: {  	[bflag:$0x3] =	sbarrier.arrive $0xFFFF  }
0xa7: {  	_ =	shalt  }

// kernel: kernel.8.cloned.1.call-start
scs
__scs_entry_jumppad:
0x0: {  	(pc) =	sbr.rel $0x88, $3  }
0x1: {  	(tag) =	ssettag $0x0;
	lr =	simm.s32 $0x1  }
0x2: {  	[smem:$0x3F9A] =	sst lr;
	_ =	strace $0xD0000000  }
0x3: {  	_ = 	snop  }
0x4: {  	_ = 	snop  }
0x5: {  	_ = 	snop  }
0x6: {  	_ = 	snop  }
0x7: {  	_ = 	snop  }
__scs_overlays_trampoline_lowered:
0x8: {  	[smem:$0x3FA9] =	sst s0  }
0x9: {  	[smem:$0x3FAA] =	sst s1  }
0xa: {  	[smem:$0x3FAB] =	sst s2  }
0xb: {  	[smem:$0x3FAC] =	sst s3  }
0xc: {  	[smem:$0x3FAD] =	sst s4  }
0xd: {  	[smem:$0x3FAE] =	sst s5  }
0xe: {  	[smem:$0x3FAF] =	sst s6  }
0xf: {  	[smem:$0x3FB0] =	sst s7  }
0x10: {  	[smem:$0x3FB1] =	sst s8  }
0x11: {  	[smem:$0x3FB2] =	sst s9;
	s0 =	simm.s32 @!p0 $0x0  }
0x12: {  	s1 =	sld [smem:$0x3F98];
	s0 =	simm.s32 @p0 $0x1  }
0x13: {  	[smem:$0x3FB3] =	sst s0;
	s0 =	simm.s32 @!p1 $0x0  }
0x14: {  	s2 =	sld [smem:$0x3F97];
	s0 =	simm.s32 @p1 $0x1  }
0x15: {  	[smem:$0x3FB4] =	sst s0;
	s0 =	simm.s32 @!p2 $0x0  }
0x16: {  	s3 =	sld [smem:$0x3FDB];
	s0 =	simm.s32 @p2 $0x1  }
0x17: {  	s4 =	simm.s32 $0x1BF5;
	[smem:$0x3FB6] =	sst s0  }
0x18: {  	s0 =	sld [smem:$0x3F99];
	_ =	swait.ge [sflag:s4], $0x0  }
0x19: {  	s7 =	sld [smem:$0x3F9A]  }
0x1a: {  	s8 =	sadd.s32 $0xFFFFE003, lr  }
0x1b: {  	s9 =	sadd.s32 $0xFFFFFEF7, lr;
	s5 =	simm.s32 $0xFFFFFFFF;
	p2 =	slt.u32 s8, $0xFFFFF086  }
0x1c: {  	p1 =	slt.u32 s9, $0xF7A;
	s5 =	simm.s32 @!p2 $0x0  }
0x1d: {  	s5 =	simm.s32 @p1 $0x1;
	p0 =	seq.s32 s7, s2  }
0x1e: {  	s7 =	smul.u32 @!p0 $0xF7A, s2;
	p2 =	seq.s32 @!p0 s5, $0x0  }
0x1f: {  	s9 =	smul.u32 $0xF7A, s1;
	s8 =	simm.s32 @!p0 $0x1BF5;
	p2 =	por !p2, p0  }
0x20: {  	[sflag:s8] =	ssyncset.s32 @!p0 $0xFFFFF086;
	s6 =	sadd.s32 @!p0 s3, s7;
	s7 =	simm.s32 @!p0 $0x108  }
0x21: {  	s3 =	sadd.s32 s3, s9;
	s6 =	sadd.s32 @!p0 $0x88, s6;
	s7 =	simm.s32 @p2 $0x1082  }
0x22: {  	[simem:s7], [sflag:s8] =	dma.local @!p0 [hbm:s6], $0xF7A  }
0x23: {  	s9 =	sor.u32 $0xD0000000, s2;
	s6 =	simm.s32 $0x108;
	_ =	swait.ge @!p0 [sflag:s8], $0x0  }
0x24: {  	s3 =	sadd.s32 $0x88, s3;
	s6 =	simm.s32 @!p1 $0x1082;
	[sflag:s4] =	ssyncset.s32 $0xFFFFF086  }
0x25: {  	[simem:s6], [sflag:s4] =	dma.local [hbm:s3], $0xF7A  }
0x26: {  	[smem:$0x3F9A] =	sst s1;
	(tag) =	ssettag s2;
	_ =	strace s9  }
0x27: {  	s1 =	sld [smem:$0x3FAA]  }
0x28: {  	s2 =	sld [smem:$0x3FAB]  }
0x29: {  	s4 =	sld [smem:$0x3FAD]  }
0x2a: {  	p0 =	seq.s32 s5, $0x0;
	s5 =	sld [smem:$0x3FAE]  }
0x2b: {  	s6 =	sld [smem:$0x3FAF]  }
0x2c: {  	s7 =	sld [smem:$0x3FB0]  }
0x2d: {  	s3 =	simm.s32 $0x108;
	s8 =	sld [smem:$0x3FB1]  }
0x2e: {  	s3 =	simm.s32 @!p0 $0x1082;
	s9 =	sld [smem:$0x3FB2]  }
0x2f: {  	lr =	sadd.s32 s0, s3;
	s0 =	sld [smem:$0x3FA9]  }
0x30: {  	s3 =	sld [smem:$0x3FAC]  }
0x31: {  	[smem:$0x3FB5] =	sst s10  }
0x32: {  	s10 =	sld [smem:$0x3FB3];
	_ =	sdelay $0x3  }
0x33: {  	p0 =	seq.s32 s10, $0x1;
	s10 =	sld [smem:$0x3FB5];
	_ =	sdelay $0x3  }
0x34: {  	[smem:$0x3FB5] =	sst s10  }
0x35: {  	s10 =	sld [smem:$0x3FB4];
	_ =	sdelay $0x3  }
0x36: {  	p1 =	seq.s32 s10, $0x1;
	s10 =	sld [smem:$0x3FB5];
	_ =	sdelay $0x3  }
0x37: {  	[smem:$0x3FB5] =	sst s10  }
0x38: {  	s10 =	sld [smem:$0x3FB6]  }
0x39: {  	_ = 	snop;
	(pc) =	sbr.ind lr, $3  }
0x3a: {  	_ = 	snop  }
0x3b: {  	_ = 	snop  }
0x3c: {  	p2 =	seq.s32 s10, $0x1;
	s10 =	sld [smem:$0x3FB5]  }
0x3d: {  	_ =	shalt  }
0x3e: {  	_ =	shalt  }
0x3f: {  	_ =	shalt  }
0x40: {  	_ =	shalt  }
0x41: {  	_ =	shalt  }
0x42: {  	_ =	shalt  }
0x43: {  	_ =	shalt  }
0x44: {  	_ =	shalt  }
0x45: {  	_ =	shalt  }
0x46: {  	_ =	shalt  }
0x47: {  	_ =	shalt  }
0x48: {  	_ =	shalt  }
0x49: {  	_ =	shalt  }
0x4a: {  	_ =	shalt  }
0x4b: {  	_ =	shalt  }
0x4c: {  	_ =	shalt  }
0x4d: {  	_ =	shalt  }
0x4e: {  	_ =	shalt  }
0x4f: {  	_ =	shalt  }
0x50: {  	_ =	shalt  }
0x51: {  	_ =	shalt  }
0x52: {  	_ =	shalt  }
0x53: {  	_ =	shalt  }
0x54: {  	_ =	shalt  }
0x55: {  	_ =	shalt  }
0x56: {  	_ =	shalt  }
0x57: {  	_ =	shalt  }
0x58: {  	_ =	shalt  }
0x59: {  	_ =	shalt  }
0x5a: {  	_ =	shalt  }
0x5b: {  	_ =	shalt  }
0x5c: {  	_ =	shalt  }
0x5d: {  	_ =	shalt  }
0x5e: {  	_ =	shalt  }
0x5f: {  	_ =	shalt  }
0x60: {  	_ =	shalt  }
0x61: {  	_ =	shalt  }
0x62: {  	_ =	shalt  }
0x63: {  	_ =	shalt  }
0x64: {  	_ =	shalt  }
0x65: {  	_ =	shalt  }
0x66: {  	_ =	shalt  }
0x67: {  	_ =	shalt  }
0x68: {  	_ =	shalt  }
0x69: {  	_ =	shalt  }
0x6a: {  	_ =	shalt  }
0x6b: {  	_ =	shalt  }
0x6c: {  	_ =	shalt  }
0x6d: {  	_ =	shalt  }
0x6e: {  	_ =	shalt  }
0x6f: {  	_ =	shalt  }
0x70: {  	_ =	shalt  }
0x71: {  	_ =	shalt  }
0x72: {  	_ =	shalt  }
0x73: {  	_ =	shalt  }
0x74: {  	_ =	shalt  }
0x75: {  	_ =	shalt  }
0x76: {  	_ =	shalt  }
0x77: {  	_ =	shalt  }
0x78: {  	_ =	shalt  }
0x79: {  	_ =	shalt  }
0x7a: {  	_ =	shalt  }
0x7b: {  	_ =	shalt  }
0x7c: {  	_ =	shalt  }
0x7d: {  	_ =	shalt  }
0x7e: {  	_ =	shalt  }
0x7f: {  	_ =	shalt  }
0x80: {  	_ =	shalt  }
0x81: {  	_ =	shalt  }
0x82: {  	_ =	shalt  }
0x83: {  	_ =	shalt  }
0x84: {  	_ =	shalt  }
0x85: {  	_ =	shalt  }
0x86: {  	_ =	shalt  }
0x87: {  	_ =	shalt  }
.Lfunc_end0:
.L_simem_size_0:
called_computation_lowered:
.L_overlay_start_0:
0x88: {  	s2 =	sld [smem:$0x3FD9]  }
0x89: {  	s3 =	sld [smem:$0x3FFE];
	_ =	sdelay $0x1  }
0x8a: {  	s1 =	srdreg.scid  }
0x8b: {  	s0 =	sand.u32 $0x1, s1  }
0x8c: {  	s17 =	sshll.u32 s0, $0xA;
	s2 =	sadd.s32 s3, s2  }
0x8d: {  	s2 =	sadd.s32 s2, s17  }
0x8e: {  	[smem:$0x3FC1] =	sst s2  }
0x8f: {  	_ = 	snop  }
0x90: {  	s2 =	sld [smem:$0x3FD0];
	(tm) =	ssettm $0x1  }
0x91: {  	s18 =	sld [smem:$0x3FFB];
	_ =	sdelay $0x3  }
0x92: {  	_ =	strace s18  }
0x93: {  	s3 =	sld [smem:$0x3FFC];
	_ =	sdelay $0x3  }
0x94: {  	_ =	strace s3  }
0x95: {  	s3 =	sld [smem:$0x3FFD];
	_ =	sdelay $0x3  }
0x96: {  	_ =	strace s3  }
0x97: {  	_ =	strace $0x8FFFFFFF  }
0x98: {  	s19 =	sld [smem:$0x3FDB];
	_ =	sdelay $0x1  }
0x99: {  	s4 =	simm.s32 $_scs_section_size  }
0x9a: {  	s5 =	simm.s32 $_size__tile_overlayer_lowered;
	s6 =	simm.s32 $_tile_overlayer_lowered  }
0x9b: {  	s22 =	simm.s32 $0x1BFF;
	s21 =	sshll.u32 s6, $0x1;
	s3 =	sadd.s32 s4, s19  }
0x9c: {  	s7 =	simm.s32 $0x0;
	s20 =	sshll.u32 s5, $0x1;
	s5 =	sadd.s32 s21, s3  }
0x9d: {  	[timem:s7], [sflag:s22] =	dma.local [hbm:s5], s20  }
0x9e: {  	_ =	swait.ge [sflag:s22], s20  }
0x9f: {  	s4 =	ssub.s32 $0x0, s20;
	[sflag:s22] =	ssyncset.done $0x0  }
0xa0: {  	[sflag:s22] =	ssyncadd.s32 s4;
	_ =	sdelay $0x1  }
0xa1: {  	s23 =	simm.s32 $0x1B8B  }
0xa2: {  	_ =	swait.ge [sflag:s23], $0x1  }
0xa3: {  	[sflag:s23] =	ssyncset.done $0x0  }
0xa4: {  	s25 =	simm.s32 $0x1B8E;
	s24 =	sld [smem:$0x3FFE];
	[sflag:s23] =	ssyncadd.s32 $0xFFFFFFFF  }
0xa5: {  	s26 =	simm.s32 $execute0_lowered;
	[smem:$0x3FD2] =	sst s25  }
0xa6: {  	s5 =	sshll.u32 s26, $0x1;
	_ =	strace $0x80000046;
	[dreg:$0x1] =	wrdreg $0xFFFFFFFF  }
0xa7: {  	s28 =	simm.s32 $_size_execute0_lowered;
	s3 =	sadd.s32 s3, s5;
	[dreg:$0x0] =	wrdreg $0x0  }
0xa8: {  	s5 =	sshll.u32 s28, $0x1;
	[dreg:$0x2] =	wrdreg s3  }
0xa9: {  	[dreg:$0x3] =	wrdreg s5  }
0xaa: {  	[dreg:$0x4] =	wrdreg $0xC0  }
0xab: {  	_ =	task [dreg:s7], $0x5FFFF  }
0xac: {  	[dreg:$0x1] =	wrdreg $0xFFFFFFFF  }
0xad: {  	[dreg:$0x0] =	wrdreg $0x60  }
0xae: {  	[dreg:$0x2] =	wrdreg s24  }
0xaf: {  	[dreg:$0x3] =	wrdreg s2  }
0xb0: {  	[dreg:$0x4] =	wrdreg $0x29000  }
0xb1: {  	[dreg:$0x5] =	wrdreg $0x9  }
0xb2: {  	_ =	task.clear_ibuf [dreg:s7], $0x6FFFF;
	_ =	strace $0x90000046  }
0xb3: {  	s29 =	simm.s32 $0x9;
	_ =	strace $0x80000048  }
0xb4: {  	_ =	swait.ge [sflag:s29], $0x1  }
0xb5: {  	[sflag:s29] =	ssyncadd.s32 $0xFFFFFFFF  }
0xb6: {  	_ =	strace $0x90000048  }
0xb7: {  	_ =	sfence  }
0xb8: {  	s30 =	sld [smem:$0x0];
	_ =	sdelay $0x2  }
0xb9: {  	s31 =	sshll.u32 s1, $0xD;
	s1 =	sshrl.u32 s1, $0x2  }
0xba: {  	s3 =	sand.u32 $0x4000, s31;
	s1 =	sadd.s32 s1, s30  }
0xbb: {  	s0 =	sor.u32 s3, s0;
	s1 =	sshll.u32 s1, $0x11  }
0xbc: {  	s0 =	sor.u32 s1, s0  }
0xbd: {  	s0 =	sadd.s32 $0x8F2B, s0  }
0xbe: {  	[sflag:s0] =	ssyncadd.remote.s32 $0x1  }
0xbf: {  	_ =	sfence.sel $0xFFFF  }
0xc0: {  	[dreg:$0x0] =	wrdreg $0xFFFFFFFF;
	(pc) =	sbr.abs _section_cstart, $3  }
0xc1: {  	[dreg:$0x1] =	wrdreg $0xFFFFFFFF  }
0xc2: {  	_ =	task.clear_ibuf [dreg:s7], $0x2FFFF;
	_ =	strace $0x9FFFFFFF  }
0xc3: {  	(tm) =	ssettm $0x7FFFFFFF  }
tec
execute0_lowered:
.L_overlay_start_1:
0x0: {  	(tag) =	ssettag $0x1  }
0x1: {  	s5 =	rddreg [dreg:$0x0]  }
0x2: {  	s2 =	rddreg [dreg:$0x1]  }
0x3: {  	s0 =	srdreg.scid;
	s3 =	rddreg [dreg:$0x2]  }
0x4: {  	s4 =	simm.s32 $0x0;
	s13 =	simm.s32 $0x1;
	s14 =	simm.s32 $0x80  }
0x5: {  	s15 =	simm.s32 $0x2880;
	s16 =	simm.s32 $0x10;
	s17 =	simm.s32 $0x20  }
0x6: {  	s18 =	simm.s32 $0x0;
	s6 =	sand.u32 $0x1, s0;
	s0 =	stileid.u32  }
0x7: {  	[smem:$0x7FF] =	sst s4;
	s1 =	sshll.u32 s6, $0x4;
	s9 =	smul.u32 $0x500, s0  }
0x8: {  	s10 =	sshll.u32 s0, $0x4;
	s11 =	sshll.u32 s6, $0x7;
	s6 =	ssub.s32 $0x2, s6  }
0x9: {  	s12 =	smul.u32 $0xA00, s0;
	s31 =	sshll.u32 s0, $0x6;
	s7 =	sor.u32 s0, s1  }
0xa: {  	s1 =	rddreg [dreg:$0x3];
	_ =	strace $0x80000047;
	s10 =	sand.u32 $0x70, s10  }
0xb: {  	s28 =	sshrl.u32 s6, $0x1;
	s8 =	smul.u32 $0x500, s7;
	s9 =	sor.u32 s11, s9  }
0xc: {  	s10 =	sadd.s32 s10, s5;
	s7 =	sshll.u32 s7, $0x4;
	s11 =	ssub.s32 s6, s28  }
0xd: {  	s30 =	sshrl.u32 s12, $0x2;
	s9 =	sshrl.u32 s9, $0x3;
	s29 =	sand.u32 $0x180, s7  }
0xe: {  	s12 =	sadd.s32 s30, s3;
	s7 =	sor.u32 $0x1C02, s31;
	s8 =	sadd.s32 s8, s5  }
0xf: {  	s9 =	sadd.s32 s9, s5;
	s6 =	sadd.s32 s29, s10;
	s10 =	simm.s32 $0x2800  }
0x10: {  	s5 =	sadd.s32 $0x2C00, s8;
	s6 =	sadd.s32 $0x2A00, s6;
	s8 =	sadd.s32 $0xCC00, s9  }
0x11: {  	v0 =	vimm.f32 $1.000000000e+00;
	s9 =	smax.u32 s11, $0x1;
	s11 =	sshrl.u32 s12, $0x3;
	s12 =	simm.s32 $0x2  }
.LBB2_1:
0x12: {  	[tilespmem:s4], [sflag:$0x1] =	stream.linear.gather [hbm4b:s5+s4], $0x2700, $0x38;
	[tilespmem:$0x2B80] =	vst v63  }
0x13: {  	_ = 	snop  }
0x14: {  	[tilespmem:s10], [sflag:$0x1] =	stream.linear.gather [hbm4b:s6+s4], $0x80, $0x38;
	[tilespmem:$0x2B80] =	vst v63  }
0x15: {  	[spmem:s11], [sflag:s7] =	dma.local [hbm:s2], $0x50  }
0x16: {  	_ =	swait.ge [sflag:s12], $0x50  }
0x17: {  	[sflag:s12] =	ssyncset.done $0x0  }
0x18: {  	[sflag:s12] =	ssyncadd.s32 $0xFFFFFFB0  }
0x19: {  	[tilespmem:$0x2880] =	vst v0  }
0x1a: {  	[tilespmem:$0x2890] =	vst v0  }
0x1b: {  	[tilespmem:$0x28A0] =	vst v0  }
0x1c: {  	[tilespmem:$0x28B0] =	vst v0  }
0x1d: {  	[tilespmem:$0x28C0] =	vst v0  }
0x1e: {  	[tilespmem:$0x28D0] =	vst v0  }
0x1f: {  	[tilespmem:$0x28E0] =	vst v0  }
0x20: {  	[tilespmem:$0x28F0] =	vst v0  }
0x21: {  	_ =	swait.ge [sflag:s13], $0x2700  }
0x22: {  	[sflag:s13] =	ssyncset.done $0x0  }
0x23: {  	[sflag:s13] =	ssyncadd.s32 $0xFFFFD900  }
0x24: {  	_ =	swait.ge [sflag:s13], $0x80  }
0x25: {  	[sflag:s13] =	ssyncset.done $0x0  }
0x26: {  	[sflag:s13] =	ssyncadd.s32 $0xFFFFFF80  }
0x27: {  	s19 =	simm.s32 $0x0;
	[bflag:$0x0] =	sbarrier.arrive $0xFFFF  }
0x28: {  	[spmem:s3] =	stream.indirect.scatter.add.f32 [tilespmem:s15], [sflag:$0x2], $0x1, s19, s14, $0xb8;
	[tilespmem:$0x2B80] =	vst v63  }
0x29: {  	_ =	swait.ge [sflag:s12], $0x80  }
0x2a: {  	s19 =	simm.s32 $0x200;
	[sflag:s12] =	ssyncset.done $0x0  }
.LBB2_2:
0x2b: {  	s20 =	sshra.s32 s19, $0x2;
	[sflag:s12] =	ssyncadd.s32 $0xFFFFFF80;
	p0 =	sne.s32 s19, $0x9A00  }
0x2c: {  	[spmem:s3] =	stream.indirect.scatter.add.f32 [tilespmem:s15], [sflag:$0x2], $0x1, s20, s14, $0xb8;
	[tilespmem:$0x2B80] =	vst v63  }
.Ltmp0:
0x2d: {  	_ = 	snop;
	(pc) =	sbr.rel @p0 .LBB2_2-.Ltmp0, $4  }
0x2e: {  	_ = 	snop  }
0x2f: {  	s19 =	sadd.s32 $0x200, s19  }
0x30: {  	_ =	swait.ge [sflag:s12], $0x80  }
0x31: {  	[sflag:s12] =	ssyncset.done $0x0  }
0x32: {  	[sflag:s12] =	ssyncadd.s32 $0xFFFFFF80  }
0x33: {  	[spmem:s3] =	stream.indirect.scatter.add.f32 [tilespmem:s15], [sflag:$0x2], $0x1, s10, s16, $0xb8;
	[tilespmem:$0x2B80] =	vst v63  }
0x34: {  	_ =	swait.ge [sflag:s12], $0x10  }
0x35: {  	s18 =	sadd.s32 $0x1, s18;
	[sflag:s12] =	ssyncset.done $0x0  }
0x36: {  	p0 =	sne.s32 s18, s9;
	[sflag:s12] =	ssyncadd.s32 $0xFFFFFFF0  }
.Ltmp1:
0x37: {  	[bflag:$0x0] =	sbarrier.arrive $0xFFFF;
	(pc) =	sbr.rel @p0 .LBB2_1-.Ltmp1, $4  }
0x38: {  	[hbm:s8@s17], [sflag:s7] =	dma.strided [spmem:s11@s16], $0x50, s13, $0x10   }
0x39: {  	_ =	swait.ge [sflag:s12], $0x50  }
0x3a: {  	[sflag:s12] =	ssyncset.done $0x0  }
0x3b: {  	[sflag:s12] =	ssyncadd.s32 $0xFFFFFFB0  }
0x3c: {  	_ =	sfence.sel $0x180000  }
0x3d: {  	[bflag:$0x0] =	sbarrier.arrive $0xFFFF  }
0x3e: {  	p0 =	sne.s32 s0, $0x0;
	_ =	strace $0x90000047  }
0x3f: {  	s0 =	sadd.s32 @!p0 $0x100000, s1;
	[bflag:$0x2] =	sbarrier.arrive $0xFFFF  }
0x40: {  	[sflag:s0] =	ssyncadd.tile.s32 @!p0 $0x1;
	_ =	shalt  }
.Lfunc_end2:
_tile_overlayer_lowered:
.L_overlay_start_2:
0x41: {  	(tag) =	ssettag $0x2  }
0x42: {  	s0 =	rddreg [dreg:$0x0];
	s2 =	stileid.u32  }
0x43: {  	s1 =	rddreg [dreg:$0x1];
	p0 =	sne.s32 s2, $0x0  }
0x44: {  	s3 =	rddreg [dreg:$0x2];
	[bflag:$0x3] =	sbarrier.arrive $0xFFFF;
	s2 =	simm.s32 @!p0 $0x1C02  }
0x45: {  	[timem:s3], [sflag:s2] =	dma.local @!p0 [hbm:s0], s1  }
0x46: {  	s0 =	simm.s32 @!p0 $0x2  }
0x47: {  	_ =	swait.ge @!p0 [sflag:s0], s1  }
0x48: {  	s1 =	ssub.s32 @!p0 $0x0, s1;
	[sflag:s0] =	ssyncset.done @!p0 $0x0  }
0x49: {  	[sflag:s0] =	ssyncadd.s32 @!p0 s1  }
0x4a: {  	[bflag:$0x3] =	sbarrier.arrive $0xFFFF  }
0x4b: {  	_ =	shalt  }

</sc_bundles>
